<compile_context>
chip_gen: v7x
topology: tpu7x:2x2x1
jax: 0.10.2.dev20260603
libtpu: 0.0.44.dev20260713+nightly
codegen_flags: <defaults>
</compile_context>

<pallas_src>
import functools

import jax
import jax.numpy as jnp
from jax import lax
from jax.experimental import pallas as pl
from jax.experimental.pallas import tpu as pltpu
from jax.experimental.pallas import tpu_sc as plsc

_N = 10000
_E = 320000
_DIN = 128
_DHID = 128
_NCLS = 64

_NC = 2
_NS = 16
_W = _NC * _NS
_B = 128
_NCH = 79
_EPAD = _W * _B * _NCH
_NPAD = 10112
_RPT = _NPAD // _NS
_SLICES = [(t * _B, min(_B, _RPT - t * _B)) for t in range(-(-_RPT // _B))]

_ROWS = 5000
_G = _N // _ROWS


def _sc_mesh():
    return plsc.VectorSubcoreMesh(core_axis_name="c", subcore_axis_name="s")


@functools.partial(
    pl.kernel,
    mesh=_sc_mesh(),
    out_type=jax.ShapeDtypeStruct((_NC, _NPAD, _DHID), jnp.float32),
    scratch_types=[
        pltpu.VMEM((_NCH, _B), jnp.int32),
        pltpu.VMEM((_B, _DHID), jnp.float32),
        pltpu.VMEM_SHARED((_NPAD, _DHID), jnp.float32),
    ],
)
def _deg_sc(dst_hbm, zeros_hbm, ones_hbm, out_hbm, idx_v, buf_v, deg_sh):
    cid = lax.axis_index("c")
    sid = lax.axis_index("s")
    wid = cid * _NS + sid
    base = sid * _RPT
    pltpu.sync_copy(dst_hbm.at[wid], idx_v)
    pltpu.sync_copy(zeros_hbm, buf_v)
    for off, cnt in _SLICES:
        pltpu.sync_copy(buf_v.at[pl.ds(0, cnt)],
                        deg_sh.at[pl.ds(base + off, cnt)])
    pltpu.sync_copy(ones_hbm, buf_v)
    plsc.subcore_barrier()

    def body(j, carry):
        pltpu.sync_copy(buf_v, deg_sh.at[idx_v.at[j]], add=True)
        return carry

    lax.fori_loop(0, _NCH, body, 0)
    plsc.subcore_barrier()
    for off, cnt in _SLICES:
        pltpu.sync_copy(deg_sh.at[pl.ds(base + off, cnt)],
                        buf_v.at[pl.ds(0, cnt)])
        pltpu.sync_copy(buf_v.at[pl.ds(0, cnt)],
                        out_hbm.at[cid, pl.ds(base + off, cnt)])


def _make_agg_sc(d):
    @functools.partial(
        pl.kernel,
        mesh=_sc_mesh(),
        out_type=jax.ShapeDtypeStruct((_NC, _NPAD, d), jnp.float32),
        scratch_types=[
            pltpu.VMEM((_NCH, _B), jnp.int32),
            pltpu.VMEM((_NCH, _B), jnp.int32),
            pltpu.VMEM((_B, d), jnp.float32),
            pltpu.VMEM_SHARED((_NPAD, d), jnp.float32),
            pltpu.SemaphoreType.DMA,
        ],
    )
    def agg_sc(hs_hbm, src_hbm, dst_hbm, zeros_hbm, out_hbm,
               src_v, dst_v, rows_v, agg_sh, sem):
        cid = lax.axis_index("c")
        sid = lax.axis_index("s")
        wid = sid * _NC + cid
        base = sid * _RPT
        pltpu.sync_copy(src_hbm.at[wid], src_v)
        pltpu.sync_copy(dst_hbm.at[wid], dst_v)
        pltpu.sync_copy(zeros_hbm, rows_v)
        for off, cnt in _SLICES:
            pltpu.sync_copy(rows_v.at[pl.ds(0, cnt)],
                            agg_sh.at[pl.ds(base + off, cnt)])
        plsc.subcore_barrier()

        def body(j, carry):
            pltpu.async_copy(hs_hbm.at[src_v.at[j]], rows_v, sem).wait()
            pltpu.sync_copy(rows_v, agg_sh.at[dst_v.at[j]], add=True)
            return carry

        lax.fori_loop(0, _NCH, body, 0)
        plsc.subcore_barrier()
        for off, cnt in _SLICES:
            pltpu.sync_copy(agg_sh.at[pl.ds(base + off, cnt)],
                            rows_v.at[pl.ds(0, cnt)])
            pltpu.sync_copy(rows_v.at[pl.ds(0, cnt)],
                            out_hbm.at[cid, pl.ds(base + off, cnt)])

    return agg_sc


_agg_sc_hid = _make_agg_sc(_DHID)


def _dinv_block(deg_ref):
    d = deg_ref[...]
    return lax.rsqrt(d[0, :, 0:1] + d[1, :, 0:1] + 1.0)


def _tc1_body(x_ref, w_ref, deg_ref, out_ref):
    h = jnp.dot(x_ref[...], w_ref[...], preferred_element_type=jnp.float32)
    out_ref[...] = h * _dinv_block(deg_ref)


def _tc1(x, w1, deg_parts):
    return pl.pallas_call(
        _tc1_body,
        grid=(_G,),
        in_specs=[
            pl.BlockSpec((_ROWS, _DIN), lambda i: (i, 0)),
            pl.BlockSpec((_DIN, _DHID), lambda i: (0, 0)),
            pl.BlockSpec((_NC, _ROWS, _DHID), lambda i: (0, i, 0)),
        ],
        out_specs=pl.BlockSpec((_ROWS, _DHID), lambda i: (i, 0)),
        out_shape=jax.ShapeDtypeStruct((_N, _DHID), jnp.float32),
    )(x, w1, deg_parts)


def _tc2_body(agg_ref, hs1_ref, deg_ref, b1_ref, w2_ref, out_ref):
    dinv = _dinv_block(deg_ref)
    a = agg_ref[...]
    z = (a[0] + a[1] + hs1_ref[...]) * dinv + b1_ref[0:1, :]
    h1 = jnp.maximum(z, 0.0)
    out_ref[...] = (
        jnp.dot(h1, w2_ref[...], preferred_element_type=jnp.float32) * dinv
    )


def _tc2(agg1, hs1, deg_parts, b1t, w2):
    return pl.pallas_call(
        _tc2_body,
        grid=(_G,),
        in_specs=[
            pl.BlockSpec((_NC, _ROWS, _DHID), lambda i: (0, i, 0)),
            pl.BlockSpec((_ROWS, _DHID), lambda i: (i, 0)),
            pl.BlockSpec((_NC, _ROWS, _DHID), lambda i: (0, i, 0)),
            pl.BlockSpec((8, _DHID), lambda i: (0, 0)),
            pl.BlockSpec((_DHID, _DHID), lambda i: (0, 0)),
        ],
        out_specs=pl.BlockSpec((_ROWS, _DHID), lambda i: (i, 0)),
        out_shape=jax.ShapeDtypeStruct((_N, _DHID), jnp.float32),
    )(agg1, hs1, deg_parts, b1t, w2)


def _tc3_body(agg_ref, hs2_ref, deg_ref, b2_ref, out_ref):
    dinv = _dinv_block(deg_ref)
    a = agg_ref[...]
    z = (a[0, :, :_NCLS] + a[1, :, :_NCLS] + hs2_ref[:, :_NCLS]) * dinv \
        + b2_ref[0:1, :]
    m = jnp.max(z, axis=1, keepdims=True)
    e = jnp.exp(z - m)
    s = jnp.sum(e, axis=1, keepdims=True)
    out_ref[...] = z - m - jnp.log(s)


def _tc3(agg2, hs2, deg_parts, b2t):
    return pl.pallas_call(
        _tc3_body,
        grid=(_G,),
        in_specs=[
            pl.BlockSpec((_NC, _ROWS, _DHID), lambda i: (0, i, 0)),
            pl.BlockSpec((_ROWS, _DHID), lambda i: (i, 0)),
            pl.BlockSpec((_NC, _ROWS, _DHID), lambda i: (0, i, 0)),
            pl.BlockSpec((8, _NCLS), lambda i: (0, 0)),
        ],
        out_specs=pl.BlockSpec((_ROWS, _NCLS), lambda i: (i, 0)),
        out_shape=jax.ShapeDtypeStruct((_N, _NCLS), jnp.float32),
    )(agg2, hs2, deg_parts, b2t)


def kernel(x, edge_index, W1, b1, W2, b2):
    npad = _EPAD - _E
    src = jnp.concatenate(
        [edge_index[0], jnp.zeros((npad,), jnp.int32)]).reshape(_W, _NCH, _B)
    dst = jnp.concatenate(
        [edge_index[1],
         _N + (jnp.arange(npad, dtype=jnp.int32) % 16)]).reshape(_W, _NCH, _B)

    zhid = jnp.zeros((_B, _DHID), jnp.float32)
    ohid = jnp.ones((_B, _DHID), jnp.float32)
    b1t = jnp.tile(b1[None, :], (8, 1))
    b2t = jnp.tile(b2[None, :], (8, 1))
    w2p = jnp.pad(W2, ((0, 0), (0, _DHID - _NCLS)))

    deg_parts = _deg_sc(dst, zhid, ohid)
    hs1 = _tc1(x, W1, deg_parts)
    agg1 = _agg_sc_hid(hs1, src, dst, zhid)
    hs2 = _tc2(agg1, hs1, deg_parts, b1t, w2p)
    agg2 = _agg_sc_hid(hs2, src, dst, zhid)
    return _tc3(agg2, hs2, deg_parts, b2t)

# --- scband reference (transcript-rebuilt; emitter-appended) ---
"""Pipeline reference for scband-gcn-10943576670375 (READ-ONLY COPY).

The authoritative reference and input builder live on the scoring server;
editing this copy changes nothing except your own understanding.
"""

import jax, jax.numpy as jnp
import numpy as np

N = 10000
E = 320000
D_IN = 128
D_HID = 128
N_CLS = 64


def gcn_conv(x, edge_index, W, b):
    # PyG GCNConv: add self-loops, symmetric normalization D^-1/2 (A+I) D^-1/2, linear, bias
    n = x.shape[0]
    loop = jnp.arange(n, dtype=edge_index.dtype)
    src = jnp.concatenate([edge_index[0], loop])
    dst = jnp.concatenate([edge_index[1], loop])
    h = x @ W
    deg = jnp.zeros((n,), dtype=x.dtype).at[dst].add(1.0)
    dinv = jnp.where(deg > 0, jax.lax.rsqrt(deg), 0.0)
    norm = dinv[src] * dinv[dst]
    msg = h[src] * norm[:, None]
    out = jnp.zeros((n, h.shape[1]), dtype=x.dtype).at[dst].add(msg)
    return out + b


def setup_inputs(seed: int = 0) -> dict:
    key = jax.random.key(seed)
    k1, k2, k3, k4, k5, k6 = jax.random.split(key, 6)
    x = jax.random.normal(k1, (N, D_IN), dtype=jnp.float32)
    edge_index = jax.random.randint(k2, (2, E), 0, N, dtype=jnp.int32)
    s1 = (2.0 / (D_IN + D_HID)) ** 0.5
    s2 = (2.0 / (D_HID + N_CLS)) ** 0.5
    W1 = jax.random.normal(k3, (D_IN, D_HID), dtype=jnp.float32) * s1
    b1 = jnp.zeros((D_HID,), dtype=jnp.float32)
    W2 = jax.random.normal(k4, (D_HID, N_CLS), dtype=jnp.float32) * s2
    b2 = jnp.zeros((N_CLS,), dtype=jnp.float32)
    return {"x": x, "edge_index": edge_index, "W1": W1, "b1": b1, "W2": W2, "b2": b2}


def reference(x, edge_index, W1, b1, W2, b2):
    h = gcn_conv(x, edge_index, W1, b1)
    h = jax.nn.relu(h)
    # dropout p=0.5 is identity in eval mode (deterministic reference)
    h = gcn_conv(h, edge_index, W2, b2)
    return jax.nn.log_softmax(h, axis=1)

if __name__ == "__main__":
    import jax
    _d = setup_inputs()
    print(jax.jit(kernel)(*tuple(_d.values())))

</pallas_src>

<mosaic_0001>
#map = affine_map<(d0, d1) -> (0, 0)>
#map1 = affine_map<(d0, d1) -> (0, 0, 0)>
module attributes {stable_mosaic.version = 14 : i64} {
  func.func @agg_sc(%arg0: i32, %arg1: i32, %arg2: memref<10000x128xf32, #tpu.memory_space<hbm>>, %arg3: memref<32x79x128xi32, #tpu.memory_space<hbm>>, %arg4: memref<32x79x128xi32, #tpu.memory_space<hbm>>, %arg5: memref<128x128xf32, #tpu.memory_space<hbm>>, %arg6: memref<2x10112x128xf32, #tpu.memory_space<hbm>>, %arg7: memref<79x128xi32, #tpu.memory_space<vmem>>, %arg8: memref<79x128xi32, #tpu.memory_space<vmem>>, %arg9: memref<128x128xf32, #tpu.memory_space<vmem>>, %arg10: memref<10112x128xf32, #tpu.memory_space<vmem_shared>>, %arg11: memref<!tpu.dma_semaphore, #tpu.memory_space<semaphore_mem>>) attributes {dimension_semantics = [#tpu.dimension_semantics<core_parallel>, #tpu.dimension_semantics<subcore_parallel>], iteration_bounds = array<i64: 2, 16>, scalar_prefetch = 0 : i64, scratch_operands = 5 : i64, tpu.core_type = #tpu.core_type<sc_vector_subcore>, window_params = [{transform_indices = #map}, {transform_indices = #map1}, {transform_indices = #map1}, {transform_indices = #map}, {transform_indices = #map1}]} {
    %mul3A = arith.constant 2 : i32
    %mul3A_0 = arith.muli %arg1, %mul3A : i32
    %add3A = arith.addi %mul3A_0, %arg0 : i32
    %mul3A_1 = arith.constant 632 : i32
    %mul3A_2 = arith.muli %arg1, %mul3A_1 : i32
    "tpu.region"() ({
      %run_scoped3A = tpu.sem_alloc : memref<!tpu.dma_semaphore, #tpu.memory_space<semaphore_mem>>
      %dma_start3A = arith.constant 0 : i32
      %dma_start3A_39 = arith.constant 0 : i32
      %dma_start3A_40 = tpu.memref_slice %arg3[%add3A, %dma_start3A, %dma_start3A_39] : memref<32x79x128xi32, #tpu.memory_space<hbm>> -> memref<1x79x128xi32, #tpu.memory_space<hbm>>
      %dma_start3A_41 = tpu.memref_squeeze %dma_start3A_40 : memref<1x79x128xi32, #tpu.memory_space<hbm>> -> memref<79x128xi32, #tpu.memory_space<hbm>>
      %dma_start3A_42 = arith.constant 0 : i32
      %dma_start3A_43 = arith.constant 0 : i32
      %dma_start3A_44 = tpu.memref_slice %arg3[%add3A, %dma_start3A_42, %dma_start3A_43] : memref<32x79x128xi32, #tpu.memory_space<hbm>> -> memref<1x79x128xi32, #tpu.memory_space<hbm>>
      %dma_start3A_45 = tpu.memref_squeeze %dma_start3A_44 : memref<1x79x128xi32, #tpu.memory_space<hbm>> -> memref<79x128xi32, #tpu.memory_space<hbm>>
      tpu.enqueue_dma source(%dma_start3A_45 : memref<79x128xi32, #tpu.memory_space<hbm>>) target(%arg7 : memref<79x128xi32, #tpu.memory_space<vmem>>) target_semaphore(%run_scoped3A : memref<!tpu.dma_semaphore, #tpu.memory_space<semaphore_mem>>)
      %dma_wait3A = arith.constant 0 : i32
      %dma_wait3A_46 = arith.constant 0 : i32
      %dma_wait3A_47 = tpu.memref_slice %arg3[%add3A, %dma_wait3A, %dma_wait3A_46] : memref<32x79x128xi32, #tpu.memory_space<hbm>> -> memref<1x79x128xi32, #tpu.memory_space<hbm>>
      %dma_wait3A_48 = tpu.memref_squeeze %dma_wait3A_47 : memref<1x79x128xi32, #tpu.memory_space<hbm>> -> memref<79x128xi32, #tpu.memory_space<hbm>>
      %dma_wait3A_49 = arith.constant 0 : i32
      %dma_wait3A_50 = arith.constant 0 : i32
      %dma_wait3A_51 = tpu.memref_slice %arg3[%add3A, %dma_wait3A_49, %dma_wait3A_50] : memref<32x79x128xi32, #tpu.memory_space<hbm>> -> memref<1x79x128xi32, #tpu.memory_space<hbm>>
      %dma_wait3A_52 = tpu.memref_squeeze %dma_wait3A_51 : memref<1x79x128xi32, #tpu.memory_space<hbm>> -> memref<79x128xi32, #tpu.memory_space<hbm>>
      tpu.wait_dma2 semaphore(%run_scoped3A : memref<!tpu.dma_semaphore, #tpu.memory_space<semaphore_mem>>) src(%dma_wait3A_52 : memref<79x128xi32, #tpu.memory_space<hbm>>) dst(%arg7 : memref<79x128xi32, #tpu.memory_space<vmem>>)
      tpu.yield
    }) : () -> ()
    "tpu.region"() ({
      %run_scoped3A = tpu.sem_alloc : memref<!tpu.dma_semaphore, #tpu.memory_space<semaphore_mem>>
      %dma_start3A = arith.constant 0 : i32
      %dma_start3A_39 = arith.constant 0 : i32
      %dma_start3A_40 = tpu.memref_slice %arg4[%add3A, %dma_start3A, %dma_start3A_39] : memref<32x79x128xi32, #tpu.memory_space<hbm>> -> memref<1x79x128xi32, #tpu.memory_space<hbm>>
      %dma_start3A_41 = tpu.memref_squeeze %dma_start3A_40 : memref<1x79x128xi32, #tpu.memory_space<hbm>> -> memref<79x128xi32, #tpu.memory_space<hbm>>
      %dma_start3A_42 = arith.constant 0 : i32
      %dma_start3A_43 = arith.constant 0 : i32
      %dma_start3A_44 = tpu.memref_slice %arg4[%add3A, %dma_start3A_42, %dma_start3A_43] : memref<32x79x128xi32, #tpu.memory_space<hbm>> -> memref<1x79x128xi32, #tpu.memory_space<hbm>>
      %dma_start3A_45 = tpu.memref_squeeze %dma_start3A_44 : memref<1x79x128xi32, #tpu.memory_space<hbm>> -> memref<79x128xi32, #tpu.memory_space<hbm>>
      tpu.enqueue_dma source(%dma_start3A_45 : memref<79x128xi32, #tpu.memory_space<hbm>>) target(%arg8 : memref<79x128xi32, #tpu.memory_space<vmem>>) target_semaphore(%run_scoped3A : memref<!tpu.dma_semaphore, #tpu.memory_space<semaphore_mem>>)
      %dma_wait3A = arith.constant 0 : i32
      %dma_wait3A_46 = arith.constant 0 : i32
      %dma_wait3A_47 = tpu.memref_slice %arg4[%add3A, %dma_wait3A, %dma_wait3A_46] : memref<32x79x128xi32, #tpu.memory_space<hbm>> -> memref<1x79x128xi32, #tpu.memory_space<hbm>>
      %dma_wait3A_48 = tpu.memref_squeeze %dma_wait3A_47 : memref<1x79x128xi32, #tpu.memory_space<hbm>> -> memref<79x128xi32, #tpu.memory_space<hbm>>
      %dma_wait3A_49 = arith.constant 0 : i32
      %dma_wait3A_50 = arith.constant 0 : i32
      %dma_wait3A_51 = tpu.memref_slice %arg4[%add3A, %dma_wait3A_49, %dma_wait3A_50] : memref<32x79x128xi32, #tpu.memory_space<hbm>> -> memref<1x79x128xi32, #tpu.memory_space<hbm>>
      %dma_wait3A_52 = tpu.memref_squeeze %dma_wait3A_51 : memref<1x79x128xi32, #tpu.memory_space<hbm>> -> memref<79x128xi32, #tpu.memory_space<hbm>>
      tpu.wait_dma2 semaphore(%run_scoped3A : memref<!tpu.dma_semaphore, #tpu.memory_space<semaphore_mem>>) src(%dma_wait3A_52 : memref<79x128xi32, #tpu.memory_space<hbm>>) dst(%arg8 : memref<79x128xi32, #tpu.memory_space<vmem>>)
      tpu.yield
    }) : () -> ()
    "tpu.region"() ({
      %run_scoped3A = tpu.sem_alloc : memref<!tpu.dma_semaphore, #tpu.memory_space<semaphore_mem>>
      tpu.enqueue_dma source(%arg5 : memref<128x128xf32, #tpu.memory_space<hbm>>) target(%arg9 : memref<128x128xf32, #tpu.memory_space<vmem>>) target_semaphore(%run_scoped3A : memref<!tpu.dma_semaphore, #tpu.memory_space<semaphore_mem>>)
      tpu.wait_dma2 semaphore(%run_scoped3A : memref<!tpu.dma_semaphore, #tpu.memory_space<semaphore_mem>>) src(%arg5 : memref<128x128xf32, #tpu.memory_space<hbm>>) dst(%arg9 : memref<128x128xf32, #tpu.memory_space<vmem>>)
      tpu.yield
    }) : () -> ()
    %add3A_3 = arith.constant 0 : i32
    %add3A_4 = arith.addi %mul3A_2, %add3A_3 : i32
    "tpu.region"() ({
      %run_scoped3A = tpu.sem_alloc : memref<!tpu.dma_semaphore, #tpu.memory_space<semaphore_mem>>
      %dma_start3A = arith.constant 0 : i32
      %dma_start3A_39 = arith.constant 0 : i32
      %dma_start3A_40 = tpu.memref_slice %arg9[%dma_start3A, %dma_start3A_39] : memref<128x128xf32, #tpu.memory_space<vmem>> -> memref<128x128xf32, #tpu.memory_space<vmem>>
      %dma_start3A_41 = arith.constant 0 : i32
      %dma_start3A_42 = tpu.memref_slice %arg10[%add3A_4, %dma_start3A_41] : memref<10112x128xf32, #tpu.memory_space<vmem_shared>> -> memref<128x128xf32, #tpu.memory_space<vmem_shared>>
      %dma_start3A_43 = arith.constant 0 : i32
      %dma_start3A_44 = tpu.memref_slice %arg10[%add3A_4, %dma_start3A_43] : memref<10112x128xf32, #tpu.memory_space<vmem_shared>> -> memref<128x128xf32, #tpu.memory_space<vmem_shared>>
      %dma_start3A_45 = arith.constant 0 : i32
      %dma_start3A_46 = arith.constant 0 : i32
      %dma_start3A_47 = tpu.memref_slice %arg9[%dma_start3A_45, %dma_start3A_46] : memref<128x128xf32, #tpu.memory_space<vmem>> -> memref<128x128xf32, #tpu.memory_space<vmem>>
      tpu.enqueue_dma source(%dma_start3A_47 : memref<128x128xf32, #tpu.memory_space<vmem>>) target(%dma_start3A_44 : memref<128x128xf32, #tpu.memory_space<vmem_shared>>) target_semaphore(%run_scoped3A : memref<!tpu.dma_semaphore, #tpu.memory_space<semaphore_mem>>)
      %dma_wait3A = arith.constant 0 : i32
      %dma_wait3A_48 = arith.constant 0 : i32
      %dma_wait3A_49 = tpu.memref_slice %arg9[%dma_wait3A, %dma_wait3A_48] : memref<128x128xf32, #tpu.memory_space<vmem>> -> memref<128x128xf32, #tpu.memory_space<vmem>>
      %dma_wait3A_50 = arith.constant 0 : i32
      %dma_wait3A_51 = tpu.memref_slice %arg10[%add3A_4, %dma_wait3A_50] : memref<10112x128xf32, #tpu.memory_space<vmem_shared>> -> memref<128x128xf32, #tpu.memory_space<vmem_shared>>
      %dma_wait3A_52 = arith.constant 0 : i32
      %dma_wait3A_53 = tpu.memref_slice %arg10[%add3A_4, %dma_wait3A_52] : memref<10112x128xf32, #tpu.memory_space<vmem_shared>> -> memref<128x128xf32, #tpu.memory_space<vmem_shared>>
      %dma_wait3A_54 = arith.constant 0 : i32
      %dma_wait3A_55 = arith.constant 0 : i32
      %dma_wait3A_56 = tpu.memref_slice %arg9[%dma_wait3A_54, %dma_wait3A_55] : memref<128x128xf32, #tpu.memory_space<vmem>> -> memref<128x128xf32, #tpu.memory_space<vmem>>
      tpu.wait_dma2 semaphore(%run_scoped3A : memref<!tpu.dma_semaphore, #tpu.memory_space<semaphore_mem>>) src(%dma_wait3A_56 : memref<128x128xf32, #tpu.memory_space<vmem>>) dst(%dma_wait3A_53 : memref<128x128xf32, #tpu.memory_space<vmem_shared>>)
      tpu.yield
    }) : () -> ()
    %add3A_5 = arith.constant 128 : i32
    %add3A_6 = arith.addi %mul3A_2, %add3A_5 : i32
    "tpu.region"() ({
      %run_scoped3A = tpu.sem_alloc : memref<!tpu.dma_semaphore, #tpu.memory_space<semaphore_mem>>
      %dma_start3A = arith.constant 0 : i32
      %dma_start3A_39 = arith.constant 0 : i32
      %dma_start3A_40 = tpu.memref_slice %arg9[%dma_start3A, %dma_start3A_39] : memref<128x128xf32, #tpu.memory_space<vmem>> -> memref<128x128xf32, #tpu.memory_space<vmem>>
      %dma_start3A_41 = arith.constant 0 : i32
      %dma_start3A_42 = tpu.memref_slice %arg10[%add3A_6, %dma_start3A_41] : memref<10112x128xf32, #tpu.memory_space<vmem_shared>> -> memref<128x128xf32, #tpu.memory_space<vmem_shared>>
      %dma_start3A_43 = arith.constant 0 : i32
      %dma_start3A_44 = tpu.memref_slice %arg10[%add3A_6, %dma_start3A_43] : memref<10112x128xf32, #tpu.memory_space<vmem_shared>> -> memref<128x128xf32, #tpu.memory_space<vmem_shared>>
      %dma_start3A_45 = arith.constant 0 : i32
      %dma_start3A_46 = arith.constant 0 : i32
      %dma_start3A_47 = tpu.memref_slice %arg9[%dma_start3A_45, %dma_start3A_46] : memref<128x128xf32, #tpu.memory_space<vmem>> -> memref<128x128xf32, #tpu.memory_space<vmem>>
      tpu.enqueue_dma source(%dma_start3A_47 : memref<128x128xf32, #tpu.memory_space<vmem>>) target(%dma_start3A_44 : memref<128x128xf32, #tpu.memory_space<vmem_shared>>) target_semaphore(%run_scoped3A : memref<!tpu.dma_semaphore, #tpu.memory_space<semaphore_mem>>)
      %dma_wait3A = arith.constant 0 : i32
      %dma_wait3A_48 = arith.constant 0 : i32
      %dma_wait3A_49 = tpu.memref_slice %arg9[%dma_wait3A, %dma_wait3A_48] : memref<128x128xf32, #tpu.memory_space<vmem>> -> memref<128x128xf32, #tpu.memory_space<vmem>>
      %dma_wait3A_50 = arith.constant 0 : i32
      %dma_wait3A_51 = tpu.memref_slice %arg10[%add3A_6, %dma_wait3A_50] : memref<10112x128xf32, #tpu.memory_space<vmem_shared>> -> memref<128x128xf32, #tpu.memory_space<vmem_shared>>
      %dma_wait3A_52 = arith.constant 0 : i32
      %dma_wait3A_53 = tpu.memref_slice %arg10[%add3A_6, %dma_wait3A_52] : memref<10112x128xf32, #tpu.memory_space<vmem_shared>> -> memref<128x128xf32, #tpu.memory_space<vmem_shared>>
      %dma_wait3A_54 = arith.constant 0 : i32
      %dma_wait3A_55 = arith.constant 0 : i32
      %dma_wait3A_56 = tpu.memref_slice %arg9[%dma_wait3A_54, %dma_wait3A_55] : memref<128x128xf32, #tpu.memory_space<vmem>> -> memref<128x128xf32, #tpu.memory_space<vmem>>
      tpu.wait_dma2 semaphore(%run_scoped3A : memref<!tpu.dma_semaphore, #tpu.memory_space<semaphore_mem>>) src(%dma_wait3A_56 : memref<128x128xf32, #tpu.memory_space<vmem>>) dst(%dma_wait3A_53 : memref<128x128xf32, #tpu.memory_space<vmem_shared>>)
      tpu.yield
    }) : () -> ()
    %add3A_7 = arith.constant 256 : i32
    %add3A_8 = arith.addi %mul3A_2, %add3A_7 : i32
    "tpu.region"() ({
      %run_scoped3A = tpu.sem_alloc : memref<!tpu.dma_semaphore, #tpu.memory_space<semaphore_mem>>
      %dma_start3A = arith.constant 0 : i32
      %dma_start3A_39 = arith.constant 0 : i32
      %dma_start3A_40 = tpu.memref_slice %arg9[%dma_start3A, %dma_start3A_39] : memref<128x128xf32, #tpu.memory_space<vmem>> -> memref<128x128xf32, #tpu.memory_space<vmem>>
      %dma_start3A_41 = arith.constant 0 : i32
      %dma_start3A_42 = tpu.memref_slice %arg10[%add3A_8, %dma_start3A_41] : memref<10112x128xf32, #tpu.memory_space<vmem_shared>> -> memref<128x128xf32, #tpu.memory_space<vmem_shared>>
      %dma_start3A_43 = arith.constant 0 : i32
      %dma_start3A_44 = tpu.memref_slice %arg10[%add3A_8, %dma_start3A_43] : memref<10112x128xf32, #tpu.memory_space<vmem_shared>> -> memref<128x128xf32, #tpu.memory_space<vmem_shared>>
      %dma_start3A_45 = arith.constant 0 : i32
      %dma_start3A_46 = arith.constant 0 : i32
      %dma_start3A_47 = tpu.memref_slice %arg9[%dma_start3A_45, %dma_start3A_46] : memref<128x128xf32, #tpu.memory_space<vmem>> -> memref<128x128xf32, #tpu.memory_space<vmem>>
      tpu.enqueue_dma source(%dma_start3A_47 : memref<128x128xf32, #tpu.memory_space<vmem>>) target(%dma_start3A_44 : memref<128x128xf32, #tpu.memory_space<vmem_shared>>) target_semaphore(%run_scoped3A : memref<!tpu.dma_semaphore, #tpu.memory_space<semaphore_mem>>)
      %dma_wait3A = arith.constant 0 : i32
      %dma_wait3A_48 = arith.constant 0 : i32
      %dma_wait3A_49 = tpu.memref_slice %arg9[%dma_wait3A, %dma_wait3A_48] : memref<128x128xf32, #tpu.memory_space<vmem>> -> memref<128x128xf32, #tpu.memory_space<vmem>>
      %dma_wait3A_50 = arith.constant 0 : i32
      %dma_wait3A_51 = tpu.memref_slice %arg10[%add3A_8, %dma_wait3A_50] : memref<10112x128xf32, #tpu.memory_space<vmem_shared>> -> memref<128x128xf32, #tpu.memory_space<vmem_shared>>
      %dma_wait3A_52 = arith.constant 0 : i32
      %dma_wait3A_53 = tpu.memref_slice %arg10[%add3A_8, %dma_wait3A_52] : memref<10112x128xf32, #tpu.memory_space<vmem_shared>> -> memref<128x128xf32, #tpu.memory_space<vmem_shared>>
      %dma_wait3A_54 = arith.constant 0 : i32
      %dma_wait3A_55 = arith.constant 0 : i32
      %dma_wait3A_56 = tpu.memref_slice %arg9[%dma_wait3A_54, %dma_wait3A_55] : memref<128x128xf32, #tpu.memory_space<vmem>> -> memref<128x128xf32, #tpu.memory_space<vmem>>
      tpu.wait_dma2 semaphore(%run_scoped3A : memref<!tpu.dma_semaphore, #tpu.memory_space<semaphore_mem>>) src(%dma_wait3A_56 : memref<128x128xf32, #tpu.memory_space<vmem>>) dst(%dma_wait3A_53 : memref<128x128xf32, #tpu.memory_space<vmem_shared>>)
      tpu.yield
    }) : () -> ()
    %add3A_9 = arith.constant 384 : i32
    %add3A_10 = arith.addi %mul3A_2, %add3A_9 : i32
    "tpu.region"() ({
      %run_scoped3A = tpu.sem_alloc : memref<!tpu.dma_semaphore, #tpu.memory_space<semaphore_mem>>
      %dma_start3A = arith.constant 0 : i32
      %dma_start3A_39 = arith.constant 0 : i32
      %dma_start3A_40 = tpu.memref_slice %arg9[%dma_start3A, %dma_start3A_39] : memref<128x128xf32, #tpu.memory_space<vmem>> -> memref<128x128xf32, #tpu.memory_space<vmem>>
      %dma_start3A_41 = arith.constant 0 : i32
      %dma_start3A_42 = tpu.memref_slice %arg10[%add3A_10, %dma_start3A_41] : memref<10112x128xf32, #tpu.memory_space<vmem_shared>> -> memref<128x128xf32, #tpu.memory_space<vmem_shared>>
      %dma_start3A_43 = arith.constant 0 : i32
      %dma_start3A_44 = tpu.memref_slice %arg10[%add3A_10, %dma_start3A_43] : memref<10112x128xf32, #tpu.memory_space<vmem_shared>> -> memref<128x128xf32, #tpu.memory_space<vmem_shared>>
      %dma_start3A_45 = arith.constant 0 : i32
      %dma_start3A_46 = arith.constant 0 : i32
      %dma_start3A_47 = tpu.memref_slice %arg9[%dma_start3A_45, %dma_start3A_46] : memref<128x128xf32, #tpu.memory_space<vmem>> -> memref<128x128xf32, #tpu.memory_space<vmem>>
      tpu.enqueue_dma source(%dma_start3A_47 : memref<128x128xf32, #tpu.memory_space<vmem>>) target(%dma_start3A_44 : memref<128x128xf32, #tpu.memory_space<vmem_shared>>) target_semaphore(%run_scoped3A : memref<!tpu.dma_semaphore, #tpu.memory_space<semaphore_mem>>)
      %dma_wait3A = arith.constant 0 : i32
      %dma_wait3A_48 = arith.constant 0 : i32
      %dma_wait3A_49 = tpu.memref_slice %arg9[%dma_wait3A, %dma_wait3A_48] : memref<128x128xf32, #tpu.memory_space<vmem>> -> memref<128x128xf32, #tpu.memory_space<vmem>>
      %dma_wait3A_50 = arith.constant 0 : i32
      %dma_wait3A_51 = tpu.memref_slice %arg10[%add3A_10, %dma_wait3A_50] : memref<10112x128xf32, #tpu.memory_space<vmem_shared>> -> memref<128x128xf32, #tpu.memory_space<vmem_shared>>
      %dma_wait3A_52 = arith.constant 0 : i32
      %dma_wait3A_53 = tpu.memref_slice %arg10[%add3A_10, %dma_wait3A_52] : memref<10112x128xf32, #tpu.memory_space<vmem_shared>> -> memref<128x128xf32, #tpu.memory_space<vmem_shared>>
      %dma_wait3A_54 = arith.constant 0 : i32
      %dma_wait3A_55 = arith.constant 0 : i32
      %dma_wait3A_56 = tpu.memref_slice %arg9[%dma_wait3A_54, %dma_wait3A_55] : memref<128x128xf32, #tpu.memory_space<vmem>> -> memref<128x128xf32, #tpu.memory_space<vmem>>
      tpu.wait_dma2 semaphore(%run_scoped3A : memref<!tpu.dma_semaphore, #tpu.memory_space<semaphore_mem>>) src(%dma_wait3A_56 : memref<128x128xf32, #tpu.memory_space<vmem>>) dst(%dma_wait3A_53 : memref<128x128xf32, #tpu.memory_space<vmem_shared>>)
      tpu.yield
    }) : () -> ()
    %add3A_11 = arith.constant 512 : i32
    %add3A_12 = arith.addi %mul3A_2, %add3A_11 : i32
    "tpu.region"() ({
      %run_scoped3A = tpu.sem_alloc : memref<!tpu.dma_semaphore, #tpu.memory_space<semaphore_mem>>
      %dma_start3A = arith.constant 0 : i32
      %dma_start3A_39 = arith.constant 0 : i32
      %dma_start3A_40 = tpu.memref_slice %arg9[%dma_start3A, %dma_start3A_39] : memref<128x128xf32, #tpu.memory_space<vmem>> -> memref<120x128xf32, #tpu.memory_space<vmem>>
      %dma_start3A_41 = arith.constant 0 : i32
      %dma_start3A_42 = tpu.memref_slice %arg10[%add3A_12, %dma_start3A_41] : memref<10112x128xf32, #tpu.memory_space<vmem_shared>> -> memref<120x128xf32, #tpu.memory_space<vmem_shared>>
      %dma_start3A_43 = arith.constant 0 : i32
      %dma_start3A_44 = tpu.memref_slice %arg10[%add3A_12, %dma_start3A_43] : memref<10112x128xf32, #tpu.memory_space<vmem_shared>> -> memref<120x128xf32, #tpu.memory_space<vmem_shared>>
      %dma_start3A_45 = arith.constant 0 : i32
      %dma_start3A_46 = arith.constant 0 : i32
      %dma_start3A_47 = tpu.memref_slice %arg9[%dma_start3A_45, %dma_start3A_46] : memref<128x128xf32, #tpu.memory_space<vmem>> -> memref<120x128xf32, #tpu.memory_space<vmem>>
      tpu.enqueue_dma source(%dma_start3A_47 : memref<120x128xf32, #tpu.memory_space<vmem>>) target(%dma_start3A_44 : memref<120x128xf32, #tpu.memory_space<vmem_shared>>) target_semaphore(%run_scoped3A : memref<!tpu.dma_semaphore, #tpu.memory_space<semaphore_mem>>)
      %dma_wait3A = arith.constant 0 : i32
      %dma_wait3A_48 = arith.constant 0 : i32
      %dma_wait3A_49 = tpu.memref_slice %arg9[%dma_wait3A, %dma_wait3A_48] : memref<128x128xf32, #tpu.memory_space<vmem>> -> memref<120x128xf32, #tpu.memory_space<vmem>>
      %dma_wait3A_50 = arith.constant 0 : i32
      %dma_wait3A_51 = tpu.memref_slice %arg10[%add3A_12, %dma_wait3A_50] : memref<10112x128xf32, #tpu.memory_space<vmem_shared>> -> memref<120x128xf32, #tpu.memory_space<vmem_shared>>
      %dma_wait3A_52 = arith.constant 0 : i32
      %dma_wait3A_53 = tpu.memref_slice %arg10[%add3A_12, %dma_wait3A_52] : memref<10112x128xf32, #tpu.memory_space<vmem_shared>> -> memref<120x128xf32, #tpu.memory_space<vmem_shared>>
      %dma_wait3A_54 = arith.constant 0 : i32
      %dma_wait3A_55 = arith.constant 0 : i32
      %dma_wait3A_56 = tpu.memref_slice %arg9[%dma_wait3A_54, %dma_wait3A_55] : memref<128x128xf32, #tpu.memory_space<vmem>> -> memref<120x128xf32, #tpu.memory_space<vmem>>
      tpu.wait_dma2 semaphore(%run_scoped3A : memref<!tpu.dma_semaphore, #tpu.memory_space<semaphore_mem>>) src(%dma_wait3A_56 : memref<120x128xf32, #tpu.memory_space<vmem>>) dst(%dma_wait3A_53 : memref<120x128xf32, #tpu.memory_space<vmem_shared>>)
      tpu.yield
    }) : () -> ()
    %barrier3A = arith.constant 0 : index
    tpu.barrier barrier_id(%barrier3A)
    %scan3A = arith.constant 0 : i32
    %scan3A_13 = arith.constant 0 : i32
    %scan3A_14 = arith.constant 79 : i32
    %scan3A_15 = arith.addi %scan3A_13, %scan3A_14 : i32
    %scan3A_16 = arith.constant 1 : i32
    scf.for %scan3A_39 = %scan3A_13 to %scan3A_15 step %scan3A_16  : i32 {
      %dma_start3A = arith.constant 0 : i32
      %dma_start3A_40 = tpu.memref_slice %arg7[%scan3A_39, %dma_start3A] : memref<79x128xi32, #tpu.memory_space<vmem>> -> memref<1x128xi32, #tpu.memory_space<vmem>>
      %dma_start3A_41 = tpu.memref_squeeze %dma_start3A_40 : memref<1x128xi32, #tpu.memory_space<vmem>> -> memref<128xi32, #tpu.memory_space<vmem>>
      %dma_start3A_42 = arith.constant 0 : i32
      %dma_start3A_43 = arith.constant 0 : i32
      %dma_start3A_44 = tpu.memref_slice %arg2[%dma_start3A_42, %dma_start3A_43] : memref<10000x128xf32, #tpu.memory_space<hbm>> -> memref<10000x128xf32, #tpu.memory_space<hbm>>
      tpu.enqueue_indirect_dma source(%dma_start3A_44 : memref<10000x128xf32, #tpu.memory_space<hbm>>) target(%arg9 : memref<128x128xf32, #tpu.memory_space<vmem>>) offsets(%dma_start3A_41 : memref<128xi32, #tpu.memory_space<vmem>>) semaphore(%arg11 : memref<!tpu.dma_semaphore, #tpu.memory_space<semaphore_mem>>)
      %dma_wait3A = arith.constant 0 : i32
      %dma_wait3A_45 = tpu.memref_slice %arg7[%scan3A_39, %dma_wait3A] : memref<79x128xi32, #tpu.memory_space<vmem>> -> memref<1x128xi32, #tpu.memory_space<vmem>>
      %dma_wait3A_46 = tpu.memref_squeeze %dma_wait3A_45 : memref<1x128xi32, #tpu.memory_space<vmem>> -> memref<128xi32, #tpu.memory_space<vmem>>
      %dma_wait3A_47 = arith.constant 0 : i32
      %dma_wait3A_48 = arith.constant 0 : i32
      %dma_wait3A_49 = tpu.memref_slice %arg2[%dma_wait3A_47, %dma_wait3A_48] : memref<10000x128xf32, #tpu.memory_space<hbm>> -> memref<10000x128xf32, #tpu.memory_space<hbm>>
      tpu.wait_indirect_dma semaphore(%arg11 : memref<!tpu.dma_semaphore, #tpu.memory_space<semaphore_mem>>) src(%dma_wait3A_49 : memref<10000x128xf32, #tpu.memory_space<hbm>>) dst(%arg9 : memref<128x128xf32, #tpu.memory_space<vmem>>)
      "tpu.region"() ({
        %run_scoped3A = tpu.sem_alloc : memref<!tpu.dma_semaphore, #tpu.memory_space<semaphore_mem>>
        %dma_start3A_50 = arith.constant 0 : i32
        %dma_start3A_51 = tpu.memref_slice %arg8[%scan3A_39, %dma_start3A_50] : memref<79x128xi32, #tpu.memory_space<vmem>> -> memref<1x128xi32, #tpu.memory_space<vmem>>
        %dma_start3A_52 = tpu.memref_squeeze %dma_start3A_51 : memref<1x128xi32, #tpu.memory_space<vmem>> -> memref<128xi32, #tpu.memory_space<vmem>>
        %dma_start3A_53 = arith.constant 0 : i32
        %dma_start3A_54 = arith.constant 0 : i32
        %dma_start3A_55 = tpu.memref_slice %arg10[%dma_start3A_53, %dma_start3A_54] : memref<10112x128xf32, #tpu.memory_space<vmem_shared>> -> memref<10112x128xf32, #tpu.memory_space<vmem_shared>>
        tpu.enqueue_indirect_dma source(%arg9 : memref<128x128xf32, #tpu.memory_space<vmem>>) target(%dma_start3A_55 : memref<10112x128xf32, #tpu.memory_space<vmem_shared>>) offsets(%dma_start3A_52 : memref<128xi32, #tpu.memory_space<vmem>>) semaphore(%run_scoped3A : memref<!tpu.dma_semaphore, #tpu.memory_space<semaphore_mem>>) {add = true}
        %dma_wait3A_56 = arith.constant 0 : i32
        %dma_wait3A_57 = tpu.memref_slice %arg8[%scan3A_39, %dma_wait3A_56] : memref<79x128xi32, #tpu.memory_space<vmem>> -> memref<1x128xi32, #tpu.memory_space<vmem>>
        %dma_wait3A_58 = tpu.memref_squeeze %dma_wait3A_57 : memref<1x128xi32, #tpu.memory_space<vmem>> -> memref<128xi32, #tpu.memory_space<vmem>>
        %dma_wait3A_59 = arith.constant 0 : i32
        %dma_wait3A_60 = arith.constant 0 : i32
        %dma_wait3A_61 = tpu.memref_slice %arg10[%dma_wait3A_59, %dma_wait3A_60] : memref<10112x128xf32, #tpu.memory_space<vmem_shared>> -> memref<10112x128xf32, #tpu.memory_space<vmem_shared>>
        tpu.wait_indirect_dma semaphore(%run_scoped3A : memref<!tpu.dma_semaphore, #tpu.memory_space<semaphore_mem>>) src(%arg9 : memref<128x128xf32, #tpu.memory_space<vmem>>) dst(%dma_wait3A_61 : memref<10112x128xf32, #tpu.memory_space<vmem_shared>>)
        tpu.yield
      }) : () -> ()
    }
    %scan3A_17 = arith.constant 79 : i32
    %barrier3A_18 = arith.constant 0 : index
    tpu.barrier barrier_id(%barrier3A_18)
    %add3A_19 = arith.constant 0 : i32
    %add3A_20 = arith.addi %mul3A_2, %add3A_19 : i32
    "tpu.region"() ({
      %run_scoped3A = tpu.sem_alloc : memref<!tpu.dma_semaphore, #tpu.memory_space<semaphore_mem>>
      %dma_start3A = arith.constant 0 : i32
      %dma_start3A_39 = arith.constant 0 : i32
      %dma_start3A_40 = tpu.memref_slice %arg9[%dma_start3A, %dma_start3A_39] : memref<128x128xf32, #tpu.memory_space<vmem>> -> memref<128x128xf32, #tpu.memory_space<vmem>>
      %dma_start3A_41 = arith.constant 0 : i32
      %dma_start3A_42 = tpu.memref_slice %arg10[%add3A_20, %dma_start3A_41] : memref<10112x128xf32, #tpu.memory_space<vmem_shared>> -> memref<128x128xf32, #tpu.memory_space<vmem_shared>>
      %dma_start3A_43 = arith.constant 0 : i32
      %dma_start3A_44 = arith.constant 0 : i32
      %dma_start3A_45 = tpu.memref_slice %arg9[%dma_start3A_43, %dma_start3A_44] : memref<128x128xf32, #tpu.memory_space<vmem>> -> memref<128x128xf32, #tpu.memory_space<vmem>>
      %dma_start3A_46 = arith.constant 0 : i32
      %dma_start3A_47 = tpu.memref_slice %arg10[%add3A_20, %dma_start3A_46] : memref<10112x128xf32, #tpu.memory_space<vmem_shared>> -> memref<128x128xf32, #tpu.memory_space<vmem_shared>>
      tpu.enqueue_dma source(%dma_start3A_47 : memref<128x128xf32, #tpu.memory_space<vmem_shared>>) target(%dma_start3A_45 : memref<128x128xf32, #tpu.memory_space<vmem>>) target_semaphore(%run_scoped3A : memref<!tpu.dma_semaphore, #tpu.memory_space<semaphore_mem>>)
      %dma_wait3A = arith.constant 0 : i32
      %dma_wait3A_48 = arith.constant 0 : i32
      %dma_wait3A_49 = tpu.memref_slice %arg9[%dma_wait3A, %dma_wait3A_48] : memref<128x128xf32, #tpu.memory_space<vmem>> -> memref<128x128xf32, #tpu.memory_space<vmem>>
      %dma_wait3A_50 = arith.constant 0 : i32
      %dma_wait3A_51 = tpu.memref_slice %arg10[%add3A_20, %dma_wait3A_50] : memref<10112x128xf32, #tpu.memory_space<vmem_shared>> -> memref<128x128xf32, #tpu.memory_space<vmem_shared>>
      %dma_wait3A_52 = arith.constant 0 : i32
      %dma_wait3A_53 = arith.constant 0 : i32
      %dma_wait3A_54 = tpu.memref_slice %arg9[%dma_wait3A_52, %dma_wait3A_53] : memref<128x128xf32, #tpu.memory_space<vmem>> -> memref<128x128xf32, #tpu.memory_space<vmem>>
      %dma_wait3A_55 = arith.constant 0 : i32
      %dma_wait3A_56 = tpu.memref_slice %arg10[%add3A_20, %dma_wait3A_55] : memref<10112x128xf32, #tpu.memory_space<vmem_shared>> -> memref<128x128xf32, #tpu.memory_space<vmem_shared>>
      tpu.wait_dma2 semaphore(%run_scoped3A : memref<!tpu.dma_semaphore, #tpu.memory_space<semaphore_mem>>) src(%dma_wait3A_56 : memref<128x128xf32, #tpu.memory_space<vmem_shared>>) dst(%dma_wait3A_54 : memref<128x128xf32, #tpu.memory_space<vmem>>)
      tpu.yield
    }) : () -> ()
    %add3A_21 = arith.constant 0 : i32
    %add3A_22 = arith.addi %mul3A_2, %add3A_21 : i32
    "tpu.region"() ({
      %run_scoped3A = tpu.sem_alloc : memref<!tpu.dma_semaphore, #tpu.memory_space<semaphore_mem>>
      %dma_start3A = arith.constant 0 : i32
      %dma_start3A_39 = arith.constant 0 : i32
      %dma_start3A_40 = tpu.memref_slice %arg9[%dma_start3A, %dma_start3A_39] : memref<128x128xf32, #tpu.memory_space<vmem>> -> memref<128x128xf32, #tpu.memory_space<vmem>>
      %dma_start3A_41 = arith.constant 0 : i32
      %dma_start3A_42 = tpu.memref_slice %arg6[%arg0, %add3A_22, %dma_start3A_41] : memref<2x10112x128xf32, #tpu.memory_space<hbm>> -> memref<1x128x128xf32, #tpu.memory_space<hbm>>
      %dma_start3A_43 = tpu.memref_squeeze %dma_start3A_42 : memref<1x128x128xf32, #tpu.memory_space<hbm>> -> memref<128x128xf32, #tpu.memory_space<hbm>>
      %dma_start3A_44 = arith.constant 0 : i32
      %dma_start3A_45 = tpu.memref_slice %arg6[%arg0, %add3A_22, %dma_start3A_44] : memref<2x10112x128xf32, #tpu.memory_space<hbm>> -> memref<1x128x128xf32, #tpu.memory_space<hbm>>
      %dma_start3A_46 = tpu.memref_squeeze %dma_start3A_45 : memref<1x128x128xf32, #tpu.memory_space<hbm>> -> memref<128x128xf32, #tpu.memory_space<hbm>>
      %dma_start3A_47 = arith.constant 0 : i32
      %dma_start3A_48 = arith.constant 0 : i32
      %dma_start3A_49 = tpu.memref_slice %arg9[%dma_start3A_47, %dma_start3A_48] : memref<128x128xf32, #tpu.memory_space<vmem>> -> memref<128x128xf32, #tpu.memory_space<vmem>>
      tpu.enqueue_dma source(%dma_start3A_49 : memref<128x128xf32, #tpu.memory_space<vmem>>) target(%dma_start3A_46 : memref<128x128xf32, #tpu.memory_space<hbm>>) target_semaphore(%run_scoped3A : memref<!tpu.dma_semaphore, #tpu.memory_space<semaphore_mem>>)
      %dma_wait3A = arith.constant 0 : i32
      %dma_wait3A_50 = arith.constant 0 : i32
      %dma_wait3A_51 = tpu.memref_slice %arg9[%dma_wait3A, %dma_wait3A_50] : memref<128x128xf32, #tpu.memory_space<vmem>> -> memref<128x128xf32, #tpu.memory_space<vmem>>
      %dma_wait3A_52 = arith.constant 0 : i32
      %dma_wait3A_53 = tpu.memref_slice %arg6[%arg0, %add3A_22, %dma_wait3A_52] : memref<2x10112x128xf32, #tpu.memory_space<hbm>> -> memref<1x128x128xf32, #tpu.memory_space<hbm>>
      %dma_wait3A_54 = tpu.memref_squeeze %dma_wait3A_53 : memref<1x128x128xf32, #tpu.memory_space<hbm>> -> memref<128x128xf32, #tpu.memory_space<hbm>>
      %dma_wait3A_55 = arith.constant 0 : i32
      %dma_wait3A_56 = tpu.memref_slice %arg6[%arg0, %add3A_22, %dma_wait3A_55] : memref<2x10112x128xf32, #tpu.memory_space<hbm>> -> memref<1x128x128xf32, #tpu.memory_space<hbm>>
      %dma_wait3A_57 = tpu.memref_squeeze %dma_wait3A_56 : memref<1x128x128xf32, #tpu.memory_space<hbm>> -> memref<128x128xf32, #tpu.memory_space<hbm>>
      %dma_wait3A_58 = arith.constant 0 : i32
      %dma_wait3A_59 = arith.constant 0 : i32
      %dma_wait3A_60 = tpu.memref_slice %arg9[%dma_wait3A_58, %dma_wait3A_59] : memref<128x128xf32, #tpu.memory_space<vmem>> -> memref<128x128xf32, #tpu.memory_space<vmem>>
      tpu.wait_dma2 semaphore(%run_scoped3A : memref<!tpu.dma_semaphore, #tpu.memory_space<semaphore_mem>>) src(%dma_wait3A_60 : memref<128x128xf32, #tpu.memory_space<vmem>>) dst(%dma_wait3A_57 : memref<128x128xf32, #tpu.memory_space<hbm>>)
      tpu.yield
    }) : () -> ()
    %add3A_23 = arith.constant 128 : i32
    %add3A_24 = arith.addi %mul3A_2, %add3A_23 : i32
    "tpu.region"() ({
      %run_scoped3A = tpu.sem_alloc : memref<!tpu.dma_semaphore, #tpu.memory_space<semaphore_mem>>
      %dma_start3A = arith.constant 0 : i32
      %dma_start3A_39 = arith.constant 0 : i32
      %dma_start3A_40 = tpu.memref_slice %arg9[%dma_start3A, %dma_start3A_39] : memref<128x128xf32, #tpu.memory_space<vmem>> -> memref<128x128xf32, #tpu.memory_space<vmem>>
      %dma_start3A_41 = arith.constant 0 : i32
      %dma_start3A_42 = tpu.memref_slice %arg10[%add3A_24, %dma_start3A_41] : memref<10112x128xf32, #tpu.memory_space<vmem_shared>> -> memref<128x128xf32, #tpu.memory_space<vmem_shared>>
      %dma_start3A_43 = arith.constant 0 : i32
      %dma_start3A_44 = arith.constant 0 : i32
      %dma_start3A_45 = tpu.memref_slice %arg9[%dma_start3A_43, %dma_start3A_44] : memref<128x128xf32, #tpu.memory_space<vmem>> -> memref<128x128xf32, #tpu.memory_space<vmem>>
      %dma_start3A_46 = arith.constant 0 : i32
      %dma_start3A_47 = tpu.memref_slice %arg10[%add3A_24, %dma_start3A_46] : memref<10112x128xf32, #tpu.memory_space<vmem_shared>> -> memref<128x128xf32, #tpu.memory_space<vmem_shared>>
      tpu.enqueue_dma source(%dma_start3A_47 : memref<128x128xf32, #tpu.memory_space<vmem_shared>>) target(%dma_start3A_45 : memref<128x128xf32, #tpu.memory_space<vmem>>) target_semaphore(%run_scoped3A : memref<!tpu.dma_semaphore, #tpu.memory_space<semaphore_mem>>)
      %dma_wait3A = arith.constant 0 : i32
      %dma_wait3A_48 = arith.constant 0 : i32
      %dma_wait3A_49 = tpu.memref_slice %arg9[%dma_wait3A, %dma_wait3A_48] : memref<128x128xf32, #tpu.memory_space<vmem>> -> memref<128x128xf32, #tpu.memory_space<vmem>>
      %dma_wait3A_50 = arith.constant 0 : i32
      %dma_wait3A_51 = tpu.memref_slice %arg10[%add3A_24, %dma_wait3A_50] : memref<10112x128xf32, #tpu.memory_space<vmem_shared>> -> memref<128x128xf32, #tpu.memory_space<vmem_shared>>
      %dma_wait3A_52 = arith.constant 0 : i32
      %dma_wait3A_53 = arith.constant 0 : i32
      %dma_wait3A_54 = tpu.memref_slice %arg9[%dma_wait3A_52, %dma_wait3A_53] : memref<128x128xf32, #tpu.memory_space<vmem>> -> memref<128x128xf32, #tpu.memory_space<vmem>>
      %dma_wait3A_55 = arith.constant 0 : i32
      %dma_wait3A_56 = tpu.memref_slice %arg10[%add3A_24, %dma_wait3A_55] : memref<10112x128xf32, #tpu.memory_space<vmem_shared>> -> memref<128x128xf32, #tpu.memory_space<vmem_shared>>
      tpu.wait_dma2 semaphore(%run_scoped3A : memref<!tpu.dma_semaphore, #tpu.memory_space<semaphore_mem>>) src(%dma_wait3A_56 : memref<128x128xf32, #tpu.memory_space<vmem_shared>>) dst(%dma_wait3A_54 : memref<128x128xf32, #tpu.memory_space<vmem>>)
      tpu.yield
    }) : () -> ()
    %add3A_25 = arith.constant 128 : i32
    %add3A_26 = arith.addi %mul3A_2, %add3A_25 : i32
    "tpu.region"() ({
      %run_scoped3A = tpu.sem_alloc : memref<!tpu.dma_semaphore, #tpu.memory_space<semaphore_mem>>
      %dma_start3A = arith.constant 0 : i32
      %dma_start3A_39 = arith.constant 0 : i32
      %dma_start3A_40 = tpu.memref_slice %arg9[%dma_start3A, %dma_start3A_39] : memref<128x128xf32, #tpu.memory_space<vmem>> -> memref<128x128xf32, #tpu.memory_space<vmem>>
      %dma_start3A_41 = arith.constant 0 : i32
      %dma_start3A_42 = tpu.memref_slice %arg6[%arg0, %add3A_26, %dma_start3A_41] : memref<2x10112x128xf32, #tpu.memory_space<hbm>> -> memref<1x128x128xf32, #tpu.memory_space<hbm>>
      %dma_start3A_43 = tpu.memref_squeeze %dma_start3A_42 : memref<1x128x128xf32, #tpu.memory_space<hbm>> -> memref<128x128xf32, #tpu.memory_space<hbm>>
      %dma_start3A_44 = arith.constant 0 : i32
      %dma_start3A_45 = tpu.memref_slice %arg6[%arg0, %add3A_26, %dma_start3A_44] : memref<2x10112x128xf32, #tpu.memory_space<hbm>> -> memref<1x128x128xf32, #tpu.memory_space<hbm>>
      %dma_start3A_46 = tpu.memref_squeeze %dma_start3A_45 : memref<1x128x128xf32, #tpu.memory_space<hbm>> -> memref<128x128xf32, #tpu.memory_space<hbm>>
      %dma_start3A_47 = arith.constant 0 : i32
      %dma_start3A_48 = arith.constant 0 : i32
      %dma_start3A_49 = tpu.memref_slice %arg9[%dma_start3A_47, %dma_start3A_48] : memref<128x128xf32, #tpu.memory_space<vmem>> -> memref<128x128xf32, #tpu.memory_space<vmem>>
      tpu.enqueue_dma source(%dma_start3A_49 : memref<128x128xf32, #tpu.memory_space<vmem>>) target(%dma_start3A_46 : memref<128x128xf32, #tpu.memory_space<hbm>>) target_semaphore(%run_scoped3A : memref<!tpu.dma_semaphore, #tpu.memory_space<semaphore_mem>>)
      %dma_wait3A = arith.constant 0 : i32
      %dma_wait3A_50 = arith.constant 0 : i32
      %dma_wait3A_51 = tpu.memref_slice %arg9[%dma_wait3A, %dma_wait3A_50] : memref<128x128xf32, #tpu.memory_space<vmem>> -> memref<128x128xf32, #tpu.memory_space<vmem>>
      %dma_wait3A_52 = arith.constant 0 : i32
      %dma_wait3A_53 = tpu.memref_slice %arg6[%arg0, %add3A_26, %dma_wait3A_52] : memref<2x10112x128xf32, #tpu.memory_space<hbm>> -> memref<1x128x128xf32, #tpu.memory_space<hbm>>
      %dma_wait3A_54 = tpu.memref_squeeze %dma_wait3A_53 : memref<1x128x128xf32, #tpu.memory_space<hbm>> -> memref<128x128xf32, #tpu.memory_space<hbm>>
      %dma_wait3A_55 = arith.constant 0 : i32
      %dma_wait3A_56 = tpu.memref_slice %arg6[%arg0, %add3A_26, %dma_wait3A_55] : memref<2x10112x128xf32, #tpu.memory_space<hbm>> -> memref<1x128x128xf32, #tpu.memory_space<hbm>>
      %dma_wait3A_57 = tpu.memref_squeeze %dma_wait3A_56 : memref<1x128x128xf32, #tpu.memory_space<hbm>> -> memref<128x128xf32, #tpu.memory_space<hbm>>
      %dma_wait3A_58 = arith.constant 0 : i32
      %dma_wait3A_59 = arith.constant 0 : i32
      %dma_wait3A_60 = tpu.memref_slice %arg9[%dma_wait3A_58, %dma_wait3A_59] : memref<128x128xf32, #tpu.memory_space<vmem>> -> memref<128x128xf32, #tpu.memory_space<vmem>>
      tpu.wait_dma2 semaphore(%run_scoped3A : memref<!tpu.dma_semaphore, #tpu.memory_space<semaphore_mem>>) src(%dma_wait3A_60 : memref<128x128xf32, #tpu.memory_space<vmem>>) dst(%dma_wait3A_57 : memref<128x128xf32, #tpu.memory_space<hbm>>)
      tpu.yield
    }) : () -> ()
    %add3A_27 = arith.constant 256 : i32
    %add3A_28 = arith.addi %mul3A_2, %add3A_27 : i32
    "tpu.region"() ({
      %run_scoped3A = tpu.sem_alloc : memref<!tpu.dma_semaphore, #tpu.memory_space<semaphore_mem>>
      %dma_start3A = arith.constant 0 : i32
      %dma_start3A_39 = arith.constant 0 : i32
      %dma_start3A_40 = tpu.memref_slice %arg9[%dma_start3A, %dma_start3A_39] : memref<128x128xf32, #tpu.memory_space<vmem>> -> memref<128x128xf32, #tpu.memory_space<vmem>>
      %dma_start3A_41 = arith.constant 0 : i32
      %dma_start3A_42 = tpu.memref_slice %arg10[%add3A_28, %dma_start3A_41] : memref<10112x128xf32, #tpu.memory_space<vmem_shared>> -> memref<128x128xf32, #tpu.memory_space<vmem_shared>>
      %dma_start3A_43 = arith.constant 0 : i32
      %dma_start3A_44 = arith.constant 0 : i32
      %dma_start3A_45 = tpu.memref_slice %arg9[%dma_start3A_43, %dma_start3A_44] : memref<128x128xf32, #tpu.memory_space<vmem>> -> memref<128x128xf32, #tpu.memory_space<vmem>>
      %dma_start3A_46 = arith.constant 0 : i32
      %dma_start3A_47 = tpu.memref_slice %arg10[%add3A_28, %dma_start3A_46] : memref<10112x128xf32, #tpu.memory_space<vmem_shared>> -> memref<128x128xf32, #tpu.memory_space<vmem_shared>>
      tpu.enqueue_dma source(%dma_start3A_47 : memref<128x128xf32, #tpu.memory_space<vmem_shared>>) target(%dma_start3A_45 : memref<128x128xf32, #tpu.memory_space<vmem>>) target_semaphore(%run_scoped3A : memref<!tpu.dma_semaphore, #tpu.memory_space<semaphore_mem>>)
      %dma_wait3A = arith.constant 0 : i32
      %dma_wait3A_48 = arith.constant 0 : i32
      %dma_wait3A_49 = tpu.memref_slice %arg9[%dma_wait3A, %dma_wait3A_48] : memref<128x128xf32, #tpu.memory_space<vmem>> -> memref<128x128xf32, #tpu.memory_space<vmem>>
      %dma_wait3A_50 = arith.constant 0 : i32
      %dma_wait3A_51 = tpu.memref_slice %arg10[%add3A_28, %dma_wait3A_50] : memref<10112x128xf32, #tpu.memory_space<vmem_shared>> -> memref<128x128xf32, #tpu.memory_space<vmem_shared>>
      %dma_wait3A_52 = arith.constant 0 : i32
      %dma_wait3A_53 = arith.constant 0 : i32
      %dma_wait3A_54 = tpu.memref_slice %arg9[%dma_wait3A_52, %dma_wait3A_53] : memref<128x128xf32, #tpu.memory_space<vmem>> -> memref<128x128xf32, #tpu.memory_space<vmem>>
      %dma_wait3A_55 = arith.constant 0 : i32
      %dma_wait3A_56 = tpu.memref_slice %arg10[%add3A_28, %dma_wait3A_55] : memref<10112x128xf32, #tpu.memory_space<vmem_shared>> -> memref<128x128xf32, #tpu.memory_space<vmem_shared>>
      tpu.wait_dma2 semaphore(%run_scoped3A : memref<!tpu.dma_semaphore, #tpu.memory_space<semaphore_mem>>) src(%dma_wait3A_56 : memref<128x128xf32, #tpu.memory_space<vmem_shared>>) dst(%dma_wait3A_54 : memref<128x128xf32, #tpu.memory_space<vmem>>)
      tpu.yield
    }) : () -> ()
    %add3A_29 = arith.constant 256 : i32
    %add3A_30 = arith.addi %mul3A_2, %add3A_29 : i32
    "tpu.region"() ({
      %run_scoped3A = tpu.sem_alloc : memref<!tpu.dma_semaphore, #tpu.memory_space<semaphore_mem>>
      %dma_start3A = arith.constant 0 : i32
      %dma_start3A_39 = arith.constant 0 : i32
      %dma_start3A_40 = tpu.memref_slice %arg9[%dma_start3A, %dma_start3A_39] : memref<128x128xf32, #tpu.memory_space<vmem>> -> memref<128x128xf32, #tpu.memory_space<vmem>>
      %dma_start3A_41 = arith.constant 0 : i32
      %dma_start3A_42 = tpu.memref_slice %arg6[%arg0, %add3A_30, %dma_start3A_41] : memref<2x10112x128xf32, #tpu.memory_space<hbm>> -> memref<1x128x128xf32, #tpu.memory_space<hbm>>
      %dma_start3A_43 = tpu.memref_squeeze %dma_start3A_42 : memref<1x128x128xf32, #tpu.memory_space<hbm>> -> memref<128x128xf32, #tpu.memory_space<hbm>>
      %dma_start3A_44 = arith.constant 0 : i32
      %dma_start3A_45 = tpu.memref_slice %arg6[%arg0, %add3A_30, %dma_start3A_44] : memref<2x10112x128xf32, #tpu.memory_space<hbm>> -> memref<1x128x128xf32, #tpu.memory_space<hbm>>
      %dma_start3A_46 = tpu.memref_squeeze %dma_start3A_45 : memref<1x128x128xf32, #tpu.memory_space<hbm>> -> memref<128x128xf32, #tpu.memory_space<hbm>>
      %dma_start3A_47 = arith.constant 0 : i32
      %dma_start3A_48 = arith.constant 0 : i32
      %dma_start3A_49 = tpu.memref_slice %arg9[%dma_start3A_47, %dma_start3A_48] : memref<128x128xf32, #tpu.memory_space<vmem>> -> memref<128x128xf32, #tpu.memory_space<vmem>>
      tpu.enqueue_dma source(%dma_start3A_49 : memref<128x128xf32, #tpu.memory_space<vmem>>) target(%dma_start3A_46 : memref<128x128xf32, #tpu.memory_space<hbm>>) target_semaphore(%run_scoped3A : memref<!tpu.dma_semaphore, #tpu.memory_space<semaphore_mem>>)
      %dma_wait3A = arith.constant 0 : i32
      %dma_wait3A_50 = arith.constant 0 : i32
      %dma_wait3A_51 = tpu.memref_slice %arg9[%dma_wait3A, %dma_wait3A_50] : memref<128x128xf32, #tpu.memory_space<vmem>> -> memref<128x128xf32, #tpu.memory_space<vmem>>
      %dma_wait3A_52 = arith.constant 0 : i32
      %dma_wait3A_53 = tpu.memref_slice %arg6[%arg0, %add3A_30, %dma_wait3A_52] : memref<2x10112x128xf32, #tpu.memory_space<hbm>> -> memref<1x128x128xf32, #tpu.memory_space<hbm>>
      %dma_wait3A_54 = tpu.memref_squeeze %dma_wait3A_53 : memref<1x128x128xf32, #tpu.memory_space<hbm>> -> memref<128x128xf32, #tpu.memory_space<hbm>>
      %dma_wait3A_55 = arith.constant 0 : i32
      %dma_wait3A_56 = tpu.memref_slice %arg6[%arg0, %add3A_30, %dma_wait3A_55] : memref<2x10112x128xf32, #tpu.memory_space<hbm>> -> memref<1x128x128xf32, #tpu.memory_space<hbm>>
      %dma_wait3A_57 = tpu.memref_squeeze %dma_wait3A_56 : memref<1x128x128xf32, #tpu.memory_space<hbm>> -> memref<128x128xf32, #tpu.memory_space<hbm>>
      %dma_wait3A_58 = arith.constant 0 : i32
      %dma_wait3A_59 = arith.constant 0 : i32
      %dma_wait3A_60 = tpu.memref_slice %arg9[%dma_wait3A_58, %dma_wait3A_59] : memref<128x128xf32, #tpu.memory_space<vmem>> -> memref<128x128xf32, #tpu.memory_space<vmem>>
      tpu.wait_dma2 semaphore(%run_scoped3A : memref<!tpu.dma_semaphore, #tpu.memory_space<semaphore_mem>>) src(%dma_wait3A_60 : memref<128x128xf32, #tpu.memory_space<vmem>>) dst(%dma_wait3A_57 : memref<128x128xf32, #tpu.memory_space<hbm>>)
      tpu.yield
    }) : () -> ()
    %add3A_31 = arith.constant 384 : i32
    %add3A_32 = arith.addi %mul3A_2, %add3A_31 : i32
    "tpu.region"() ({
      %run_scoped3A = tpu.sem_alloc : memref<!tpu.dma_semaphore, #tpu.memory_space<semaphore_mem>>
      %dma_start3A = arith.constant 0 : i32
      %dma_start3A_39 = arith.constant 0 : i32
      %dma_start3A_40 = tpu.memref_slice %arg9[%dma_start3A, %dma_start3A_39] : memref<128x128xf32, #tpu.memory_space<vmem>> -> memref<128x128xf32, #tpu.memory_space<vmem>>
      %dma_start3A_41 = arith.constant 0 : i32
      %dma_start3A_42 = tpu.memref_slice %arg10[%add3A_32, %dma_start3A_41] : memref<10112x128xf32, #tpu.memory_space<vmem_shared>> -> memref<128x128xf32, #tpu.memory_space<vmem_shared>>
      %dma_start3A_43 = arith.constant 0 : i32
      %dma_start3A_44 = arith.constant 0 : i32
      %dma_start3A_45 = tpu.memref_slice %arg9[%dma_start3A_43, %dma_start3A_44] : memref<128x128xf32, #tpu.memory_space<vmem>> -> memref<128x128xf32, #tpu.memory_space<vmem>>
      %dma_start3A_46 = arith.constant 0 : i32
      %dma_start3A_47 = tpu.memref_slice %arg10[%add3A_32, %dma_start3A_46] : memref<10112x128xf32, #tpu.memory_space<vmem_shared>> -> memref<128x128xf32, #tpu.memory_space<vmem_shared>>
      tpu.enqueue_dma source(%dma_start3A_47 : memref<128x128xf32, #tpu.memory_space<vmem_shared>>) target(%dma_start3A_45 : memref<128x128xf32, #tpu.memory_space<vmem>>) target_semaphore(%run_scoped3A : memref<!tpu.dma_semaphore, #tpu.memory_space<semaphore_mem>>)
      %dma_wait3A = arith.constant 0 : i32
      %dma_wait3A_48 = arith.constant 0 : i32
      %dma_wait3A_49 = tpu.memref_slice %arg9[%dma_wait3A, %dma_wait3A_48] : memref<128x128xf32, #tpu.memory_space<vmem>> -> memref<128x128xf32, #tpu.memory_space<vmem>>
      %dma_wait3A_50 = arith.constant 0 : i32
      %dma_wait3A_51 = tpu.memref_slice %arg10[%add3A_32, %dma_wait3A_50] : memref<10112x128xf32, #tpu.memory_space<vmem_shared>> -> memref<128x128xf32, #tpu.memory_space<vmem_shared>>
      %dma_wait3A_52 = arith.constant 0 : i32
      %dma_wait3A_53 = arith.constant 0 : i32
      %dma_wait3A_54 = tpu.memref_slice %arg9[%dma_wait3A_52, %dma_wait3A_53] : memref<128x128xf32, #tpu.memory_space<vmem>> -> memref<128x128xf32, #tpu.memory_space<vmem>>
      %dma_wait3A_55 = arith.constant 0 : i32
      %dma_wait3A_56 = tpu.memref_slice %arg10[%add3A_32, %dma_wait3A_55] : memref<10112x128xf32, #tpu.memory_space<vmem_shared>> -> memref<128x128xf32, #tpu.memory_space<vmem_shared>>
      tpu.wait_dma2 semaphore(%run_scoped3A : memref<!tpu.dma_semaphore, #tpu.memory_space<semaphore_mem>>) src(%dma_wait3A_56 : memref<128x128xf32, #tpu.memory_space<vmem_shared>>) dst(%dma_wait3A_54 : memref<128x128xf32, #tpu.memory_space<vmem>>)
      tpu.yield
    }) : () -> ()
    %add3A_33 = arith.constant 384 : i32
    %add3A_34 = arith.addi %mul3A_2, %add3A_33 : i32
    "tpu.region"() ({
      %run_scoped3A = tpu.sem_alloc : memref<!tpu.dma_semaphore, #tpu.memory_space<semaphore_mem>>
      %dma_start3A = arith.constant 0 : i32
      %dma_start3A_39 = arith.constant 0 : i32
      %dma_start3A_40 = tpu.memref_slice %arg9[%dma_start3A, %dma_start3A_39] : memref<128x128xf32, #tpu.memory_space<vmem>> -> memref<128x128xf32, #tpu.memory_space<vmem>>
      %dma_start3A_41 = arith.constant 0 : i32
      %dma_start3A_42 = tpu.memref_slice %arg6[%arg0, %add3A_34, %dma_start3A_41] : memref<2x10112x128xf32, #tpu.memory_space<hbm>> -> memref<1x128x128xf32, #tpu.memory_space<hbm>>
      %dma_start3A_43 = tpu.memref_squeeze %dma_start3A_42 : memref<1x128x128xf32, #tpu.memory_space<hbm>> -> memref<128x128xf32, #tpu.memory_space<hbm>>
      %dma_start3A_44 = arith.constant 0 : i32
      %dma_start3A_45 = tpu.memref_slice %arg6[%arg0, %add3A_34, %dma_start3A_44] : memref<2x10112x128xf32, #tpu.memory_space<hbm>> -> memref<1x128x128xf32, #tpu.memory_space<hbm>>
      %dma_start3A_46 = tpu.memref_squeeze %dma_start3A_45 : memref<1x128x128xf32, #tpu.memory_space<hbm>> -> memref<128x128xf32, #tpu.memory_space<hbm>>
      %dma_start3A_47 = arith.constant 0 : i32
      %dma_start3A_48 = arith.constant 0 : i32
      %dma_start3A_49 = tpu.memref_slice %arg9[%dma_start3A_47, %dma_start3A_48] : memref<128x128xf32, #tpu.memory_space<vmem>> -> memref<128x128xf32, #tpu.memory_space<vmem>>
      tpu.enqueue_dma source(%dma_start3A_49 : memref<128x128xf32, #tpu.memory_space<vmem>>) target(%dma_start3A_46 : memref<128x128xf32, #tpu.memory_space<hbm>>) target_semaphore(%run_scoped3A : memref<!tpu.dma_semaphore, #tpu.memory_space<semaphore_mem>>)
      %dma_wait3A = arith.constant 0 : i32
      %dma_wait3A_50 = arith.constant 0 : i32
      %dma_wait3A_51 = tpu.memref_slice %arg9[%dma_wait3A, %dma_wait3A_50] : memref<128x128xf32, #tpu.memory_space<vmem>> -> memref<128x128xf32, #tpu.memory_space<vmem>>
      %dma_wait3A_52 = arith.constant 0 : i32
      %dma_wait3A_53 = tpu.memref_slice %arg6[%arg0, %add3A_34, %dma_wait3A_52] : memref<2x10112x128xf32, #tpu.memory_space<hbm>> -> memref<1x128x128xf32, #tpu.memory_space<hbm>>
      %dma_wait3A_54 = tpu.memref_squeeze %dma_wait3A_53 : memref<1x128x128xf32, #tpu.memory_space<hbm>> -> memref<128x128xf32, #tpu.memory_space<hbm>>
      %dma_wait3A_55 = arith.constant 0 : i32
      %dma_wait3A_56 = tpu.memref_slice %arg6[%arg0, %add3A_34, %dma_wait3A_55] : memref<2x10112x128xf32, #tpu.memory_space<hbm>> -> memref<1x128x128xf32, #tpu.memory_space<hbm>>
      %dma_wait3A_57 = tpu.memref_squeeze %dma_wait3A_56 : memref<1x128x128xf32, #tpu.memory_space<hbm>> -> memref<128x128xf32, #tpu.memory_space<hbm>>
      %dma_wait3A_58 = arith.constant 0 : i32
      %dma_wait3A_59 = arith.constant 0 : i32
      %dma_wait3A_60 = tpu.memref_slice %arg9[%dma_wait3A_58, %dma_wait3A_59] : memref<128x128xf32, #tpu.memory_space<vmem>> -> memref<128x128xf32, #tpu.memory_space<vmem>>
      tpu.wait_dma2 semaphore(%run_scoped3A : memref<!tpu.dma_semaphore, #tpu.memory_space<semaphore_mem>>) src(%dma_wait3A_60 : memref<128x128xf32, #tpu.memory_space<vmem>>) dst(%dma_wait3A_57 : memref<128x128xf32, #tpu.memory_space<hbm>>)
      tpu.yield
    }) : () -> ()
    %add3A_35 = arith.constant 512 : i32
    %add3A_36 = arith.addi %mul3A_2, %add3A_35 : i32
    "tpu.region"() ({
      %run_scoped3A = tpu.sem_alloc : memref<!tpu.dma_semaphore, #tpu.memory_space<semaphore_mem>>
      %dma_start3A = arith.constant 0 : i32
      %dma_start3A_39 = arith.constant 0 : i32
      %dma_start3A_40 = tpu.memref_slice %arg9[%dma_start3A, %dma_start3A_39] : memref<128x128xf32, #tpu.memory_space<vmem>> -> memref<120x128xf32, #tpu.memory_space<vmem>>
      %dma_start3A_41 = arith.constant 0 : i32
      %dma_start3A_42 = tpu.memref_slice %arg10[%add3A_36, %dma_start3A_41] : memref<10112x128xf32, #tpu.memory_space<vmem_shared>> -> memref<120x128xf32, #tpu.memory_space<vmem_shared>>
      %dma_start3A_43 = arith.constant 0 : i32
      %dma_start3A_44 = arith.constant 0 : i32
      %dma_start3A_45 = tpu.memref_slice %arg9[%dma_start3A_43, %dma_start3A_44] : memref<128x128xf32, #tpu.memory_space<vmem>> -> memref<120x128xf32, #tpu.memory_space<vmem>>
      %dma_start3A_46 = arith.constant 0 : i32
      %dma_start3A_47 = tpu.memref_slice %arg10[%add3A_36, %dma_start3A_46] : memref<10112x128xf32, #tpu.memory_space<vmem_shared>> -> memref<120x128xf32, #tpu.memory_space<vmem_shared>>
      tpu.enqueue_dma source(%dma_start3A_47 : memref<120x128xf32, #tpu.memory_space<vmem_shared>>) target(%dma_start3A_45 : memref<120x128xf32, #tpu.memory_space<vmem>>) target_semaphore(%run_scoped3A : memref<!tpu.dma_semaphore, #tpu.memory_space<semaphore_mem>>)
      %dma_wait3A = arith.constant 0 : i32
      %dma_wait3A_48 = arith.constant 0 : i32
      %dma_wait3A_49 = tpu.memref_slice %arg9[%dma_wait3A, %dma_wait3A_48] : memref<128x128xf32, #tpu.memory_space<vmem>> -> memref<120x128xf32, #tpu.memory_space<vmem>>
      %dma_wait3A_50 = arith.constant 0 : i32
      %dma_wait3A_51 = tpu.memref_slice %arg10[%add3A_36, %dma_wait3A_50] : memref<10112x128xf32, #tpu.memory_space<vmem_shared>> -> memref<120x128xf32, #tpu.memory_space<vmem_shared>>
      %dma_wait3A_52 = arith.constant 0 : i32
      %dma_wait3A_53 = arith.constant 0 : i32
      %dma_wait3A_54 = tpu.memref_slice %arg9[%dma_wait3A_52, %dma_wait3A_53] : memref<128x128xf32, #tpu.memory_space<vmem>> -> memref<120x128xf32, #tpu.memory_space<vmem>>
      %dma_wait3A_55 = arith.constant 0 : i32
      %dma_wait3A_56 = tpu.memref_slice %arg10[%add3A_36, %dma_wait3A_55] : memref<10112x128xf32, #tpu.memory_space<vmem_shared>> -> memref<120x128xf32, #tpu.memory_space<vmem_shared>>
      tpu.wait_dma2 semaphore(%run_scoped3A : memref<!tpu.dma_semaphore, #tpu.memory_space<semaphore_mem>>) src(%dma_wait3A_56 : memref<120x128xf32, #tpu.memory_space<vmem_shared>>) dst(%dma_wait3A_54 : memref<120x128xf32, #tpu.memory_space<vmem>>)
      tpu.yield
    }) : () -> ()
    %add3A_37 = arith.constant 512 : i32
    %add3A_38 = arith.addi %mul3A_2, %add3A_37 : i32
    "tpu.region"() ({
      %run_scoped3A = tpu.sem_alloc : memref<!tpu.dma_semaphore, #tpu.memory_space<semaphore_mem>>
      %dma_start3A = arith.constant 0 : i32
      %dma_start3A_39 = arith.constant 0 : i32
      %dma_start3A_40 = tpu.memref_slice %arg9[%dma_start3A, %dma_start3A_39] : memref<128x128xf32, #tpu.memory_space<vmem>> -> memref<120x128xf32, #tpu.memory_space<vmem>>
      %dma_start3A_41 = arith.constant 0 : i32
      %dma_start3A_42 = tpu.memref_slice %arg6[%arg0, %add3A_38, %dma_start3A_41] : memref<2x10112x128xf32, #tpu.memory_space<hbm>> -> memref<1x120x128xf32, #tpu.memory_space<hbm>>
      %dma_start3A_43 = tpu.memref_squeeze %dma_start3A_42 : memref<1x120x128xf32, #tpu.memory_space<hbm>> -> memref<120x128xf32, #tpu.memory_space<hbm>>
      %dma_start3A_44 = arith.constant 0 : i32
      %dma_start3A_45 = tpu.memref_slice %arg6[%arg0, %add3A_38, %dma_start3A_44] : memref<2x10112x128xf32, #tpu.memory_space<hbm>> -> memref<1x120x128xf32, #tpu.memory_space<hbm>>
      %dma_start3A_46 = tpu.memref_squeeze %dma_start3A_45 : memref<1x120x128xf32, #tpu.memory_space<hbm>> -> memref<120x128xf32, #tpu.memory_space<hbm>>
      %dma_start3A_47 = arith.constant 0 : i32
      %dma_start3A_48 = arith.constant 0 : i32
      %dma_start3A_49 = tpu.memref_slice %arg9[%dma_start3A_47, %dma_start3A_48] : memref<128x128xf32, #tpu.memory_space<vmem>> -> memref<120x128xf32, #tpu.memory_space<vmem>>
      tpu.enqueue_dma source(%dma_start3A_49 : memref<120x128xf32, #tpu.memory_space<vmem>>) target(%dma_start3A_46 : memref<120x128xf32, #tpu.memory_space<hbm>>) target_semaphore(%run_scoped3A : memref<!tpu.dma_semaphore, #tpu.memory_space<semaphore_mem>>)
      %dma_wait3A = arith.constant 0 : i32
      %dma_wait3A_50 = arith.constant 0 : i32
      %dma_wait3A_51 = tpu.memref_slice %arg9[%dma_wait3A, %dma_wait3A_50] : memref<128x128xf32, #tpu.memory_space<vmem>> -> memref<120x128xf32, #tpu.memory_space<vmem>>
      %dma_wait3A_52 = arith.constant 0 : i32
      %dma_wait3A_53 = tpu.memref_slice %arg6[%arg0, %add3A_38, %dma_wait3A_52] : memref<2x10112x128xf32, #tpu.memory_space<hbm>> -> memref<1x120x128xf32, #tpu.memory_space<hbm>>
      %dma_wait3A_54 = tpu.memref_squeeze %dma_wait3A_53 : memref<1x120x128xf32, #tpu.memory_space<hbm>> -> memref<120x128xf32, #tpu.memory_space<hbm>>
      %dma_wait3A_55 = arith.constant 0 : i32
      %dma_wait3A_56 = tpu.memref_slice %arg6[%arg0, %add3A_38, %dma_wait3A_55] : memref<2x10112x128xf32, #tpu.memory_space<hbm>> -> memref<1x120x128xf32, #tpu.memory_space<hbm>>
      %dma_wait3A_57 = tpu.memref_squeeze %dma_wait3A_56 : memref<1x120x128xf32, #tpu.memory_space<hbm>> -> memref<120x128xf32, #tpu.memory_space<hbm>>
      %dma_wait3A_58 = arith.constant 0 : i32
      %dma_wait3A_59 = arith.constant 0 : i32
      %dma_wait3A_60 = tpu.memref_slice %arg9[%dma_wait3A_58, %dma_wait3A_59] : memref<128x128xf32, #tpu.memory_space<vmem>> -> memref<120x128xf32, #tpu.memory_space<vmem>>
      tpu.wait_dma2 semaphore(%run_scoped3A : memref<!tpu.dma_semaphore, #tpu.memory_space<semaphore_mem>>) src(%dma_wait3A_60 : memref<120x128xf32, #tpu.memory_space<vmem>>) dst(%dma_wait3A_57 : memref<120x128xf32, #tpu.memory_space<hbm>>)
      tpu.yield
    }) : () -> ()
    return
  }
}

#map = affine_map<(d0, d1) -> (0, 0, 0)>
#map1 = affine_map<(d0, d1) -> (0, 0)>
module attributes {stable_mosaic.version = 14 : i64} {
  func.func @_deg_sc(%arg0: i32, %arg1: i32, %arg2: memref<32x79x128xi32, #tpu.memory_space<hbm>>, %arg3: memref<128x128xf32, #tpu.memory_space<hbm>>, %arg4: memref<128x128xf32, #tpu.memory_space<hbm>>, %arg5: memref<2x10112x128xf32, #tpu.memory_space<hbm>>, %arg6: memref<79x128xi32, #tpu.memory_space<vmem>>, %arg7: memref<128x128xf32, #tpu.memory_space<vmem>>, %arg8: memref<10112x128xf32, #tpu.memory_space<vmem_shared>>) attributes {dimension_semantics = [#tpu.dimension_semantics<core_parallel>, #tpu.dimension_semantics<subcore_parallel>], iteration_bounds = array<i64: 2, 16>, scalar_prefetch = 0 : i64, scratch_operands = 3 : i64, tpu.core_type = #tpu.core_type<sc_vector_subcore>, window_params = [{transform_indices = #map}, {transform_indices = #map1}, {transform_indices = #map1}, {transform_indices = #map}]} {
    %mul3A = arith.constant 16 : i32
    %mul3A_0 = arith.muli %arg0, %mul3A : i32
    %add3A = arith.addi %mul3A_0, %arg1 : i32
    %mul3A_1 = arith.constant 632 : i32
    %mul3A_2 = arith.muli %arg1, %mul3A_1 : i32
    "tpu.region"() ({
      %run_scoped3A = tpu.sem_alloc : memref<!tpu.dma_semaphore, #tpu.memory_space<semaphore_mem>>
      %dma_start3A = arith.constant 0 : i32
      %dma_start3A_39 = arith.constant 0 : i32
      %dma_start3A_40 = tpu.memref_slice %arg2[%add3A, %dma_start3A, %dma_start3A_39] : memref<32x79x128xi32, #tpu.memory_space<hbm>> -> memref<1x79x128xi32, #tpu.memory_space<hbm>>
      %dma_start3A_41 = tpu.memref_squeeze %dma_start3A_40 : memref<1x79x128xi32, #tpu.memory_space<hbm>> -> memref<79x128xi32, #tpu.memory_space<hbm>>
      %dma_start3A_42 = arith.constant 0 : i32
      %dma_start3A_43 = arith.constant 0 : i32
      %dma_start3A_44 = tpu.memref_slice %arg2[%add3A, %dma_start3A_42, %dma_start3A_43] : memref<32x79x128xi32, #tpu.memory_space<hbm>> -> memref<1x79x128xi32, #tpu.memory_space<hbm>>
      %dma_start3A_45 = tpu.memref_squeeze %dma_start3A_44 : memref<1x79x128xi32, #tpu.memory_space<hbm>> -> memref<79x128xi32, #tpu.memory_space<hbm>>
      tpu.enqueue_dma source(%dma_start3A_45 : memref<79x128xi32, #tpu.memory_space<hbm>>) target(%arg6 : memref<79x128xi32, #tpu.memory_space<vmem>>) target_semaphore(%run_scoped3A : memref<!tpu.dma_semaphore, #tpu.memory_space<semaphore_mem>>)
      %dma_wait3A = arith.constant 0 : i32
      %dma_wait3A_46 = arith.constant 0 : i32
      %dma_wait3A_47 = tpu.memref_slice %arg2[%add3A, %dma_wait3A, %dma_wait3A_46] : memref<32x79x128xi32, #tpu.memory_space<hbm>> -> memref<1x79x128xi32, #tpu.memory_space<hbm>>
      %dma_wait3A_48 = tpu.memref_squeeze %dma_wait3A_47 : memref<1x79x128xi32, #tpu.memory_space<hbm>> -> memref<79x128xi32, #tpu.memory_space<hbm>>
      %dma_wait3A_49 = arith.constant 0 : i32
      %dma_wait3A_50 = arith.constant 0 : i32
      %dma_wait3A_51 = tpu.memref_slice %arg2[%add3A, %dma_wait3A_49, %dma_wait3A_50] : memref<32x79x128xi32, #tpu.memory_space<hbm>> -> memref<1x79x128xi32, #tpu.memory_space<hbm>>
      %dma_wait3A_52 = tpu.memref_squeeze %dma_wait3A_51 : memref<1x79x128xi32, #tpu.memory_space<hbm>> -> memref<79x128xi32, #tpu.memory_space<hbm>>
      tpu.wait_dma2 semaphore(%run_scoped3A : memref<!tpu.dma_semaphore, #tpu.memory_space<semaphore_mem>>) src(%dma_wait3A_52 : memref<79x128xi32, #tpu.memory_space<hbm>>) dst(%arg6 : memref<79x128xi32, #tpu.memory_space<vmem>>)
      tpu.yield
    }) : () -> ()
    "tpu.region"() ({
      %run_scoped3A = tpu.sem_alloc : memref<!tpu.dma_semaphore, #tpu.memory_space<semaphore_mem>>
      tpu.enqueue_dma source(%arg3 : memref<128x128xf32, #tpu.memory_space<hbm>>) target(%arg7 : memref<128x128xf32, #tpu.memory_space<vmem>>) target_semaphore(%run_scoped3A : memref<!tpu.dma_semaphore, #tpu.memory_space<semaphore_mem>>)
      tpu.wait_dma2 semaphore(%run_scoped3A : memref<!tpu.dma_semaphore, #tpu.memory_space<semaphore_mem>>) src(%arg3 : memref<128x128xf32, #tpu.memory_space<hbm>>) dst(%arg7 : memref<128x128xf32, #tpu.memory_space<vmem>>)
      tpu.yield
    }) : () -> ()
    %add3A_3 = arith.constant 0 : i32
    %add3A_4 = arith.addi %mul3A_2, %add3A_3 : i32
    "tpu.region"() ({
      %run_scoped3A = tpu.sem_alloc : memref<!tpu.dma_semaphore, #tpu.memory_space<semaphore_mem>>
      %dma_start3A = arith.constant 0 : i32
      %dma_start3A_39 = arith.constant 0 : i32
      %dma_start3A_40 = tpu.memref_slice %arg7[%dma_start3A, %dma_start3A_39] : memref<128x128xf32, #tpu.memory_space<vmem>> -> memref<128x128xf32, #tpu.memory_space<vmem>>
      %dma_start3A_41 = arith.constant 0 : i32
      %dma_start3A_42 = tpu.memref_slice %arg8[%add3A_4, %dma_start3A_41] : memref<10112x128xf32, #tpu.memory_space<vmem_shared>> -> memref<128x128xf32, #tpu.memory_space<vmem_shared>>
      %dma_start3A_43 = arith.constant 0 : i32
      %dma_start3A_44 = tpu.memref_slice %arg8[%add3A_4, %dma_start3A_43] : memref<10112x128xf32, #tpu.memory_space<vmem_shared>> -> memref<128x128xf32, #tpu.memory_space<vmem_shared>>
      %dma_start3A_45 = arith.constant 0 : i32
      %dma_start3A_46 = arith.constant 0 : i32
      %dma_start3A_47 = tpu.memref_slice %arg7[%dma_start3A_45, %dma_start3A_46] : memref<128x128xf32, #tpu.memory_space<vmem>> -> memref<128x128xf32, #tpu.memory_space<vmem>>
      tpu.enqueue_dma source(%dma_start3A_47 : memref<128x128xf32, #tpu.memory_space<vmem>>) target(%dma_start3A_44 : memref<128x128xf32, #tpu.memory_space<vmem_shared>>) target_semaphore(%run_scoped3A : memref<!tpu.dma_semaphore, #tpu.memory_space<semaphore_mem>>)
      %dma_wait3A = arith.constant 0 : i32
      %dma_wait3A_48 = arith.constant 0 : i32
      %dma_wait3A_49 = tpu.memref_slice %arg7[%dma_wait3A, %dma_wait3A_48] : memref<128x128xf32, #tpu.memory_space<vmem>> -> memref<128x128xf32, #tpu.memory_space<vmem>>
      %dma_wait3A_50 = arith.constant 0 : i32
      %dma_wait3A_51 = tpu.memref_slice %arg8[%add3A_4, %dma_wait3A_50] : memref<10112x128xf32, #tpu.memory_space<vmem_shared>> -> memref<128x128xf32, #tpu.memory_space<vmem_shared>>
      %dma_wait3A_52 = arith.constant 0 : i32
      %dma_wait3A_53 = tpu.memref_slice %arg8[%add3A_4, %dma_wait3A_52] : memref<10112x128xf32, #tpu.memory_space<vmem_shared>> -> memref<128x128xf32, #tpu.memory_space<vmem_shared>>
      %dma_wait3A_54 = arith.constant 0 : i32
      %dma_wait3A_55 = arith.constant 0 : i32
      %dma_wait3A_56 = tpu.memref_slice %arg7[%dma_wait3A_54, %dma_wait3A_55] : memref<128x128xf32, #tpu.memory_space<vmem>> -> memref<128x128xf32, #tpu.memory_space<vmem>>
      tpu.wait_dma2 semaphore(%run_scoped3A : memref<!tpu.dma_semaphore, #tpu.memory_space<semaphore_mem>>) src(%dma_wait3A_56 : memref<128x128xf32, #tpu.memory_space<vmem>>) dst(%dma_wait3A_53 : memref<128x128xf32, #tpu.memory_space<vmem_shared>>)
      tpu.yield
    }) : () -> ()
    %add3A_5 = arith.constant 128 : i32
    %add3A_6 = arith.addi %mul3A_2, %add3A_5 : i32
    "tpu.region"() ({
      %run_scoped3A = tpu.sem_alloc : memref<!tpu.dma_semaphore, #tpu.memory_space<semaphore_mem>>
      %dma_start3A = arith.constant 0 : i32
      %dma_start3A_39 = arith.constant 0 : i32
      %dma_start3A_40 = tpu.memref_slice %arg7[%dma_start3A, %dma_start3A_39] : memref<128x128xf32, #tpu.memory_space<vmem>> -> memref<128x128xf32, #tpu.memory_space<vmem>>
      %dma_start3A_41 = arith.constant 0 : i32
      %dma_start3A_42 = tpu.memref_slice %arg8[%add3A_6, %dma_start3A_41] : memref<10112x128xf32, #tpu.memory_space<vmem_shared>> -> memref<128x128xf32, #tpu.memory_space<vmem_shared>>
      %dma_start3A_43 = arith.constant 0 : i32
      %dma_start3A_44 = tpu.memref_slice %arg8[%add3A_6, %dma_start3A_43] : memref<10112x128xf32, #tpu.memory_space<vmem_shared>> -> memref<128x128xf32, #tpu.memory_space<vmem_shared>>
      %dma_start3A_45 = arith.constant 0 : i32
      %dma_start3A_46 = arith.constant 0 : i32
      %dma_start3A_47 = tpu.memref_slice %arg7[%dma_start3A_45, %dma_start3A_46] : memref<128x128xf32, #tpu.memory_space<vmem>> -> memref<128x128xf32, #tpu.memory_space<vmem>>
      tpu.enqueue_dma source(%dma_start3A_47 : memref<128x128xf32, #tpu.memory_space<vmem>>) target(%dma_start3A_44 : memref<128x128xf32, #tpu.memory_space<vmem_shared>>) target_semaphore(%run_scoped3A : memref<!tpu.dma_semaphore, #tpu.memory_space<semaphore_mem>>)
      %dma_wait3A = arith.constant 0 : i32
      %dma_wait3A_48 = arith.constant 0 : i32
      %dma_wait3A_49 = tpu.memref_slice %arg7[%dma_wait3A, %dma_wait3A_48] : memref<128x128xf32, #tpu.memory_space<vmem>> -> memref<128x128xf32, #tpu.memory_space<vmem>>
      %dma_wait3A_50 = arith.constant 0 : i32
      %dma_wait3A_51 = tpu.memref_slice %arg8[%add3A_6, %dma_wait3A_50] : memref<10112x128xf32, #tpu.memory_space<vmem_shared>> -> memref<128x128xf32, #tpu.memory_space<vmem_shared>>
      %dma_wait3A_52 = arith.constant 0 : i32
      %dma_wait3A_53 = tpu.memref_slice %arg8[%add3A_6, %dma_wait3A_52] : memref<10112x128xf32, #tpu.memory_space<vmem_shared>> -> memref<128x128xf32, #tpu.memory_space<vmem_shared>>
      %dma_wait3A_54 = arith.constant 0 : i32
      %dma_wait3A_55 = arith.constant 0 : i32
      %dma_wait3A_56 = tpu.memref_slice %arg7[%dma_wait3A_54, %dma_wait3A_55] : memref<128x128xf32, #tpu.memory_space<vmem>> -> memref<128x128xf32, #tpu.memory_space<vmem>>
      tpu.wait_dma2 semaphore(%run_scoped3A : memref<!tpu.dma_semaphore, #tpu.memory_space<semaphore_mem>>) src(%dma_wait3A_56 : memref<128x128xf32, #tpu.memory_space<vmem>>) dst(%dma_wait3A_53 : memref<128x128xf32, #tpu.memory_space<vmem_shared>>)
      tpu.yield
    }) : () -> ()
    %add3A_7 = arith.constant 256 : i32
    %add3A_8 = arith.addi %mul3A_2, %add3A_7 : i32
    "tpu.region"() ({
      %run_scoped3A = tpu.sem_alloc : memref<!tpu.dma_semaphore, #tpu.memory_space<semaphore_mem>>
      %dma_start3A = arith.constant 0 : i32
      %dma_start3A_39 = arith.constant 0 : i32
      %dma_start3A_40 = tpu.memref_slice %arg7[%dma_start3A, %dma_start3A_39] : memref<128x128xf32, #tpu.memory_space<vmem>> -> memref<128x128xf32, #tpu.memory_space<vmem>>
      %dma_start3A_41 = arith.constant 0 : i32
      %dma_start3A_42 = tpu.memref_slice %arg8[%add3A_8, %dma_start3A_41] : memref<10112x128xf32, #tpu.memory_space<vmem_shared>> -> memref<128x128xf32, #tpu.memory_space<vmem_shared>>
      %dma_start3A_43 = arith.constant 0 : i32
      %dma_start3A_44 = tpu.memref_slice %arg8[%add3A_8, %dma_start3A_43] : memref<10112x128xf32, #tpu.memory_space<vmem_shared>> -> memref<128x128xf32, #tpu.memory_space<vmem_shared>>
      %dma_start3A_45 = arith.constant 0 : i32
      %dma_start3A_46 = arith.constant 0 : i32
      %dma_start3A_47 = tpu.memref_slice %arg7[%dma_start3A_45, %dma_start3A_46] : memref<128x128xf32, #tpu.memory_space<vmem>> -> memref<128x128xf32, #tpu.memory_space<vmem>>
      tpu.enqueue_dma source(%dma_start3A_47 : memref<128x128xf32, #tpu.memory_space<vmem>>) target(%dma_start3A_44 : memref<128x128xf32, #tpu.memory_space<vmem_shared>>) target_semaphore(%run_scoped3A : memref<!tpu.dma_semaphore, #tpu.memory_space<semaphore_mem>>)
      %dma_wait3A = arith.constant 0 : i32
      %dma_wait3A_48 = arith.constant 0 : i32
      %dma_wait3A_49 = tpu.memref_slice %arg7[%dma_wait3A, %dma_wait3A_48] : memref<128x128xf32, #tpu.memory_space<vmem>> -> memref<128x128xf32, #tpu.memory_space<vmem>>
      %dma_wait3A_50 = arith.constant 0 : i32
      %dma_wait3A_51 = tpu.memref_slice %arg8[%add3A_8, %dma_wait3A_50] : memref<10112x128xf32, #tpu.memory_space<vmem_shared>> -> memref<128x128xf32, #tpu.memory_space<vmem_shared>>
      %dma_wait3A_52 = arith.constant 0 : i32
      %dma_wait3A_53 = tpu.memref_slice %arg8[%add3A_8, %dma_wait3A_52] : memref<10112x128xf32, #tpu.memory_space<vmem_shared>> -> memref<128x128xf32, #tpu.memory_space<vmem_shared>>
      %dma_wait3A_54 = arith.constant 0 : i32
      %dma_wait3A_55 = arith.constant 0 : i32
      %dma_wait3A_56 = tpu.memref_slice %arg7[%dma_wait3A_54, %dma_wait3A_55] : memref<128x128xf32, #tpu.memory_space<vmem>> -> memref<128x128xf32, #tpu.memory_space<vmem>>
      tpu.wait_dma2 semaphore(%run_scoped3A : memref<!tpu.dma_semaphore, #tpu.memory_space<semaphore_mem>>) src(%dma_wait3A_56 : memref<128x128xf32, #tpu.memory_space<vmem>>) dst(%dma_wait3A_53 : memref<128x128xf32, #tpu.memory_space<vmem_shared>>)
      tpu.yield
    }) : () -> ()
    %add3A_9 = arith.constant 384 : i32
    %add3A_10 = arith.addi %mul3A_2, %add3A_9 : i32
    "tpu.region"() ({
      %run_scoped3A = tpu.sem_alloc : memref<!tpu.dma_semaphore, #tpu.memory_space<semaphore_mem>>
      %dma_start3A = arith.constant 0 : i32
      %dma_start3A_39 = arith.constant 0 : i32
      %dma_start3A_40 = tpu.memref_slice %arg7[%dma_start3A, %dma_start3A_39] : memref<128x128xf32, #tpu.memory_space<vmem>> -> memref<128x128xf32, #tpu.memory_space<vmem>>
      %dma_start3A_41 = arith.constant 0 : i32
      %dma_start3A_42 = tpu.memref_slice %arg8[%add3A_10, %dma_start3A_41] : memref<10112x128xf32, #tpu.memory_space<vmem_shared>> -> memref<128x128xf32, #tpu.memory_space<vmem_shared>>
      %dma_start3A_43 = arith.constant 0 : i32
      %dma_start3A_44 = tpu.memref_slice %arg8[%add3A_10, %dma_start3A_43] : memref<10112x128xf32, #tpu.memory_space<vmem_shared>> -> memref<128x128xf32, #tpu.memory_space<vmem_shared>>
      %dma_start3A_45 = arith.constant 0 : i32
      %dma_start3A_46 = arith.constant 0 : i32
      %dma_start3A_47 = tpu.memref_slice %arg7[%dma_start3A_45, %dma_start3A_46] : memref<128x128xf32, #tpu.memory_space<vmem>> -> memref<128x128xf32, #tpu.memory_space<vmem>>
      tpu.enqueue_dma source(%dma_start3A_47 : memref<128x128xf32, #tpu.memory_space<vmem>>) target(%dma_start3A_44 : memref<128x128xf32, #tpu.memory_space<vmem_shared>>) target_semaphore(%run_scoped3A : memref<!tpu.dma_semaphore, #tpu.memory_space<semaphore_mem>>)
      %dma_wait3A = arith.constant 0 : i32
      %dma_wait3A_48 = arith.constant 0 : i32
      %dma_wait3A_49 = tpu.memref_slice %arg7[%dma_wait3A, %dma_wait3A_48] : memref<128x128xf32, #tpu.memory_space<vmem>> -> memref<128x128xf32, #tpu.memory_space<vmem>>
      %dma_wait3A_50 = arith.constant 0 : i32
      %dma_wait3A_51 = tpu.memref_slice %arg8[%add3A_10, %dma_wait3A_50] : memref<10112x128xf32, #tpu.memory_space<vmem_shared>> -> memref<128x128xf32, #tpu.memory_space<vmem_shared>>
      %dma_wait3A_52 = arith.constant 0 : i32
      %dma_wait3A_53 = tpu.memref_slice %arg8[%add3A_10, %dma_wait3A_52] : memref<10112x128xf32, #tpu.memory_space<vmem_shared>> -> memref<128x128xf32, #tpu.memory_space<vmem_shared>>
      %dma_wait3A_54 = arith.constant 0 : i32
      %dma_wait3A_55 = arith.constant 0 : i32
      %dma_wait3A_56 = tpu.memref_slice %arg7[%dma_wait3A_54, %dma_wait3A_55] : memref<128x128xf32, #tpu.memory_space<vmem>> -> memref<128x128xf32, #tpu.memory_space<vmem>>
      tpu.wait_dma2 semaphore(%run_scoped3A : memref<!tpu.dma_semaphore, #tpu.memory_space<semaphore_mem>>) src(%dma_wait3A_56 : memref<128x128xf32, #tpu.memory_space<vmem>>) dst(%dma_wait3A_53 : memref<128x128xf32, #tpu.memory_space<vmem_shared>>)
      tpu.yield
    }) : () -> ()
    %add3A_11 = arith.constant 512 : i32
    %add3A_12 = arith.addi %mul3A_2, %add3A_11 : i32
    "tpu.region"() ({
      %run_scoped3A = tpu.sem_alloc : memref<!tpu.dma_semaphore, #tpu.memory_space<semaphore_mem>>
      %dma_start3A = arith.constant 0 : i32
      %dma_start3A_39 = arith.constant 0 : i32
      %dma_start3A_40 = tpu.memref_slice %arg7[%dma_start3A, %dma_start3A_39] : memref<128x128xf32, #tpu.memory_space<vmem>> -> memref<120x128xf32, #tpu.memory_space<vmem>>
      %dma_start3A_41 = arith.constant 0 : i32
      %dma_start3A_42 = tpu.memref_slice %arg8[%add3A_12, %dma_start3A_41] : memref<10112x128xf32, #tpu.memory_space<vmem_shared>> -> memref<120x128xf32, #tpu.memory_space<vmem_shared>>
      %dma_start3A_43 = arith.constant 0 : i32
      %dma_start3A_44 = tpu.memref_slice %arg8[%add3A_12, %dma_start3A_43] : memref<10112x128xf32, #tpu.memory_space<vmem_shared>> -> memref<120x128xf32, #tpu.memory_space<vmem_shared>>
      %dma_start3A_45 = arith.constant 0 : i32
      %dma_start3A_46 = arith.constant 0 : i32
      %dma_start3A_47 = tpu.memref_slice %arg7[%dma_start3A_45, %dma_start3A_46] : memref<128x128xf32, #tpu.memory_space<vmem>> -> memref<120x128xf32, #tpu.memory_space<vmem>>
      tpu.enqueue_dma source(%dma_start3A_47 : memref<120x128xf32, #tpu.memory_space<vmem>>) target(%dma_start3A_44 : memref<120x128xf32, #tpu.memory_space<vmem_shared>>) target_semaphore(%run_scoped3A : memref<!tpu.dma_semaphore, #tpu.memory_space<semaphore_mem>>)
      %dma_wait3A = arith.constant 0 : i32
      %dma_wait3A_48 = arith.constant 0 : i32
      %dma_wait3A_49 = tpu.memref_slice %arg7[%dma_wait3A, %dma_wait3A_48] : memref<128x128xf32, #tpu.memory_space<vmem>> -> memref<120x128xf32, #tpu.memory_space<vmem>>
      %dma_wait3A_50 = arith.constant 0 : i32
      %dma_wait3A_51 = tpu.memref_slice %arg8[%add3A_12, %dma_wait3A_50] : memref<10112x128xf32, #tpu.memory_space<vmem_shared>> -> memref<120x128xf32, #tpu.memory_space<vmem_shared>>
      %dma_wait3A_52 = arith.constant 0 : i32
      %dma_wait3A_53 = tpu.memref_slice %arg8[%add3A_12, %dma_wait3A_52] : memref<10112x128xf32, #tpu.memory_space<vmem_shared>> -> memref<120x128xf32, #tpu.memory_space<vmem_shared>>
      %dma_wait3A_54 = arith.constant 0 : i32
      %dma_wait3A_55 = arith.constant 0 : i32
      %dma_wait3A_56 = tpu.memref_slice %arg7[%dma_wait3A_54, %dma_wait3A_55] : memref<128x128xf32, #tpu.memory_space<vmem>> -> memref<120x128xf32, #tpu.memory_space<vmem>>
      tpu.wait_dma2 semaphore(%run_scoped3A : memref<!tpu.dma_semaphore, #tpu.memory_space<semaphore_mem>>) src(%dma_wait3A_56 : memref<120x128xf32, #tpu.memory_space<vmem>>) dst(%dma_wait3A_53 : memref<120x128xf32, #tpu.memory_space<vmem_shared>>)
      tpu.yield
    }) : () -> ()
    "tpu.region"() ({
      %run_scoped3A = tpu.sem_alloc : memref<!tpu.dma_semaphore, #tpu.memory_space<semaphore_mem>>
      tpu.enqueue_dma source(%arg4 : memref<128x128xf32, #tpu.memory_space<hbm>>) target(%arg7 : memref<128x128xf32, #tpu.memory_space<vmem>>) target_semaphore(%run_scoped3A : memref<!tpu.dma_semaphore, #tpu.memory_space<semaphore_mem>>)
      tpu.wait_dma2 semaphore(%run_scoped3A : memref<!tpu.dma_semaphore, #tpu.memory_space<semaphore_mem>>) src(%arg4 : memref<128x128xf32, #tpu.memory_space<hbm>>) dst(%arg7 : memref<128x128xf32, #tpu.memory_space<vmem>>)
      tpu.yield
    }) : () -> ()
    %barrier3A = arith.constant 0 : index
    tpu.barrier barrier_id(%barrier3A)
    %scan3A = arith.constant 0 : i32
    %scan3A_13 = arith.constant 0 : i32
    %scan3A_14 = arith.constant 79 : i32
    %scan3A_15 = arith.addi %scan3A_13, %scan3A_14 : i32
    %scan3A_16 = arith.constant 1 : i32
    scf.for %scan3A_39 = %scan3A_13 to %scan3A_15 step %scan3A_16  : i32 {
      "tpu.region"() ({
        %run_scoped3A = tpu.sem_alloc : memref<!tpu.dma_semaphore, #tpu.memory_space<semaphore_mem>>
        %dma_start3A = arith.constant 0 : i32
        %dma_start3A_40 = tpu.memref_slice %arg6[%scan3A_39, %dma_start3A] : memref<79x128xi32, #tpu.memory_space<vmem>> -> memref<1x128xi32, #tpu.memory_space<vmem>>
        %dma_start3A_41 = tpu.memref_squeeze %dma_start3A_40 : memref<1x128xi32, #tpu.memory_space<vmem>> -> memref<128xi32, #tpu.memory_space<vmem>>
        %dma_start3A_42 = arith.constant 0 : i32
        %dma_start3A_43 = arith.constant 0 : i32
        %dma_start3A_44 = tpu.memref_slice %arg8[%dma_start3A_42, %dma_start3A_43] : memref<10112x128xf32, #tpu.memory_space<vmem_shared>> -> memref<10112x128xf32, #tpu.memory_space<vmem_shared>>
        tpu.enqueue_indirect_dma source(%arg7 : memref<128x128xf32, #tpu.memory_space<vmem>>) target(%dma_start3A_44 : memref<10112x128xf32, #tpu.memory_space<vmem_shared>>) offsets(%dma_start3A_41 : memref<128xi32, #tpu.memory_space<vmem>>) semaphore(%run_scoped3A : memref<!tpu.dma_semaphore, #tpu.memory_space<semaphore_mem>>) {add = true}
        %dma_wait3A = arith.constant 0 : i32
        %dma_wait3A_45 = tpu.memref_slice %arg6[%scan3A_39, %dma_wait3A] : memref<79x128xi32, #tpu.memory_space<vmem>> -> memref<1x128xi32, #tpu.memory_space<vmem>>
        %dma_wait3A_46 = tpu.memref_squeeze %dma_wait3A_45 : memref<1x128xi32, #tpu.memory_space<vmem>> -> memref<128xi32, #tpu.memory_space<vmem>>
        %dma_wait3A_47 = arith.constant 0 : i32
        %dma_wait3A_48 = arith.constant 0 : i32
        %dma_wait3A_49 = tpu.memref_slice %arg8[%dma_wait3A_47, %dma_wait3A_48] : memref<10112x128xf32, #tpu.memory_space<vmem_shared>> -> memref<10112x128xf32, #tpu.memory_space<vmem_shared>>
        tpu.wait_indirect_dma semaphore(%run_scoped3A : memref<!tpu.dma_semaphore, #tpu.memory_space<semaphore_mem>>) src(%arg7 : memref<128x128xf32, #tpu.memory_space<vmem>>) dst(%dma_wait3A_49 : memref<10112x128xf32, #tpu.memory_space<vmem_shared>>)
        tpu.yield
      }) : () -> ()
    }
    %scan3A_17 = arith.constant 79 : i32
    %barrier3A_18 = arith.constant 0 : index
    tpu.barrier barrier_id(%barrier3A_18)
    %add3A_19 = arith.constant 0 : i32
    %add3A_20 = arith.addi %mul3A_2, %add3A_19 : i32
    "tpu.region"() ({
      %run_scoped3A = tpu.sem_alloc : memref<!tpu.dma_semaphore, #tpu.memory_space<semaphore_mem>>
      %dma_start3A = arith.constant 0 : i32
      %dma_start3A_39 = arith.constant 0 : i32
      %dma_start3A_40 = tpu.memref_slice %arg7[%dma_start3A, %dma_start3A_39] : memref<128x128xf32, #tpu.memory_space<vmem>> -> memref<128x128xf32, #tpu.memory_space<vmem>>
      %dma_start3A_41 = arith.constant 0 : i32
      %dma_start3A_42 = tpu.memref_slice %arg8[%add3A_20, %dma_start3A_41] : memref<10112x128xf32, #tpu.memory_space<vmem_shared>> -> memref<128x128xf32, #tpu.memory_space<vmem_shared>>
      %dma_start3A_43 = arith.constant 0 : i32
      %dma_start3A_44 = arith.constant 0 : i32
      %dma_start3A_45 = tpu.memref_slice %arg7[%dma_start3A_43, %dma_start3A_44] : memref<128x128xf32, #tpu.memory_space<vmem>> -> memref<128x128xf32, #tpu.memory_space<vmem>>
      %dma_start3A_46 = arith.constant 0 : i32
      %dma_start3A_47 = tpu.memref_slice %arg8[%add3A_20, %dma_start3A_46] : memref<10112x128xf32, #tpu.memory_space<vmem_shared>> -> memref<128x128xf32, #tpu.memory_space<vmem_shared>>
      tpu.enqueue_dma source(%dma_start3A_47 : memref<128x128xf32, #tpu.memory_space<vmem_shared>>) target(%dma_start3A_45 : memref<128x128xf32, #tpu.memory_space<vmem>>) target_semaphore(%run_scoped3A : memref<!tpu.dma_semaphore, #tpu.memory_space<semaphore_mem>>)
      %dma_wait3A = arith.constant 0 : i32
      %dma_wait3A_48 = arith.constant 0 : i32
      %dma_wait3A_49 = tpu.memref_slice %arg7[%dma_wait3A, %dma_wait3A_48] : memref<128x128xf32, #tpu.memory_space<vmem>> -> memref<128x128xf32, #tpu.memory_space<vmem>>
      %dma_wait3A_50 = arith.constant 0 : i32
      %dma_wait3A_51 = tpu.memref_slice %arg8[%add3A_20, %dma_wait3A_50] : memref<10112x128xf32, #tpu.memory_space<vmem_shared>> -> memref<128x128xf32, #tpu.memory_space<vmem_shared>>
      %dma_wait3A_52 = arith.constant 0 : i32
      %dma_wait3A_53 = arith.constant 0 : i32
      %dma_wait3A_54 = tpu.memref_slice %arg7[%dma_wait3A_52, %dma_wait3A_53] : memref<128x128xf32, #tpu.memory_space<vmem>> -> memref<128x128xf32, #tpu.memory_space<vmem>>
      %dma_wait3A_55 = arith.constant 0 : i32
      %dma_wait3A_56 = tpu.memref_slice %arg8[%add3A_20, %dma_wait3A_55] : memref<10112x128xf32, #tpu.memory_space<vmem_shared>> -> memref<128x128xf32, #tpu.memory_space<vmem_shared>>
      tpu.wait_dma2 semaphore(%run_scoped3A : memref<!tpu.dma_semaphore, #tpu.memory_space<semaphore_mem>>) src(%dma_wait3A_56 : memref<128x128xf32, #tpu.memory_space<vmem_shared>>) dst(%dma_wait3A_54 : memref<128x128xf32, #tpu.memory_space<vmem>>)
      tpu.yield
    }) : () -> ()
    %add3A_21 = arith.constant 0 : i32
    %add3A_22 = arith.addi %mul3A_2, %add3A_21 : i32
    "tpu.region"() ({
      %run_scoped3A = tpu.sem_alloc : memref<!tpu.dma_semaphore, #tpu.memory_space<semaphore_mem>>
      %dma_start3A = arith.constant 0 : i32
      %dma_start3A_39 = arith.constant 0 : i32
      %dma_start3A_40 = tpu.memref_slice %arg7[%dma_start3A, %dma_start3A_39] : memref<128x128xf32, #tpu.memory_space<vmem>> -> memref<128x128xf32, #tpu.memory_space<vmem>>
      %dma_start3A_41 = arith.constant 0 : i32
      %dma_start3A_42 = tpu.memref_slice %arg5[%arg0, %add3A_22, %dma_start3A_41] : memref<2x10112x128xf32, #tpu.memory_space<hbm>> -> memref<1x128x128xf32, #tpu.memory_space<hbm>>
      %dma_start3A_43 = tpu.memref_squeeze %dma_start3A_42 : memref<1x128x128xf32, #tpu.memory_space<hbm>> -> memref<128x128xf32, #tpu.memory_space<hbm>>
      %dma_start3A_44 = arith.constant 0 : i32
      %dma_start3A_45 = tpu.memref_slice %arg5[%arg0, %add3A_22, %dma_start3A_44] : memref<2x10112x128xf32, #tpu.memory_space<hbm>> -> memref<1x128x128xf32, #tpu.memory_space<hbm>>
      %dma_start3A_46 = tpu.memref_squeeze %dma_start3A_45 : memref<1x128x128xf32, #tpu.memory_space<hbm>> -> memref<128x128xf32, #tpu.memory_space<hbm>>
      %dma_start3A_47 = arith.constant 0 : i32
      %dma_start3A_48 = arith.constant 0 : i32
      %dma_start3A_49 = tpu.memref_slice %arg7[%dma_start3A_47, %dma_start3A_48] : memref<128x128xf32, #tpu.memory_space<vmem>> -> memref<128x128xf32, #tpu.memory_space<vmem>>
      tpu.enqueue_dma source(%dma_start3A_49 : memref<128x128xf32, #tpu.memory_space<vmem>>) target(%dma_start3A_46 : memref<128x128xf32, #tpu.memory_space<hbm>>) target_semaphore(%run_scoped3A : memref<!tpu.dma_semaphore, #tpu.memory_space<semaphore_mem>>)
      %dma_wait3A = arith.constant 0 : i32
      %dma_wait3A_50 = arith.constant 0 : i32
      %dma_wait3A_51 = tpu.memref_slice %arg7[%dma_wait3A, %dma_wait3A_50] : memref<128x128xf32, #tpu.memory_space<vmem>> -> memref<128x128xf32, #tpu.memory_space<vmem>>
      %dma_wait3A_52 = arith.constant 0 : i32
      %dma_wait3A_53 = tpu.memref_slice %arg5[%arg0, %add3A_22, %dma_wait3A_52] : memref<2x10112x128xf32, #tpu.memory_space<hbm>> -> memref<1x128x128xf32, #tpu.memory_space<hbm>>
      %dma_wait3A_54 = tpu.memref_squeeze %dma_wait3A_53 : memref<1x128x128xf32, #tpu.memory_space<hbm>> -> memref<128x128xf32, #tpu.memory_space<hbm>>
      %dma_wait3A_55 = arith.constant 0 : i32
      %dma_wait3A_56 = tpu.memref_slice %arg5[%arg0, %add3A_22, %dma_wait3A_55] : memref<2x10112x128xf32, #tpu.memory_space<hbm>> -> memref<1x128x128xf32, #tpu.memory_space<hbm>>
      %dma_wait3A_57 = tpu.memref_squeeze %dma_wait3A_56 : memref<1x128x128xf32, #tpu.memory_space<hbm>> -> memref<128x128xf32, #tpu.memory_space<hbm>>
      %dma_wait3A_58 = arith.constant 0 : i32
      %dma_wait3A_59 = arith.constant 0 : i32
      %dma_wait3A_60 = tpu.memref_slice %arg7[%dma_wait3A_58, %dma_wait3A_59] : memref<128x128xf32, #tpu.memory_space<vmem>> -> memref<128x128xf32, #tpu.memory_space<vmem>>
      tpu.wait_dma2 semaphore(%run_scoped3A : memref<!tpu.dma_semaphore, #tpu.memory_space<semaphore_mem>>) src(%dma_wait3A_60 : memref<128x128xf32, #tpu.memory_space<vmem>>) dst(%dma_wait3A_57 : memref<128x128xf32, #tpu.memory_space<hbm>>)
      tpu.yield
    }) : () -> ()
    %add3A_23 = arith.constant 128 : i32
    %add3A_24 = arith.addi %mul3A_2, %add3A_23 : i32
    "tpu.region"() ({
      %run_scoped3A = tpu.sem_alloc : memref<!tpu.dma_semaphore, #tpu.memory_space<semaphore_mem>>
      %dma_start3A = arith.constant 0 : i32
      %dma_start3A_39 = arith.constant 0 : i32
      %dma_start3A_40 = tpu.memref_slice %arg7[%dma_start3A, %dma_start3A_39] : memref<128x128xf32, #tpu.memory_space<vmem>> -> memref<128x128xf32, #tpu.memory_space<vmem>>
      %dma_start3A_41 = arith.constant 0 : i32
      %dma_start3A_42 = tpu.memref_slice %arg8[%add3A_24, %dma_start3A_41] : memref<10112x128xf32, #tpu.memory_space<vmem_shared>> -> memref<128x128xf32, #tpu.memory_space<vmem_shared>>
      %dma_start3A_43 = arith.constant 0 : i32
      %dma_start3A_44 = arith.constant 0 : i32
      %dma_start3A_45 = tpu.memref_slice %arg7[%dma_start3A_43, %dma_start3A_44] : memref<128x128xf32, #tpu.memory_space<vmem>> -> memref<128x128xf32, #tpu.memory_space<vmem>>
      %dma_start3A_46 = arith.constant 0 : i32
      %dma_start3A_47 = tpu.memref_slice %arg8[%add3A_24, %dma_start3A_46] : memref<10112x128xf32, #tpu.memory_space<vmem_shared>> -> memref<128x128xf32, #tpu.memory_space<vmem_shared>>
      tpu.enqueue_dma source(%dma_start3A_47 : memref<128x128xf32, #tpu.memory_space<vmem_shared>>) target(%dma_start3A_45 : memref<128x128xf32, #tpu.memory_space<vmem>>) target_semaphore(%run_scoped3A : memref<!tpu.dma_semaphore, #tpu.memory_space<semaphore_mem>>)
      %dma_wait3A = arith.constant 0 : i32
      %dma_wait3A_48 = arith.constant 0 : i32
      %dma_wait3A_49 = tpu.memref_slice %arg7[%dma_wait3A, %dma_wait3A_48] : memref<128x128xf32, #tpu.memory_space<vmem>> -> memref<128x128xf32, #tpu.memory_space<vmem>>
      %dma_wait3A_50 = arith.constant 0 : i32
      %dma_wait3A_51 = tpu.memref_slice %arg8[%add3A_24, %dma_wait3A_50] : memref<10112x128xf32, #tpu.memory_space<vmem_shared>> -> memref<128x128xf32, #tpu.memory_space<vmem_shared>>
      %dma_wait3A_52 = arith.constant 0 : i32
      %dma_wait3A_53 = arith.constant 0 : i32
      %dma_wait3A_54 = tpu.memref_slice %arg7[%dma_wait3A_52, %dma_wait3A_53] : memref<128x128xf32, #tpu.memory_space<vmem>> -> memref<128x128xf32, #tpu.memory_space<vmem>>
      %dma_wait3A_55 = arith.constant 0 : i32
      %dma_wait3A_56 = tpu.memref_slice %arg8[%add3A_24, %dma_wait3A_55] : memref<10112x128xf32, #tpu.memory_space<vmem_shared>> -> memref<128x128xf32, #tpu.memory_space<vmem_shared>>
      tpu.wait_dma2 semaphore(%run_scoped3A : memref<!tpu.dma_semaphore, #tpu.memory_space<semaphore_mem>>) src(%dma_wait3A_56 : memref<128x128xf32, #tpu.memory_space<vmem_shared>>) dst(%dma_wait3A_54 : memref<128x128xf32, #tpu.memory_space<vmem>>)
      tpu.yield
    }) : () -> ()
    %add3A_25 = arith.constant 128 : i32
    %add3A_26 = arith.addi %mul3A_2, %add3A_25 : i32
    "tpu.region"() ({
      %run_scoped3A = tpu.sem_alloc : memref<!tpu.dma_semaphore, #tpu.memory_space<semaphore_mem>>
      %dma_start3A = arith.constant 0 : i32
      %dma_start3A_39 = arith.constant 0 : i32
      %dma_start3A_40 = tpu.memref_slice %arg7[%dma_start3A, %dma_start3A_39] : memref<128x128xf32, #tpu.memory_space<vmem>> -> memref<128x128xf32, #tpu.memory_space<vmem>>
      %dma_start3A_41 = arith.constant 0 : i32
      %dma_start3A_42 = tpu.memref_slice %arg5[%arg0, %add3A_26, %dma_start3A_41] : memref<2x10112x128xf32, #tpu.memory_space<hbm>> -> memref<1x128x128xf32, #tpu.memory_space<hbm>>
      %dma_start3A_43 = tpu.memref_squeeze %dma_start3A_42 : memref<1x128x128xf32, #tpu.memory_space<hbm>> -> memref<128x128xf32, #tpu.memory_space<hbm>>
      %dma_start3A_44 = arith.constant 0 : i32
      %dma_start3A_45 = tpu.memref_slice %arg5[%arg0, %add3A_26, %dma_start3A_44] : memref<2x10112x128xf32, #tpu.memory_space<hbm>> -> memref<1x128x128xf32, #tpu.memory_space<hbm>>
      %dma_start3A_46 = tpu.memref_squeeze %dma_start3A_45 : memref<1x128x128xf32, #tpu.memory_space<hbm>> -> memref<128x128xf32, #tpu.memory_space<hbm>>
      %dma_start3A_47 = arith.constant 0 : i32
      %dma_start3A_48 = arith.constant 0 : i32
      %dma_start3A_49 = tpu.memref_slice %arg7[%dma_start3A_47, %dma_start3A_48] : memref<128x128xf32, #tpu.memory_space<vmem>> -> memref<128x128xf32, #tpu.memory_space<vmem>>
      tpu.enqueue_dma source(%dma_start3A_49 : memref<128x128xf32, #tpu.memory_space<vmem>>) target(%dma_start3A_46 : memref<128x128xf32, #tpu.memory_space<hbm>>) target_semaphore(%run_scoped3A : memref<!tpu.dma_semaphore, #tpu.memory_space<semaphore_mem>>)
      %dma_wait3A = arith.constant 0 : i32
      %dma_wait3A_50 = arith.constant 0 : i32
      %dma_wait3A_51 = tpu.memref_slice %arg7[%dma_wait3A, %dma_wait3A_50] : memref<128x128xf32, #tpu.memory_space<vmem>> -> memref<128x128xf32, #tpu.memory_space<vmem>>
      %dma_wait3A_52 = arith.constant 0 : i32
      %dma_wait3A_53 = tpu.memref_slice %arg5[%arg0, %add3A_26, %dma_wait3A_52] : memref<2x10112x128xf32, #tpu.memory_space<hbm>> -> memref<1x128x128xf32, #tpu.memory_space<hbm>>
      %dma_wait3A_54 = tpu.memref_squeeze %dma_wait3A_53 : memref<1x128x128xf32, #tpu.memory_space<hbm>> -> memref<128x128xf32, #tpu.memory_space<hbm>>
      %dma_wait3A_55 = arith.constant 0 : i32
      %dma_wait3A_56 = tpu.memref_slice %arg5[%arg0, %add3A_26, %dma_wait3A_55] : memref<2x10112x128xf32, #tpu.memory_space<hbm>> -> memref<1x128x128xf32, #tpu.memory_space<hbm>>
      %dma_wait3A_57 = tpu.memref_squeeze %dma_wait3A_56 : memref<1x128x128xf32, #tpu.memory_space<hbm>> -> memref<128x128xf32, #tpu.memory_space<hbm>>
      %dma_wait3A_58 = arith.constant 0 : i32
      %dma_wait3A_59 = arith.constant 0 : i32
      %dma_wait3A_60 = tpu.memref_slice %arg7[%dma_wait3A_58, %dma_wait3A_59] : memref<128x128xf32, #tpu.memory_space<vmem>> -> memref<128x128xf32, #tpu.memory_space<vmem>>
      tpu.wait_dma2 semaphore(%run_scoped3A : memref<!tpu.dma_semaphore, #tpu.memory_space<semaphore_mem>>) src(%dma_wait3A_60 : memref<128x128xf32, #tpu.memory_space<vmem>>) dst(%dma_wait3A_57 : memref<128x128xf32, #tpu.memory_space<hbm>>)
      tpu.yield
    }) : () -> ()
    %add3A_27 = arith.constant 256 : i32
    %add3A_28 = arith.addi %mul3A_2, %add3A_27 : i32
    "tpu.region"() ({
      %run_scoped3A = tpu.sem_alloc : memref<!tpu.dma_semaphore, #tpu.memory_space<semaphore_mem>>
      %dma_start3A = arith.constant 0 : i32
      %dma_start3A_39 = arith.constant 0 : i32
      %dma_start3A_40 = tpu.memref_slice %arg7[%dma_start3A, %dma_start3A_39] : memref<128x128xf32, #tpu.memory_space<vmem>> -> memref<128x128xf32, #tpu.memory_space<vmem>>
      %dma_start3A_41 = arith.constant 0 : i32
      %dma_start3A_42 = tpu.memref_slice %arg8[%add3A_28, %dma_start3A_41] : memref<10112x128xf32, #tpu.memory_space<vmem_shared>> -> memref<128x128xf32, #tpu.memory_space<vmem_shared>>
      %dma_start3A_43 = arith.constant 0 : i32
      %dma_start3A_44 = arith.constant 0 : i32
      %dma_start3A_45 = tpu.memref_slice %arg7[%dma_start3A_43, %dma_start3A_44] : memref<128x128xf32, #tpu.memory_space<vmem>> -> memref<128x128xf32, #tpu.memory_space<vmem>>
      %dma_start3A_46 = arith.constant 0 : i32
      %dma_start3A_47 = tpu.memref_slice %arg8[%add3A_28, %dma_start3A_46] : memref<10112x128xf32, #tpu.memory_space<vmem_shared>> -> memref<128x128xf32, #tpu.memory_space<vmem_shared>>
      tpu.enqueue_dma source(%dma_start3A_47 : memref<128x128xf32, #tpu.memory_space<vmem_shared>>) target(%dma_start3A_45 : memref<128x128xf32, #tpu.memory_space<vmem>>) target_semaphore(%run_scoped3A : memref<!tpu.dma_semaphore, #tpu.memory_space<semaphore_mem>>)
      %dma_wait3A = arith.constant 0 : i32
      %dma_wait3A_48 = arith.constant 0 : i32
      %dma_wait3A_49 = tpu.memref_slice %arg7[%dma_wait3A, %dma_wait3A_48] : memref<128x128xf32, #tpu.memory_space<vmem>> -> memref<128x128xf32, #tpu.memory_space<vmem>>
      %dma_wait3A_50 = arith.constant 0 : i32
      %dma_wait3A_51 = tpu.memref_slice %arg8[%add3A_28, %dma_wait3A_50] : memref<10112x128xf32, #tpu.memory_space<vmem_shared>> -> memref<128x128xf32, #tpu.memory_space<vmem_shared>>
      %dma_wait3A_52 = arith.constant 0 : i32
      %dma_wait3A_53 = arith.constant 0 : i32
      %dma_wait3A_54 = tpu.memref_slice %arg7[%dma_wait3A_52, %dma_wait3A_53] : memref<128x128xf32, #tpu.memory_space<vmem>> -> memref<128x128xf32, #tpu.memory_space<vmem>>
      %dma_wait3A_55 = arith.constant 0 : i32
      %dma_wait3A_56 = tpu.memref_slice %arg8[%add3A_28, %dma_wait3A_55] : memref<10112x128xf32, #tpu.memory_space<vmem_shared>> -> memref<128x128xf32, #tpu.memory_space<vmem_shared>>
      tpu.wait_dma2 semaphore(%run_scoped3A : memref<!tpu.dma_semaphore, #tpu.memory_space<semaphore_mem>>) src(%dma_wait3A_56 : memref<128x128xf32, #tpu.memory_space<vmem_shared>>) dst(%dma_wait3A_54 : memref<128x128xf32, #tpu.memory_space<vmem>>)
      tpu.yield
    }) : () -> ()
    %add3A_29 = arith.constant 256 : i32
    %add3A_30 = arith.addi %mul3A_2, %add3A_29 : i32
    "tpu.region"() ({
      %run_scoped3A = tpu.sem_alloc : memref<!tpu.dma_semaphore, #tpu.memory_space<semaphore_mem>>
      %dma_start3A = arith.constant 0 : i32
      %dma_start3A_39 = arith.constant 0 : i32
      %dma_start3A_40 = tpu.memref_slice %arg7[%dma_start3A, %dma_start3A_39] : memref<128x128xf32, #tpu.memory_space<vmem>> -> memref<128x128xf32, #tpu.memory_space<vmem>>
      %dma_start3A_41 = arith.constant 0 : i32
      %dma_start3A_42 = tpu.memref_slice %arg5[%arg0, %add3A_30, %dma_start3A_41] : memref<2x10112x128xf32, #tpu.memory_space<hbm>> -> memref<1x128x128xf32, #tpu.memory_space<hbm>>
      %dma_start3A_43 = tpu.memref_squeeze %dma_start3A_42 : memref<1x128x128xf32, #tpu.memory_space<hbm>> -> memref<128x128xf32, #tpu.memory_space<hbm>>
      %dma_start3A_44 = arith.constant 0 : i32
      %dma_start3A_45 = tpu.memref_slice %arg5[%arg0, %add3A_30, %dma_start3A_44] : memref<2x10112x128xf32, #tpu.memory_space<hbm>> -> memref<1x128x128xf32, #tpu.memory_space<hbm>>
      %dma_start3A_46 = tpu.memref_squeeze %dma_start3A_45 : memref<1x128x128xf32, #tpu.memory_space<hbm>> -> memref<128x128xf32, #tpu.memory_space<hbm>>
      %dma_start3A_47 = arith.constant 0 : i32
      %dma_start3A_48 = arith.constant 0 : i32
      %dma_start3A_49 = tpu.memref_slice %arg7[%dma_start3A_47, %dma_start3A_48] : memref<128x128xf32, #tpu.memory_space<vmem>> -> memref<128x128xf32, #tpu.memory_space<vmem>>
      tpu.enqueue_dma source(%dma_start3A_49 : memref<128x128xf32, #tpu.memory_space<vmem>>) target(%dma_start3A_46 : memref<128x128xf32, #tpu.memory_space<hbm>>) target_semaphore(%run_scoped3A : memref<!tpu.dma_semaphore, #tpu.memory_space<semaphore_mem>>)
      %dma_wait3A = arith.constant 0 : i32
      %dma_wait3A_50 = arith.constant 0 : i32
      %dma_wait3A_51 = tpu.memref_slice %arg7[%dma_wait3A, %dma_wait3A_50] : memref<128x128xf32, #tpu.memory_space<vmem>> -> memref<128x128xf32, #tpu.memory_space<vmem>>
      %dma_wait3A_52 = arith.constant 0 : i32
      %dma_wait3A_53 = tpu.memref_slice %arg5[%arg0, %add3A_30, %dma_wait3A_52] : memref<2x10112x128xf32, #tpu.memory_space<hbm>> -> memref<1x128x128xf32, #tpu.memory_space<hbm>>
      %dma_wait3A_54 = tpu.memref_squeeze %dma_wait3A_53 : memref<1x128x128xf32, #tpu.memory_space<hbm>> -> memref<128x128xf32, #tpu.memory_space<hbm>>
      %dma_wait3A_55 = arith.constant 0 : i32
      %dma_wait3A_56 = tpu.memref_slice %arg5[%arg0, %add3A_30, %dma_wait3A_55] : memref<2x10112x128xf32, #tpu.memory_space<hbm>> -> memref<1x128x128xf32, #tpu.memory_space<hbm>>
      %dma_wait3A_57 = tpu.memref_squeeze %dma_wait3A_56 : memref<1x128x128xf32, #tpu.memory_space<hbm>> -> memref<128x128xf32, #tpu.memory_space<hbm>>
      %dma_wait3A_58 = arith.constant 0 : i32
      %dma_wait3A_59 = arith.constant 0 : i32
      %dma_wait3A_60 = tpu.memref_slice %arg7[%dma_wait3A_58, %dma_wait3A_59] : memref<128x128xf32, #tpu.memory_space<vmem>> -> memref<128x128xf32, #tpu.memory_space<vmem>>
      tpu.wait_dma2 semaphore(%run_scoped3A : memref<!tpu.dma_semaphore, #tpu.memory_space<semaphore_mem>>) src(%dma_wait3A_60 : memref<128x128xf32, #tpu.memory_space<vmem>>) dst(%dma_wait3A_57 : memref<128x128xf32, #tpu.memory_space<hbm>>)
      tpu.yield
    }) : () -> ()
    %add3A_31 = arith.constant 384 : i32
    %add3A_32 = arith.addi %mul3A_2, %add3A_31 : i32
    "tpu.region"() ({
      %run_scoped3A = tpu.sem_alloc : memref<!tpu.dma_semaphore, #tpu.memory_space<semaphore_mem>>
      %dma_start3A = arith.constant 0 : i32
      %dma_start3A_39 = arith.constant 0 : i32
      %dma_start3A_40 = tpu.memref_slice %arg7[%dma_start3A, %dma_start3A_39] : memref<128x128xf32, #tpu.memory_space<vmem>> -> memref<128x128xf32, #tpu.memory_space<vmem>>
      %dma_start3A_41 = arith.constant 0 : i32
      %dma_start3A_42 = tpu.memref_slice %arg8[%add3A_32, %dma_start3A_41] : memref<10112x128xf32, #tpu.memory_space<vmem_shared>> -> memref<128x128xf32, #tpu.memory_space<vmem_shared>>
      %dma_start3A_43 = arith.constant 0 : i32
      %dma_start3A_44 = arith.constant 0 : i32
      %dma_start3A_45 = tpu.memref_slice %arg7[%dma_start3A_43, %dma_start3A_44] : memref<128x128xf32, #tpu.memory_space<vmem>> -> memref<128x128xf32, #tpu.memory_space<vmem>>
      %dma_start3A_46 = arith.constant 0 : i32
      %dma_start3A_47 = tpu.memref_slice %arg8[%add3A_32, %dma_start3A_46] : memref<10112x128xf32, #tpu.memory_space<vmem_shared>> -> memref<128x128xf32, #tpu.memory_space<vmem_shared>>
      tpu.enqueue_dma source(%dma_start3A_47 : memref<128x128xf32, #tpu.memory_space<vmem_shared>>) target(%dma_start3A_45 : memref<128x128xf32, #tpu.memory_space<vmem>>) target_semaphore(%run_scoped3A : memref<!tpu.dma_semaphore, #tpu.memory_space<semaphore_mem>>)
      %dma_wait3A = arith.constant 0 : i32
      %dma_wait3A_48 = arith.constant 0 : i32
      %dma_wait3A_49 = tpu.memref_slice %arg7[%dma_wait3A, %dma_wait3A_48] : memref<128x128xf32, #tpu.memory_space<vmem>> -> memref<128x128xf32, #tpu.memory_space<vmem>>
      %dma_wait3A_50 = arith.constant 0 : i32
      %dma_wait3A_51 = tpu.memref_slice %arg8[%add3A_32, %dma_wait3A_50] : memref<10112x128xf32, #tpu.memory_space<vmem_shared>> -> memref<128x128xf32, #tpu.memory_space<vmem_shared>>
      %dma_wait3A_52 = arith.constant 0 : i32
      %dma_wait3A_53 = arith.constant 0 : i32
      %dma_wait3A_54 = tpu.memref_slice %arg7[%dma_wait3A_52, %dma_wait3A_53] : memref<128x128xf32, #tpu.memory_space<vmem>> -> memref<128x128xf32, #tpu.memory_space<vmem>>
      %dma_wait3A_55 = arith.constant 0 : i32
      %dma_wait3A_56 = tpu.memref_slice %arg8[%add3A_32, %dma_wait3A_55] : memref<10112x128xf32, #tpu.memory_space<vmem_shared>> -> memref<128x128xf32, #tpu.memory_space<vmem_shared>>
      tpu.wait_dma2 semaphore(%run_scoped3A : memref<!tpu.dma_semaphore, #tpu.memory_space<semaphore_mem>>) src(%dma_wait3A_56 : memref<128x128xf32, #tpu.memory_space<vmem_shared>>) dst(%dma_wait3A_54 : memref<128x128xf32, #tpu.memory_space<vmem>>)
      tpu.yield
    }) : () -> ()
    %add3A_33 = arith.constant 384 : i32
    %add3A_34 = arith.addi %mul3A_2, %add3A_33 : i32
    "tpu.region"() ({
      %run_scoped3A = tpu.sem_alloc : memref<!tpu.dma_semaphore, #tpu.memory_space<semaphore_mem>>
      %dma_start3A = arith.constant 0 : i32
      %dma_start3A_39 = arith.constant 0 : i32
      %dma_start3A_40 = tpu.memref_slice %arg7[%dma_start3A, %dma_start3A_39] : memref<128x128xf32, #tpu.memory_space<vmem>> -> memref<128x128xf32, #tpu.memory_space<vmem>>
      %dma_start3A_41 = arith.constant 0 : i32
      %dma_start3A_42 = tpu.memref_slice %arg5[%arg0, %add3A_34, %dma_start3A_41] : memref<2x10112x128xf32, #tpu.memory_space<hbm>> -> memref<1x128x128xf32, #tpu.memory_space<hbm>>
      %dma_start3A_43 = tpu.memref_squeeze %dma_start3A_42 : memref<1x128x128xf32, #tpu.memory_space<hbm>> -> memref<128x128xf32, #tpu.memory_space<hbm>>
      %dma_start3A_44 = arith.constant 0 : i32
      %dma_start3A_45 = tpu.memref_slice %arg5[%arg0, %add3A_34, %dma_start3A_44] : memref<2x10112x128xf32, #tpu.memory_space<hbm>> -> memref<1x128x128xf32, #tpu.memory_space<hbm>>
      %dma_start3A_46 = tpu.memref_squeeze %dma_start3A_45 : memref<1x128x128xf32, #tpu.memory_space<hbm>> -> memref<128x128xf32, #tpu.memory_space<hbm>>
      %dma_start3A_47 = arith.constant 0 : i32
      %dma_start3A_48 = arith.constant 0 : i32
      %dma_start3A_49 = tpu.memref_slice %arg7[%dma_start3A_47, %dma_start3A_48] : memref<128x128xf32, #tpu.memory_space<vmem>> -> memref<128x128xf32, #tpu.memory_space<vmem>>
      tpu.enqueue_dma source(%dma_start3A_49 : memref<128x128xf32, #tpu.memory_space<vmem>>) target(%dma_start3A_46 : memref<128x128xf32, #tpu.memory_space<hbm>>) target_semaphore(%run_scoped3A : memref<!tpu.dma_semaphore, #tpu.memory_space<semaphore_mem>>)
      %dma_wait3A = arith.constant 0 : i32
      %dma_wait3A_50 = arith.constant 0 : i32
      %dma_wait3A_51 = tpu.memref_slice %arg7[%dma_wait3A, %dma_wait3A_50] : memref<128x128xf32, #tpu.memory_space<vmem>> -> memref<128x128xf32, #tpu.memory_space<vmem>>
      %dma_wait3A_52 = arith.constant 0 : i32
      %dma_wait3A_53 = tpu.memref_slice %arg5[%arg0, %add3A_34, %dma_wait3A_52] : memref<2x10112x128xf32, #tpu.memory_space<hbm>> -> memref<1x128x128xf32, #tpu.memory_space<hbm>>
      %dma_wait3A_54 = tpu.memref_squeeze %dma_wait3A_53 : memref<1x128x128xf32, #tpu.memory_space<hbm>> -> memref<128x128xf32, #tpu.memory_space<hbm>>
      %dma_wait3A_55 = arith.constant 0 : i32
      %dma_wait3A_56 = tpu.memref_slice %arg5[%arg0, %add3A_34, %dma_wait3A_55] : memref<2x10112x128xf32, #tpu.memory_space<hbm>> -> memref<1x128x128xf32, #tpu.memory_space<hbm>>
      %dma_wait3A_57 = tpu.memref_squeeze %dma_wait3A_56 : memref<1x128x128xf32, #tpu.memory_space<hbm>> -> memref<128x128xf32, #tpu.memory_space<hbm>>
      %dma_wait3A_58 = arith.constant 0 : i32
      %dma_wait3A_59 = arith.constant 0 : i32
      %dma_wait3A_60 = tpu.memref_slice %arg7[%dma_wait3A_58, %dma_wait3A_59] : memref<128x128xf32, #tpu.memory_space<vmem>> -> memref<128x128xf32, #tpu.memory_space<vmem>>
      tpu.wait_dma2 semaphore(%run_scoped3A : memref<!tpu.dma_semaphore, #tpu.memory_space<semaphore_mem>>) src(%dma_wait3A_60 : memref<128x128xf32, #tpu.memory_space<vmem>>) dst(%dma_wait3A_57 : memref<128x128xf32, #tpu.memory_space<hbm>>)
      tpu.yield
    }) : () -> ()
    %add3A_35 = arith.constant 512 : i32
    %add3A_36 = arith.addi %mul3A_2, %add3A_35 : i32
    "tpu.region"() ({
      %run_scoped3A = tpu.sem_alloc : memref<!tpu.dma_semaphore, #tpu.memory_space<semaphore_mem>>
      %dma_start3A = arith.constant 0 : i32
      %dma_start3A_39 = arith.constant 0 : i32
      %dma_start3A_40 = tpu.memref_slice %arg7[%dma_start3A, %dma_start3A_39] : memref<128x128xf32, #tpu.memory_space<vmem>> -> memref<120x128xf32, #tpu.memory_space<vmem>>
      %dma_start3A_41 = arith.constant 0 : i32
      %dma_start3A_42 = tpu.memref_slice %arg8[%add3A_36, %dma_start3A_41] : memref<10112x128xf32, #tpu.memory_space<vmem_shared>> -> memref<120x128xf32, #tpu.memory_space<vmem_shared>>
      %dma_start3A_43 = arith.constant 0 : i32
      %dma_start3A_44 = arith.constant 0 : i32
      %dma_start3A_45 = tpu.memref_slice %arg7[%dma_start3A_43, %dma_start3A_44] : memref<128x128xf32, #tpu.memory_space<vmem>> -> memref<120x128xf32, #tpu.memory_space<vmem>>
      %dma_start3A_46 = arith.constant 0 : i32
      %dma_start3A_47 = tpu.memref_slice %arg8[%add3A_36, %dma_start3A_46] : memref<10112x128xf32, #tpu.memory_space<vmem_shared>> -> memref<120x128xf32, #tpu.memory_space<vmem_shared>>
      tpu.enqueue_dma source(%dma_start3A_47 : memref<120x128xf32, #tpu.memory_space<vmem_shared>>) target(%dma_start3A_45 : memref<120x128xf32, #tpu.memory_space<vmem>>) target_semaphore(%run_scoped3A : memref<!tpu.dma_semaphore, #tpu.memory_space<semaphore_mem>>)
      %dma_wait3A = arith.constant 0 : i32
      %dma_wait3A_48 = arith.constant 0 : i32
      %dma_wait3A_49 = tpu.memref_slice %arg7[%dma_wait3A, %dma_wait3A_48] : memref<128x128xf32, #tpu.memory_space<vmem>> -> memref<120x128xf32, #tpu.memory_space<vmem>>
      %dma_wait3A_50 = arith.constant 0 : i32
      %dma_wait3A_51 = tpu.memref_slice %arg8[%add3A_36, %dma_wait3A_50] : memref<10112x128xf32, #tpu.memory_space<vmem_shared>> -> memref<120x128xf32, #tpu.memory_space<vmem_shared>>
      %dma_wait3A_52 = arith.constant 0 : i32
      %dma_wait3A_53 = arith.constant 0 : i32
      %dma_wait3A_54 = tpu.memref_slice %arg7[%dma_wait3A_52, %dma_wait3A_53] : memref<128x128xf32, #tpu.memory_space<vmem>> -> memref<120x128xf32, #tpu.memory_space<vmem>>
      %dma_wait3A_55 = arith.constant 0 : i32
      %dma_wait3A_56 = tpu.memref_slice %arg8[%add3A_36, %dma_wait3A_55] : memref<10112x128xf32, #tpu.memory_space<vmem_shared>> -> memref<120x128xf32, #tpu.memory_space<vmem_shared>>
      tpu.wait_dma2 semaphore(%run_scoped3A : memref<!tpu.dma_semaphore, #tpu.memory_space<semaphore_mem>>) src(%dma_wait3A_56 : memref<120x128xf32, #tpu.memory_space<vmem_shared>>) dst(%dma_wait3A_54 : memref<120x128xf32, #tpu.memory_space<vmem>>)
      tpu.yield
    }) : () -> ()
    %add3A_37 = arith.constant 512 : i32
    %add3A_38 = arith.addi %mul3A_2, %add3A_37 : i32
    "tpu.region"() ({
      %run_scoped3A = tpu.sem_alloc : memref<!tpu.dma_semaphore, #tpu.memory_space<semaphore_mem>>
      %dma_start3A = arith.constant 0 : i32
      %dma_start3A_39 = arith.constant 0 : i32
      %dma_start3A_40 = tpu.memref_slice %arg7[%dma_start3A, %dma_start3A_39] : memref<128x128xf32, #tpu.memory_space<vmem>> -> memref<120x128xf32, #tpu.memory_space<vmem>>
      %dma_start3A_41 = arith.constant 0 : i32
      %dma_start3A_42 = tpu.memref_slice %arg5[%arg0, %add3A_38, %dma_start3A_41] : memref<2x10112x128xf32, #tpu.memory_space<hbm>> -> memref<1x120x128xf32, #tpu.memory_space<hbm>>
      %dma_start3A_43 = tpu.memref_squeeze %dma_start3A_42 : memref<1x120x128xf32, #tpu.memory_space<hbm>> -> memref<120x128xf32, #tpu.memory_space<hbm>>
      %dma_start3A_44 = arith.constant 0 : i32
      %dma_start3A_45 = tpu.memref_slice %arg5[%arg0, %add3A_38, %dma_start3A_44] : memref<2x10112x128xf32, #tpu.memory_space<hbm>> -> memref<1x120x128xf32, #tpu.memory_space<hbm>>
      %dma_start3A_46 = tpu.memref_squeeze %dma_start3A_45 : memref<1x120x128xf32, #tpu.memory_space<hbm>> -> memref<120x128xf32, #tpu.memory_space<hbm>>
      %dma_start3A_47 = arith.constant 0 : i32
      %dma_start3A_48 = arith.constant 0 : i32
      %dma_start3A_49 = tpu.memref_slice %arg7[%dma_start3A_47, %dma_start3A_48] : memref<128x128xf32, #tpu.memory_space<vmem>> -> memref<120x128xf32, #tpu.memory_space<vmem>>
      tpu.enqueue_dma source(%dma_start3A_49 : memref<120x128xf32, #tpu.memory_space<vmem>>) target(%dma_start3A_46 : memref<120x128xf32, #tpu.memory_space<hbm>>) target_semaphore(%run_scoped3A : memref<!tpu.dma_semaphore, #tpu.memory_space<semaphore_mem>>)
      %dma_wait3A = arith.constant 0 : i32
      %dma_wait3A_50 = arith.constant 0 : i32
      %dma_wait3A_51 = tpu.memref_slice %arg7[%dma_wait3A, %dma_wait3A_50] : memref<128x128xf32, #tpu.memory_space<vmem>> -> memref<120x128xf32, #tpu.memory_space<vmem>>
      %dma_wait3A_52 = arith.constant 0 : i32
      %dma_wait3A_53 = tpu.memref_slice %arg5[%arg0, %add3A_38, %dma_wait3A_52] : memref<2x10112x128xf32, #tpu.memory_space<hbm>> -> memref<1x120x128xf32, #tpu.memory_space<hbm>>
      %dma_wait3A_54 = tpu.memref_squeeze %dma_wait3A_53 : memref<1x120x128xf32, #tpu.memory_space<hbm>> -> memref<120x128xf32, #tpu.memory_space<hbm>>
      %dma_wait3A_55 = arith.constant 0 : i32
      %dma_wait3A_56 = tpu.memref_slice %arg5[%arg0, %add3A_38, %dma_wait3A_55] : memref<2x10112x128xf32, #tpu.memory_space<hbm>> -> memref<1x120x128xf32, #tpu.memory_space<hbm>>
      %dma_wait3A_57 = tpu.memref_squeeze %dma_wait3A_56 : memref<1x120x128xf32, #tpu.memory_space<hbm>> -> memref<120x128xf32, #tpu.memory_space<hbm>>
      %dma_wait3A_58 = arith.constant 0 : i32
      %dma_wait3A_59 = arith.constant 0 : i32
      %dma_wait3A_60 = tpu.memref_slice %arg7[%dma_wait3A_58, %dma_wait3A_59] : memref<128x128xf32, #tpu.memory_space<vmem>> -> memref<120x128xf32, #tpu.memory_space<vmem>>
      tpu.wait_dma2 semaphore(%run_scoped3A : memref<!tpu.dma_semaphore, #tpu.memory_space<semaphore_mem>>) src(%dma_wait3A_60 : memref<120x128xf32, #tpu.memory_space<vmem>>) dst(%dma_wait3A_57 : memref<120x128xf32, #tpu.memory_space<hbm>>)
      tpu.yield
    }) : () -> ()
    return
  }
}

#map = affine_map<(d0, d1) -> (0, 0)>
#map1 = affine_map<(d0, d1) -> (0, 0, 0)>
module attributes {stable_mosaic.version = 14 : i64} {
  func.func @agg_sc(%arg0: i32, %arg1: i32, %arg2: memref<10000x128xf32, #tpu.memory_space<hbm>>, %arg3: memref<32x79x128xi32, #tpu.memory_space<hbm>>, %arg4: memref<32x79x128xi32, #tpu.memory_space<hbm>>, %arg5: memref<128x128xf32, #tpu.memory_space<hbm>>, %arg6: memref<2x10112x128xf32, #tpu.memory_space<hbm>>, %arg7: memref<79x128xi32, #tpu.memory_space<vmem>>, %arg8: memref<79x128xi32, #tpu.memory_space<vmem>>, %arg9: memref<128x128xf32, #tpu.memory_space<vmem>>, %arg10: memref<10112x128xf32, #tpu.memory_space<vmem_shared>>, %arg11: memref<!tpu.dma_semaphore, #tpu.memory_space<semaphore_mem>>) attributes {dimension_semantics = [#tpu.dimension_semantics<core_parallel>, #tpu.dimension_semantics<subcore_parallel>], iteration_bounds = array<i64: 2, 16>, scalar_prefetch = 0 : i64, scratch_operands = 5 : i64, tpu.core_type = #tpu.core_type<sc_vector_subcore>, window_params = [{transform_indices = #map}, {transform_indices = #map1}, {transform_indices = #map1}, {transform_indices = #map}, {transform_indices = #map1}]} {
    %mul3A = arith.constant 2 : i32
    %mul3A_0 = arith.muli %arg1, %mul3A : i32
    %add3A = arith.addi %mul3A_0, %arg0 : i32
    %mul3A_1 = arith.constant 632 : i32
    %mul3A_2 = arith.muli %arg1, %mul3A_1 : i32
    "tpu.region"() ({
      %run_scoped3A = tpu.sem_alloc : memref<!tpu.dma_semaphore, #tpu.memory_space<semaphore_mem>>
      %dma_start3A = arith.constant 0 : i32
      %dma_start3A_39 = arith.constant 0 : i32
      %dma_start3A_40 = tpu.memref_slice %arg3[%add3A, %dma_start3A, %dma_start3A_39] : memref<32x79x128xi32, #tpu.memory_space<hbm>> -> memref<1x79x128xi32, #tpu.memory_space<hbm>>
      %dma_start3A_41 = tpu.memref_squeeze %dma_start3A_40 : memref<1x79x128xi32, #tpu.memory_space<hbm>> -> memref<79x128xi32, #tpu.memory_space<hbm>>
      %dma_start3A_42 = arith.constant 0 : i32
      %dma_start3A_43 = arith.constant 0 : i32
      %dma_start3A_44 = tpu.memref_slice %arg3[%add3A, %dma_start3A_42, %dma_start3A_43] : memref<32x79x128xi32, #tpu.memory_space<hbm>> -> memref<1x79x128xi32, #tpu.memory_space<hbm>>
      %dma_start3A_45 = tpu.memref_squeeze %dma_start3A_44 : memref<1x79x128xi32, #tpu.memory_space<hbm>> -> memref<79x128xi32, #tpu.memory_space<hbm>>
      tpu.enqueue_dma source(%dma_start3A_45 : memref<79x128xi32, #tpu.memory_space<hbm>>) target(%arg7 : memref<79x128xi32, #tpu.memory_space<vmem>>) target_semaphore(%run_scoped3A : memref<!tpu.dma_semaphore, #tpu.memory_space<semaphore_mem>>)
      %dma_wait3A = arith.constant 0 : i32
      %dma_wait3A_46 = arith.constant 0 : i32
      %dma_wait3A_47 = tpu.memref_slice %arg3[%add3A, %dma_wait3A, %dma_wait3A_46] : memref<32x79x128xi32, #tpu.memory_space<hbm>> -> memref<1x79x128xi32, #tpu.memory_space<hbm>>
      %dma_wait3A_48 = tpu.memref_squeeze %dma_wait3A_47 : memref<1x79x128xi32, #tpu.memory_space<hbm>> -> memref<79x128xi32, #tpu.memory_space<hbm>>
      %dma_wait3A_49 = arith.constant 0 : i32
      %dma_wait3A_50 = arith.constant 0 : i32
      %dma_wait3A_51 = tpu.memref_slice %arg3[%add3A, %dma_wait3A_49, %dma_wait3A_50] : memref<32x79x128xi32, #tpu.memory_space<hbm>> -> memref<1x79x128xi32, #tpu.memory_space<hbm>>
      %dma_wait3A_52 = tpu.memref_squeeze %dma_wait3A_51 : memref<1x79x128xi32, #tpu.memory_space<hbm>> -> memref<79x128xi32, #tpu.memory_space<hbm>>
      tpu.wait_dma2 semaphore(%run_scoped3A : memref<!tpu.dma_semaphore, #tpu.memory_space<semaphore_mem>>) src(%dma_wait3A_52 : memref<79x128xi32, #tpu.memory_space<hbm>>) dst(%arg7 : memref<79x128xi32, #tpu.memory_space<vmem>>)
      tpu.yield
    }) : () -> ()
    "tpu.region"() ({
      %run_scoped3A = tpu.sem_alloc : memref<!tpu.dma_semaphore, #tpu.memory_space<semaphore_mem>>
      %dma_start3A = arith.constant 0 : i32
      %dma_start3A_39 = arith.constant 0 : i32
      %dma_start3A_40 = tpu.memref_slice %arg4[%add3A, %dma_start3A, %dma_start3A_39] : memref<32x79x128xi32, #tpu.memory_space<hbm>> -> memref<1x79x128xi32, #tpu.memory_space<hbm>>
      %dma_start3A_41 = tpu.memref_squeeze %dma_start3A_40 : memref<1x79x128xi32, #tpu.memory_space<hbm>> -> memref<79x128xi32, #tpu.memory_space<hbm>>
      %dma_start3A_42 = arith.constant 0 : i32
      %dma_start3A_43 = arith.constant 0 : i32
      %dma_start3A_44 = tpu.memref_slice %arg4[%add3A, %dma_start3A_42, %dma_start3A_43] : memref<32x79x128xi32, #tpu.memory_space<hbm>> -> memref<1x79x128xi32, #tpu.memory_space<hbm>>
      %dma_start3A_45 = tpu.memref_squeeze %dma_start3A_44 : memref<1x79x128xi32, #tpu.memory_space<hbm>> -> memref<79x128xi32, #tpu.memory_space<hbm>>
      tpu.enqueue_dma source(%dma_start3A_45 : memref<79x128xi32, #tpu.memory_space<hbm>>) target(%arg8 : memref<79x128xi32, #tpu.memory_space<vmem>>) target_semaphore(%run_scoped3A : memref<!tpu.dma_semaphore, #tpu.memory_space<semaphore_mem>>)
      %dma_wait3A = arith.constant 0 : i32
      %dma_wait3A_46 = arith.constant 0 : i32
      %dma_wait3A_47 = tpu.memref_slice %arg4[%add3A, %dma_wait3A, %dma_wait3A_46] : memref<32x79x128xi32, #tpu.memory_space<hbm>> -> memref<1x79x128xi32, #tpu.memory_space<hbm>>
      %dma_wait3A_48 = tpu.memref_squeeze %dma_wait3A_47 : memref<1x79x128xi32, #tpu.memory_space<hbm>> -> memref<79x128xi32, #tpu.memory_space<hbm>>
      %dma_wait3A_49 = arith.constant 0 : i32
      %dma_wait3A_50 = arith.constant 0 : i32
      %dma_wait3A_51 = tpu.memref_slice %arg4[%add3A, %dma_wait3A_49, %dma_wait3A_50] : memref<32x79x128xi32, #tpu.memory_space<hbm>> -> memref<1x79x128xi32, #tpu.memory_space<hbm>>
      %dma_wait3A_52 = tpu.memref_squeeze %dma_wait3A_51 : memref<1x79x128xi32, #tpu.memory_space<hbm>> -> memref<79x128xi32, #tpu.memory_space<hbm>>
      tpu.wait_dma2 semaphore(%run_scoped3A : memref<!tpu.dma_semaphore, #tpu.memory_space<semaphore_mem>>) src(%dma_wait3A_52 : memref<79x128xi32, #tpu.memory_space<hbm>>) dst(%arg8 : memref<79x128xi32, #tpu.memory_space<vmem>>)
      tpu.yield
    }) : () -> ()
    "tpu.region"() ({
      %run_scoped3A = tpu.sem_alloc : memref<!tpu.dma_semaphore, #tpu.memory_space<semaphore_mem>>
      tpu.enqueue_dma source(%arg5 : memref<128x128xf32, #tpu.memory_space<hbm>>) target(%arg9 : memref<128x128xf32, #tpu.memory_space<vmem>>) target_semaphore(%run_scoped3A : memref<!tpu.dma_semaphore, #tpu.memory_space<semaphore_mem>>)
      tpu.wait_dma2 semaphore(%run_scoped3A : memref<!tpu.dma_semaphore, #tpu.memory_space<semaphore_mem>>) src(%arg5 : memref<128x128xf32, #tpu.memory_space<hbm>>) dst(%arg9 : memref<128x128xf32, #tpu.memory_space<vmem>>)
      tpu.yield
    }) : () -> ()
    %add3A_3 = arith.constant 0 : i32
    %add3A_4 = arith.addi %mul3A_2, %add3A_3 : i32
    "tpu.region"() ({
      %run_scoped3A = tpu.sem_alloc : memref<!tpu.dma_semaphore, #tpu.memory_space<semaphore_mem>>
      %dma_start3A = arith.constant 0 : i32
      %dma_start3A_39 = arith.constant 0 : i32
      %dma_start3A_40 = tpu.memref_slice %arg9[%dma_start3A, %dma_start3A_39] : memref<128x128xf32, #tpu.memory_space<vmem>> -> memref<128x128xf32, #tpu.memory_space<vmem>>
      %dma_start3A_41 = arith.constant 0 : i32
      %dma_start3A_42 = tpu.memref_slice %arg10[%add3A_4, %dma_start3A_41] : memref<10112x128xf32, #tpu.memory_space<vmem_shared>> -> memref<128x128xf32, #tpu.memory_space<vmem_shared>>
      %dma_start3A_43 = arith.constant 0 : i32
      %dma_start3A_44 = tpu.memref_slice %arg10[%add3A_4, %dma_start3A_43] : memref<10112x128xf32, #tpu.memory_space<vmem_shared>> -> memref<128x128xf32, #tpu.memory_space<vmem_shared>>
      %dma_start3A_45 = arith.constant 0 : i32
      %dma_start3A_46 = arith.constant 0 : i32
      %dma_start3A_47 = tpu.memref_slice %arg9[%dma_start3A_45, %dma_start3A_46] : memref<128x128xf32, #tpu.memory_space<vmem>> -> memref<128x128xf32, #tpu.memory_space<vmem>>
      tpu.enqueue_dma source(%dma_start3A_47 : memref<128x128xf32, #tpu.memory_space<vmem>>) target(%dma_start3A_44 : memref<128x128xf32, #tpu.memory_space<vmem_shared>>) target_semaphore(%run_scoped3A : memref<!tpu.dma_semaphore, #tpu.memory_space<semaphore_mem>>)
      %dma_wait3A = arith.constant 0 : i32
      %dma_wait3A_48 = arith.constant 0 : i32
      %dma_wait3A_49 = tpu.memref_slice %arg9[%dma_wait3A, %dma_wait3A_48] : memref<128x128xf32, #tpu.memory_space<vmem>> -> memref<128x128xf32, #tpu.memory_space<vmem>>
      %dma_wait3A_50 = arith.constant 0 : i32
      %dma_wait3A_51 = tpu.memref_slice %arg10[%add3A_4, %dma_wait3A_50] : memref<10112x128xf32, #tpu.memory_space<vmem_shared>> -> memref<128x128xf32, #tpu.memory_space<vmem_shared>>
      %dma_wait3A_52 = arith.constant 0 : i32
      %dma_wait3A_53 = tpu.memref_slice %arg10[%add3A_4, %dma_wait3A_52] : memref<10112x128xf32, #tpu.memory_space<vmem_shared>> -> memref<128x128xf32, #tpu.memory_space<vmem_shared>>
      %dma_wait3A_54 = arith.constant 0 : i32
      %dma_wait3A_55 = arith.constant 0 : i32
      %dma_wait3A_56 = tpu.memref_slice %arg9[%dma_wait3A_54, %dma_wait3A_55] : memref<128x128xf32, #tpu.memory_space<vmem>> -> memref<128x128xf32, #tpu.memory_space<vmem>>
      tpu.wait_dma2 semaphore(%run_scoped3A : memref<!tpu.dma_semaphore, #tpu.memory_space<semaphore_mem>>) src(%dma_wait3A_56 : memref<128x128xf32, #tpu.memory_space<vmem>>) dst(%dma_wait3A_53 : memref<128x128xf32, #tpu.memory_space<vmem_shared>>)
      tpu.yield
    }) : () -> ()
    %add3A_5 = arith.constant 128 : i32
    %add3A_6 = arith.addi %mul3A_2, %add3A_5 : i32
    "tpu.region"() ({
      %run_scoped3A = tpu.sem_alloc : memref<!tpu.dma_semaphore, #tpu.memory_space<semaphore_mem>>
      %dma_start3A = arith.constant 0 : i32
      %dma_start3A_39 = arith.constant 0 : i32
      %dma_start3A_40 = tpu.memref_slice %arg9[%dma_start3A, %dma_start3A_39] : memref<128x128xf32, #tpu.memory_space<vmem>> -> memref<128x128xf32, #tpu.memory_space<vmem>>
      %dma_start3A_41 = arith.constant 0 : i32
      %dma_start3A_42 = tpu.memref_slice %arg10[%add3A_6, %dma_start3A_41] : memref<10112x128xf32, #tpu.memory_space<vmem_shared>> -> memref<128x128xf32, #tpu.memory_space<vmem_shared>>
      %dma_start3A_43 = arith.constant 0 : i32
      %dma_start3A_44 = tpu.memref_slice %arg10[%add3A_6, %dma_start3A_43] : memref<10112x128xf32, #tpu.memory_space<vmem_shared>> -> memref<128x128xf32, #tpu.memory_space<vmem_shared>>
      %dma_start3A_45 = arith.constant 0 : i32
      %dma_start3A_46 = arith.constant 0 : i32
      %dma_start3A_47 = tpu.memref_slice %arg9[%dma_start3A_45, %dma_start3A_46] : memref<128x128xf32, #tpu.memory_space<vmem>> -> memref<128x128xf32, #tpu.memory_space<vmem>>
      tpu.enqueue_dma source(%dma_start3A_47 : memref<128x128xf32, #tpu.memory_space<vmem>>) target(%dma_start3A_44 : memref<128x128xf32, #tpu.memory_space<vmem_shared>>) target_semaphore(%run_scoped3A : memref<!tpu.dma_semaphore, #tpu.memory_space<semaphore_mem>>)
      %dma_wait3A = arith.constant 0 : i32
      %dma_wait3A_48 = arith.constant 0 : i32
      %dma_wait3A_49 = tpu.memref_slice %arg9[%dma_wait3A, %dma_wait3A_48] : memref<128x128xf32, #tpu.memory_space<vmem>> -> memref<128x128xf32, #tpu.memory_space<vmem>>
      %dma_wait3A_50 = arith.constant 0 : i32
      %dma_wait3A_51 = tpu.memref_slice %arg10[%add3A_6, %dma_wait3A_50] : memref<10112x128xf32, #tpu.memory_space<vmem_shared>> -> memref<128x128xf32, #tpu.memory_space<vmem_shared>>
      %dma_wait3A_52 = arith.constant 0 : i32
      %dma_wait3A_53 = tpu.memref_slice %arg10[%add3A_6, %dma_wait3A_52] : memref<10112x128xf32, #tpu.memory_space<vmem_shared>> -> memref<128x128xf32, #tpu.memory_space<vmem_shared>>
      %dma_wait3A_54 = arith.constant 0 : i32
      %dma_wait3A_55 = arith.constant 0 : i32
      %dma_wait3A_56 = tpu.memref_slice %arg9[%dma_wait3A_54, %dma_wait3A_55] : memref<128x128xf32, #tpu.memory_space<vmem>> -> memref<128x128xf32, #tpu.memory_space<vmem>>
      tpu.wait_dma2 semaphore(%run_scoped3A : memref<!tpu.dma_semaphore, #tpu.memory_space<semaphore_mem>>) src(%dma_wait3A_56 : memref<128x128xf32, #tpu.memory_space<vmem>>) dst(%dma_wait3A_53 : memref<128x128xf32, #tpu.memory_space<vmem_shared>>)
      tpu.yield
    }) : () -> ()
    %add3A_7 = arith.constant 256 : i32
    %add3A_8 = arith.addi %mul3A_2, %add3A_7 : i32
    "tpu.region"() ({
      %run_scoped3A = tpu.sem_alloc : memref<!tpu.dma_semaphore, #tpu.memory_space<semaphore_mem>>
      %dma_start3A = arith.constant 0 : i32
      %dma_start3A_39 = arith.constant 0 : i32
      %dma_start3A_40 = tpu.memref_slice %arg9[%dma_start3A, %dma_start3A_39] : memref<128x128xf32, #tpu.memory_space<vmem>> -> memref<128x128xf32, #tpu.memory_space<vmem>>
      %dma_start3A_41 = arith.constant 0 : i32
      %dma_start3A_42 = tpu.memref_slice %arg10[%add3A_8, %dma_start3A_41] : memref<10112x128xf32, #tpu.memory_space<vmem_shared>> -> memref<128x128xf32, #tpu.memory_space<vmem_shared>>
      %dma_start3A_43 = arith.constant 0 : i32
      %dma_start3A_44 = tpu.memref_slice %arg10[%add3A_8, %dma_start3A_43] : memref<10112x128xf32, #tpu.memory_space<vmem_shared>> -> memref<128x128xf32, #tpu.memory_space<vmem_shared>>
      %dma_start3A_45 = arith.constant 0 : i32
      %dma_start3A_46 = arith.constant 0 : i32
      %dma_start3A_47 = tpu.memref_slice %arg9[%dma_start3A_45, %dma_start3A_46] : memref<128x128xf32, #tpu.memory_space<vmem>> -> memref<128x128xf32, #tpu.memory_space<vmem>>
      tpu.enqueue_dma source(%dma_start3A_47 : memref<128x128xf32, #tpu.memory_space<vmem>>) target(%dma_start3A_44 : memref<128x128xf32, #tpu.memory_space<vmem_shared>>) target_semaphore(%run_scoped3A : memref<!tpu.dma_semaphore, #tpu.memory_space<semaphore_mem>>)
      %dma_wait3A = arith.constant 0 : i32
      %dma_wait3A_48 = arith.constant 0 : i32
      %dma_wait3A_49 = tpu.memref_slice %arg9[%dma_wait3A, %dma_wait3A_48] : memref<128x128xf32, #tpu.memory_space<vmem>> -> memref<128x128xf32, #tpu.memory_space<vmem>>
      %dma_wait3A_50 = arith.constant 0 : i32
      %dma_wait3A_51 = tpu.memref_slice %arg10[%add3A_8, %dma_wait3A_50] : memref<10112x128xf32, #tpu.memory_space<vmem_shared>> -> memref<128x128xf32, #tpu.memory_space<vmem_shared>>
      %dma_wait3A_52 = arith.constant 0 : i32
      %dma_wait3A_53 = tpu.memref_slice %arg10[%add3A_8, %dma_wait3A_52] : memref<10112x128xf32, #tpu.memory_space<vmem_shared>> -> memref<128x128xf32, #tpu.memory_space<vmem_shared>>
      %dma_wait3A_54 = arith.constant 0 : i32
      %dma_wait3A_55 = arith.constant 0 : i32
      %dma_wait3A_56 = tpu.memref_slice %arg9[%dma_wait3A_54, %dma_wait3A_55] : memref<128x128xf32, #tpu.memory_space<vmem>> -> memref<128x128xf32, #tpu.memory_space<vmem>>
      tpu.wait_dma2 semaphore(%run_scoped3A : memref<!tpu.dma_semaphore, #tpu.memory_space<semaphore_mem>>) src(%dma_wait3A_56 : memref<128x128xf32, #tpu.memory_space<vmem>>) dst(%dma_wait3A_53 : memref<128x128xf32, #tpu.memory_space<vmem_shared>>)
      tpu.yield
    }) : () -> ()
    %add3A_9 = arith.constant 384 : i32
    %add3A_10 = arith.addi %mul3A_2, %add3A_9 : i32
    "tpu.region"() ({
      %run_scoped3A = tpu.sem_alloc : memref<!tpu.dma_semaphore, #tpu.memory_space<semaphore_mem>>
      %dma_start3A = arith.constant 0 : i32
      %dma_start3A_39 = arith.constant 0 : i32
      %dma_start3A_40 = tpu.memref_slice %arg9[%dma_start3A, %dma_start3A_39] : memref<128x128xf32, #tpu.memory_space<vmem>> -> memref<128x128xf32, #tpu.memory_space<vmem>>
      %dma_start3A_41 = arith.constant 0 : i32
      %dma_start3A_42 = tpu.memref_slice %arg10[%add3A_10, %dma_start3A_41] : memref<10112x128xf32, #tpu.memory_space<vmem_shared>> -> memref<128x128xf32, #tpu.memory_space<vmem_shared>>
      %dma_start3A_43 = arith.constant 0 : i32
      %dma_start3A_44 = tpu.memref_slice %arg10[%add3A_10, %dma_start3A_43] : memref<10112x128xf32, #tpu.memory_space<vmem_shared>> -> memref<128x128xf32, #tpu.memory_space<vmem_shared>>
      %dma_start3A_45 = arith.constant 0 : i32
      %dma_start3A_46 = arith.constant 0 : i32
      %dma_start3A_47 = tpu.memref_slice %arg9[%dma_start3A_45, %dma_start3A_46] : memref<128x128xf32, #tpu.memory_space<vmem>> -> memref<128x128xf32, #tpu.memory_space<vmem>>
      tpu.enqueue_dma source(%dma_start3A_47 : memref<128x128xf32, #tpu.memory_space<vmem>>) target(%dma_start3A_44 : memref<128x128xf32, #tpu.memory_space<vmem_shared>>) target_semaphore(%run_scoped3A : memref<!tpu.dma_semaphore, #tpu.memory_space<semaphore_mem>>)
      %dma_wait3A = arith.constant 0 : i32
      %dma_wait3A_48 = arith.constant 0 : i32
      %dma_wait3A_49 = tpu.memref_slice %arg9[%dma_wait3A, %dma_wait3A_48] : memref<128x128xf32, #tpu.memory_space<vmem>> -> memref<128x128xf32, #tpu.memory_space<vmem>>
      %dma_wait3A_50 = arith.constant 0 : i32
      %dma_wait3A_51 = tpu.memref_slice %arg10[%add3A_10, %dma_wait3A_50] : memref<10112x128xf32, #tpu.memory_space<vmem_shared>> -> memref<128x128xf32, #tpu.memory_space<vmem_shared>>
      %dma_wait3A_52 = arith.constant 0 : i32
      %dma_wait3A_53 = tpu.memref_slice %arg10[%add3A_10, %dma_wait3A_52] : memref<10112x128xf32, #tpu.memory_space<vmem_shared>> -> memref<128x128xf32, #tpu.memory_space<vmem_shared>>
      %dma_wait3A_54 = arith.constant 0 : i32
      %dma_wait3A_55 = arith.constant 0 : i32
      %dma_wait3A_56 = tpu.memref_slice %arg9[%dma_wait3A_54, %dma_wait3A_55] : memref<128x128xf32, #tpu.memory_space<vmem>> -> memref<128x128xf32, #tpu.memory_space<vmem>>
      tpu.wait_dma2 semaphore(%run_scoped3A : memref<!tpu.dma_semaphore, #tpu.memory_space<semaphore_mem>>) src(%dma_wait3A_56 : memref<128x128xf32, #tpu.memory_space<vmem>>) dst(%dma_wait3A_53 : memref<128x128xf32, #tpu.memory_space<vmem_shared>>)
      tpu.yield
    }) : () -> ()
    %add3A_11 = arith.constant 512 : i32
    %add3A_12 = arith.addi %mul3A_2, %add3A_11 : i32
    "tpu.region"() ({
      %run_scoped3A = tpu.sem_alloc : memref<!tpu.dma_semaphore, #tpu.memory_space<semaphore_mem>>
      %dma_start3A = arith.constant 0 : i32
      %dma_start3A_39 = arith.constant 0 : i32
      %dma_start3A_40 = tpu.memref_slice %arg9[%dma_start3A, %dma_start3A_39] : memref<128x128xf32, #tpu.memory_space<vmem>> -> memref<120x128xf32, #tpu.memory_space<vmem>>
      %dma_start3A_41 = arith.constant 0 : i32
      %dma_start3A_42 = tpu.memref_slice %arg10[%add3A_12, %dma_start3A_41] : memref<10112x128xf32, #tpu.memory_space<vmem_shared>> -> memref<120x128xf32, #tpu.memory_space<vmem_shared>>
      %dma_start3A_43 = arith.constant 0 : i32
      %dma_start3A_44 = tpu.memref_slice %arg10[%add3A_12, %dma_start3A_43] : memref<10112x128xf32, #tpu.memory_space<vmem_shared>> -> memref<120x128xf32, #tpu.memory_space<vmem_shared>>
      %dma_start3A_45 = arith.constant 0 : i32
      %dma_start3A_46 = arith.constant 0 : i32
      %dma_start3A_47 = tpu.memref_slice %arg9[%dma_start3A_45, %dma_start3A_46] : memref<128x128xf32, #tpu.memory_space<vmem>> -> memref<120x128xf32, #tpu.memory_space<vmem>>
      tpu.enqueue_dma source(%dma_start3A_47 : memref<120x128xf32, #tpu.memory_space<vmem>>) target(%dma_start3A_44 : memref<120x128xf32, #tpu.memory_space<vmem_shared>>) target_semaphore(%run_scoped3A : memref<!tpu.dma_semaphore, #tpu.memory_space<semaphore_mem>>)
      %dma_wait3A = arith.constant 0 : i32
      %dma_wait3A_48 = arith.constant 0 : i32
      %dma_wait3A_49 = tpu.memref_slice %arg9[%dma_wait3A, %dma_wait3A_48] : memref<128x128xf32, #tpu.memory_space<vmem>> -> memref<120x128xf32, #tpu.memory_space<vmem>>
      %dma_wait3A_50 = arith.constant 0 : i32
      %dma_wait3A_51 = tpu.memref_slice %arg10[%add3A_12, %dma_wait3A_50] : memref<10112x128xf32, #tpu.memory_space<vmem_shared>> -> memref<120x128xf32, #tpu.memory_space<vmem_shared>>
      %dma_wait3A_52 = arith.constant 0 : i32
      %dma_wait3A_53 = tpu.memref_slice %arg10[%add3A_12, %dma_wait3A_52] : memref<10112x128xf32, #tpu.memory_space<vmem_shared>> -> memref<120x128xf32, #tpu.memory_space<vmem_shared>>
      %dma_wait3A_54 = arith.constant 0 : i32
      %dma_wait3A_55 = arith.constant 0 : i32
      %dma_wait3A_56 = tpu.memref_slice %arg9[%dma_wait3A_54, %dma_wait3A_55] : memref<128x128xf32, #tpu.memory_space<vmem>> -> memref<120x128xf32, #tpu.memory_space<vmem>>
      tpu.wait_dma2 semaphore(%run_scoped3A : memref<!tpu.dma_semaphore, #tpu.memory_space<semaphore_mem>>) src(%dma_wait3A_56 : memref<120x128xf32, #tpu.memory_space<vmem>>) dst(%dma_wait3A_53 : memref<120x128xf32, #tpu.memory_space<vmem_shared>>)
      tpu.yield
    }) : () -> ()
    %barrier3A = arith.constant 0 : index
    tpu.barrier barrier_id(%barrier3A)
    %scan3A = arith.constant 0 : i32
    %scan3A_13 = arith.constant 0 : i32
    %scan3A_14 = arith.constant 79 : i32
    %scan3A_15 = arith.addi %scan3A_13, %scan3A_14 : i32
    %scan3A_16 = arith.constant 1 : i32
    scf.for %scan3A_39 = %scan3A_13 to %scan3A_15 step %scan3A_16  : i32 {
      %dma_start3A = arith.constant 0 : i32
      %dma_start3A_40 = tpu.memref_slice %arg7[%scan3A_39, %dma_start3A] : memref<79x128xi32, #tpu.memory_space<vmem>> -> memref<1x128xi32, #tpu.memory_space<vmem>>
      %dma_start3A_41 = tpu.memref_squeeze %dma_start3A_40 : memref<1x128xi32, #tpu.memory_space<vmem>> -> memref<128xi32, #tpu.memory_space<vmem>>
      %dma_start3A_42 = arith.constant 0 : i32
      %dma_start3A_43 = arith.constant 0 : i32
      %dma_start3A_44 = tpu.memref_slice %arg2[%dma_start3A_42, %dma_start3A_43] : memref<10000x128xf32, #tpu.memory_space<hbm>> -> memref<10000x128xf32, #tpu.memory_space<hbm>>
      tpu.enqueue_indirect_dma source(%dma_start3A_44 : memref<10000x128xf32, #tpu.memory_space<hbm>>) target(%arg9 : memref<128x128xf32, #tpu.memory_space<vmem>>) offsets(%dma_start3A_41 : memref<128xi32, #tpu.memory_space<vmem>>) semaphore(%arg11 : memref<!tpu.dma_semaphore, #tpu.memory_space<semaphore_mem>>)
      %dma_wait3A = arith.constant 0 : i32
      %dma_wait3A_45 = tpu.memref_slice %arg7[%scan3A_39, %dma_wait3A] : memref<79x128xi32, #tpu.memory_space<vmem>> -> memref<1x128xi32, #tpu.memory_space<vmem>>
      %dma_wait3A_46 = tpu.memref_squeeze %dma_wait3A_45 : memref<1x128xi32, #tpu.memory_space<vmem>> -> memref<128xi32, #tpu.memory_space<vmem>>
      %dma_wait3A_47 = arith.constant 0 : i32
      %dma_wait3A_48 = arith.constant 0 : i32
      %dma_wait3A_49 = tpu.memref_slice %arg2[%dma_wait3A_47, %dma_wait3A_48] : memref<10000x128xf32, #tpu.memory_space<hbm>> -> memref<10000x128xf32, #tpu.memory_space<hbm>>
      tpu.wait_indirect_dma semaphore(%arg11 : memref<!tpu.dma_semaphore, #tpu.memory_space<semaphore_mem>>) src(%dma_wait3A_49 : memref<10000x128xf32, #tpu.memory_space<hbm>>) dst(%arg9 : memref<128x128xf32, #tpu.memory_space<vmem>>)
      "tpu.region"() ({
        %run_scoped3A = tpu.sem_alloc : memref<!tpu.dma_semaphore, #tpu.memory_space<semaphore_mem>>
        %dma_start3A_50 = arith.constant 0 : i32
        %dma_start3A_51 = tpu.memref_slice %arg8[%scan3A_39, %dma_start3A_50] : memref<79x128xi32, #tpu.memory_space<vmem>> -> memref<1x128xi32, #tpu.memory_space<vmem>>
        %dma_start3A_52 = tpu.memref_squeeze %dma_start3A_51 : memref<1x128xi32, #tpu.memory_space<vmem>> -> memref<128xi32, #tpu.memory_space<vmem>>
        %dma_start3A_53 = arith.constant 0 : i32
        %dma_start3A_54 = arith.constant 0 : i32
        %dma_start3A_55 = tpu.memref_slice %arg10[%dma_start3A_53, %dma_start3A_54] : memref<10112x128xf32, #tpu.memory_space<vmem_shared>> -> memref<10112x128xf32, #tpu.memory_space<vmem_shared>>
        tpu.enqueue_indirect_dma source(%arg9 : memref<128x128xf32, #tpu.memory_space<vmem>>) target(%dma_start3A_55 : memref<10112x128xf32, #tpu.memory_space<vmem_shared>>) offsets(%dma_start3A_52 : memref<128xi32, #tpu.memory_space<vmem>>) semaphore(%run_scoped3A : memref<!tpu.dma_semaphore, #tpu.memory_space<semaphore_mem>>) {add = true}
        %dma_wait3A_56 = arith.constant 0 : i32
        %dma_wait3A_57 = tpu.memref_slice %arg8[%scan3A_39, %dma_wait3A_56] : memref<79x128xi32, #tpu.memory_space<vmem>> -> memref<1x128xi32, #tpu.memory_space<vmem>>
        %dma_wait3A_58 = tpu.memref_squeeze %dma_wait3A_57 : memref<1x128xi32, #tpu.memory_space<vmem>> -> memref<128xi32, #tpu.memory_space<vmem>>
        %dma_wait3A_59 = arith.constant 0 : i32
        %dma_wait3A_60 = arith.constant 0 : i32
        %dma_wait3A_61 = tpu.memref_slice %arg10[%dma_wait3A_59, %dma_wait3A_60] : memref<10112x128xf32, #tpu.memory_space<vmem_shared>> -> memref<10112x128xf32, #tpu.memory_space<vmem_shared>>
        tpu.wait_indirect_dma semaphore(%run_scoped3A : memref<!tpu.dma_semaphore, #tpu.memory_space<semaphore_mem>>) src(%arg9 : memref<128x128xf32, #tpu.memory_space<vmem>>) dst(%dma_wait3A_61 : memref<10112x128xf32, #tpu.memory_space<vmem_shared>>)
        tpu.yield
      }) : () -> ()
    }
    %scan3A_17 = arith.constant 79 : i32
    %barrier3A_18 = arith.constant 0 : index
    tpu.barrier barrier_id(%barrier3A_18)
    %add3A_19 = arith.constant 0 : i32
    %add3A_20 = arith.addi %mul3A_2, %add3A_19 : i32
    "tpu.region"() ({
      %run_scoped3A = tpu.sem_alloc : memref<!tpu.dma_semaphore, #tpu.memory_space<semaphore_mem>>
      %dma_start3A = arith.constant 0 : i32
      %dma_start3A_39 = arith.constant 0 : i32
      %dma_start3A_40 = tpu.memref_slice %arg9[%dma_start3A, %dma_start3A_39] : memref<128x128xf32, #tpu.memory_space<vmem>> -> memref<128x128xf32, #tpu.memory_space<vmem>>
      %dma_start3A_41 = arith.constant 0 : i32
      %dma_start3A_42 = tpu.memref_slice %arg10[%add3A_20, %dma_start3A_41] : memref<10112x128xf32, #tpu.memory_space<vmem_shared>> -> memref<128x128xf32, #tpu.memory_space<vmem_shared>>
      %dma_start3A_43 = arith.constant 0 : i32
      %dma_start3A_44 = arith.constant 0 : i32
      %dma_start3A_45 = tpu.memref_slice %arg9[%dma_start3A_43, %dma_start3A_44] : memref<128x128xf32, #tpu.memory_space<vmem>> -> memref<128x128xf32, #tpu.memory_space<vmem>>
      %dma_start3A_46 = arith.constant 0 : i32
      %dma_start3A_47 = tpu.memref_slice %arg10[%add3A_20, %dma_start3A_46] : memref<10112x128xf32, #tpu.memory_space<vmem_shared>> -> memref<128x128xf32, #tpu.memory_space<vmem_shared>>
      tpu.enqueue_dma source(%dma_start3A_47 : memref<128x128xf32, #tpu.memory_space<vmem_shared>>) target(%dma_start3A_45 : memref<128x128xf32, #tpu.memory_space<vmem>>) target_semaphore(%run_scoped3A : memref<!tpu.dma_semaphore, #tpu.memory_space<semaphore_mem>>)
      %dma_wait3A = arith.constant 0 : i32
      %dma_wait3A_48 = arith.constant 0 : i32
      %dma_wait3A_49 = tpu.memref_slice %arg9[%dma_wait3A, %dma_wait3A_48] : memref<128x128xf32, #tpu.memory_space<vmem>> -> memref<128x128xf32, #tpu.memory_space<vmem>>
      %dma_wait3A_50 = arith.constant 0 : i32
      %dma_wait3A_51 = tpu.memref_slice %arg10[%add3A_20, %dma_wait3A_50] : memref<10112x128xf32, #tpu.memory_space<vmem_shared>> -> memref<128x128xf32, #tpu.memory_space<vmem_shared>>
      %dma_wait3A_52 = arith.constant 0 : i32
      %dma_wait3A_53 = arith.constant 0 : i32
      %dma_wait3A_54 = tpu.memref_slice %arg9[%dma_wait3A_52, %dma_wait3A_53] : memref<128x128xf32, #tpu.memory_space<vmem>> -> memref<128x128xf32, #tpu.memory_space<vmem>>
      %dma_wait3A_55 = arith.constant 0 : i32
      %dma_wait3A_56 = tpu.memref_slice %arg10[%add3A_20, %dma_wait3A_55] : memref<10112x128xf32, #tpu.memory_space<vmem_shared>> -> memref<128x128xf32, #tpu.memory_space<vmem_shared>>
      tpu.wait_dma2 semaphore(%run_scoped3A : memref<!tpu.dma_semaphore, #tpu.memory_space<semaphore_mem>>) src(%dma_wait3A_56 : memref<128x128xf32, #tpu.memory_space<vmem_shared>>) dst(%dma_wait3A_54 : memref<128x128xf32, #tpu.memory_space<vmem>>)
      tpu.yield
    }) : () -> ()
    %add3A_21 = arith.constant 0 : i32
    %add3A_22 = arith.addi %mul3A_2, %add3A_21 : i32
    "tpu.region"() ({
      %run_scoped3A = tpu.sem_alloc : memref<!tpu.dma_semaphore, #tpu.memory_space<semaphore_mem>>
      %dma_start3A = arith.constant 0 : i32
      %dma_start3A_39 = arith.constant 0 : i32
      %dma_start3A_40 = tpu.memref_slice %arg9[%dma_start3A, %dma_start3A_39] : memref<128x128xf32, #tpu.memory_space<vmem>> -> memref<128x128xf32, #tpu.memory_space<vmem>>
      %dma_start3A_41 = arith.constant 0 : i32
      %dma_start3A_42 = tpu.memref_slice %arg6[%arg0, %add3A_22, %dma_start3A_41] : memref<2x10112x128xf32, #tpu.memory_space<hbm>> -> memref<1x128x128xf32, #tpu.memory_space<hbm>>
      %dma_start3A_43 = tpu.memref_squeeze %dma_start3A_42 : memref<1x128x128xf32, #tpu.memory_space<hbm>> -> memref<128x128xf32, #tpu.memory_space<hbm>>
      %dma_start3A_44 = arith.constant 0 : i32
      %dma_start3A_45 = tpu.memref_slice %arg6[%arg0, %add3A_22, %dma_start3A_44] : memref<2x10112x128xf32, #tpu.memory_space<hbm>> -> memref<1x128x128xf32, #tpu.memory_space<hbm>>
      %dma_start3A_46 = tpu.memref_squeeze %dma_start3A_45 : memref<1x128x128xf32, #tpu.memory_space<hbm>> -> memref<128x128xf32, #tpu.memory_space<hbm>>
      %dma_start3A_47 = arith.constant 0 : i32
      %dma_start3A_48 = arith.constant 0 : i32
      %dma_start3A_49 = tpu.memref_slice %arg9[%dma_start3A_47, %dma_start3A_48] : memref<128x128xf32, #tpu.memory_space<vmem>> -> memref<128x128xf32, #tpu.memory_space<vmem>>
      tpu.enqueue_dma source(%dma_start3A_49 : memref<128x128xf32, #tpu.memory_space<vmem>>) target(%dma_start3A_46 : memref<128x128xf32, #tpu.memory_space<hbm>>) target_semaphore(%run_scoped3A : memref<!tpu.dma_semaphore, #tpu.memory_space<semaphore_mem>>)
      %dma_wait3A = arith.constant 0 : i32
      %dma_wait3A_50 = arith.constant 0 : i32
      %dma_wait3A_51 = tpu.memref_slice %arg9[%dma_wait3A, %dma_wait3A_50] : memref<128x128xf32, #tpu.memory_space<vmem>> -> memref<128x128xf32, #tpu.memory_space<vmem>>
      %dma_wait3A_52 = arith.constant 0 : i32
      %dma_wait3A_53 = tpu.memref_slice %arg6[%arg0, %add3A_22, %dma_wait3A_52] : memref<2x10112x128xf32, #tpu.memory_space<hbm>> -> memref<1x128x128xf32, #tpu.memory_space<hbm>>
      %dma_wait3A_54 = tpu.memref_squeeze %dma_wait3A_53 : memref<1x128x128xf32, #tpu.memory_space<hbm>> -> memref<128x128xf32, #tpu.memory_space<hbm>>
      %dma_wait3A_55 = arith.constant 0 : i32
      %dma_wait3A_56 = tpu.memref_slice %arg6[%arg0, %add3A_22, %dma_wait3A_55] : memref<2x10112x128xf32, #tpu.memory_space<hbm>> -> memref<1x128x128xf32, #tpu.memory_space<hbm>>
      %dma_wait3A_57 = tpu.memref_squeeze %dma_wait3A_56 : memref<1x128x128xf32, #tpu.memory_space<hbm>> -> memref<128x128xf32, #tpu.memory_space<hbm>>
      %dma_wait3A_58 = arith.constant 0 : i32
      %dma_wait3A_59 = arith.constant 0 : i32
      %dma_wait3A_60 = tpu.memref_slice %arg9[%dma_wait3A_58, %dma_wait3A_59] : memref<128x128xf32, #tpu.memory_space<vmem>> -> memref<128x128xf32, #tpu.memory_space<vmem>>
      tpu.wait_dma2 semaphore(%run_scoped3A : memref<!tpu.dma_semaphore, #tpu.memory_space<semaphore_mem>>) src(%dma_wait3A_60 : memref<128x128xf32, #tpu.memory_space<vmem>>) dst(%dma_wait3A_57 : memref<128x128xf32, #tpu.memory_space<hbm>>)
      tpu.yield
    }) : () -> ()
    %add3A_23 = arith.constant 128 : i32
    %add3A_24 = arith.addi %mul3A_2, %add3A_23 : i32
    "tpu.region"() ({
      %run_scoped3A = tpu.sem_alloc : memref<!tpu.dma_semaphore, #tpu.memory_space<semaphore_mem>>
      %dma_start3A = arith.constant 0 : i32
      %dma_start3A_39 = arith.constant 0 : i32
      %dma_start3A_40 = tpu.memref_slice %arg9[%dma_start3A, %dma_start3A_39] : memref<128x128xf32, #tpu.memory_space<vmem>> -> memref<128x128xf32, #tpu.memory_space<vmem>>
      %dma_start3A_41 = arith.constant 0 : i32
      %dma_start3A_42 = tpu.memref_slice %arg10[%add3A_24, %dma_start3A_41] : memref<10112x128xf32, #tpu.memory_space<vmem_shared>> -> memref<128x128xf32, #tpu.memory_space<vmem_shared>>
      %dma_start3A_43 = arith.constant 0 : i32
      %dma_start3A_44 = arith.constant 0 : i32
      %dma_start3A_45 = tpu.memref_slice %arg9[%dma_start3A_43, %dma_start3A_44] : memref<128x128xf32, #tpu.memory_space<vmem>> -> memref<128x128xf32, #tpu.memory_space<vmem>>
      %dma_start3A_46 = arith.constant 0 : i32
      %dma_start3A_47 = tpu.memref_slice %arg10[%add3A_24, %dma_start3A_46] : memref<10112x128xf32, #tpu.memory_space<vmem_shared>> -> memref<128x128xf32, #tpu.memory_space<vmem_shared>>
      tpu.enqueue_dma source(%dma_start3A_47 : memref<128x128xf32, #tpu.memory_space<vmem_shared>>) target(%dma_start3A_45 : memref<128x128xf32, #tpu.memory_space<vmem>>) target_semaphore(%run_scoped3A : memref<!tpu.dma_semaphore, #tpu.memory_space<semaphore_mem>>)
      %dma_wait3A = arith.constant 0 : i32
      %dma_wait3A_48 = arith.constant 0 : i32
      %dma_wait3A_49 = tpu.memref_slice %arg9[%dma_wait3A, %dma_wait3A_48] : memref<128x128xf32, #tpu.memory_space<vmem>> -> memref<128x128xf32, #tpu.memory_space<vmem>>
      %dma_wait3A_50 = arith.constant 0 : i32
      %dma_wait3A_51 = tpu.memref_slice %arg10[%add3A_24, %dma_wait3A_50] : memref<10112x128xf32, #tpu.memory_space<vmem_shared>> -> memref<128x128xf32, #tpu.memory_space<vmem_shared>>
      %dma_wait3A_52 = arith.constant 0 : i32
      %dma_wait3A_53 = arith.constant 0 : i32
      %dma_wait3A_54 = tpu.memref_slice %arg9[%dma_wait3A_52, %dma_wait3A_53] : memref<128x128xf32, #tpu.memory_space<vmem>> -> memref<128x128xf32, #tpu.memory_space<vmem>>
      %dma_wait3A_55 = arith.constant 0 : i32
      %dma_wait3A_56 = tpu.memref_slice %arg10[%add3A_24, %dma_wait3A_55] : memref<10112x128xf32, #tpu.memory_space<vmem_shared>> -> memref<128x128xf32, #tpu.memory_space<vmem_shared>>
      tpu.wait_dma2 semaphore(%run_scoped3A : memref<!tpu.dma_semaphore, #tpu.memory_space<semaphore_mem>>) src(%dma_wait3A_56 : memref<128x128xf32, #tpu.memory_space<vmem_shared>>) dst(%dma_wait3A_54 : memref<128x128xf32, #tpu.memory_space<vmem>>)
      tpu.yield
    }) : () -> ()
    %add3A_25 = arith.constant 128 : i32
    %add3A_26 = arith.addi %mul3A_2, %add3A_25 : i32
    "tpu.region"() ({
      %run_scoped3A = tpu.sem_alloc : memref<!tpu.dma_semaphore, #tpu.memory_space<semaphore_mem>>
      %dma_start3A = arith.constant 0 : i32
      %dma_start3A_39 = arith.constant 0 : i32
      %dma_start3A_40 = tpu.memref_slice %arg9[%dma_start3A, %dma_start3A_39] : memref<128x128xf32, #tpu.memory_space<vmem>> -> memref<128x128xf32, #tpu.memory_space<vmem>>
      %dma_start3A_41 = arith.constant 0 : i32
      %dma_start3A_42 = tpu.memref_slice %arg6[%arg0, %add3A_26, %dma_start3A_41] : memref<2x10112x128xf32, #tpu.memory_space<hbm>> -> memref<1x128x128xf32, #tpu.memory_space<hbm>>
      %dma_start3A_43 = tpu.memref_squeeze %dma_start3A_42 : memref<1x128x128xf32, #tpu.memory_space<hbm>> -> memref<128x128xf32, #tpu.memory_space<hbm>>
      %dma_start3A_44 = arith.constant 0 : i32
      %dma_start3A_45 = tpu.memref_slice %arg6[%arg0, %add3A_26, %dma_start3A_44] : memref<2x10112x128xf32, #tpu.memory_space<hbm>> -> memref<1x128x128xf32, #tpu.memory_space<hbm>>
      %dma_start3A_46 = tpu.memref_squeeze %dma_start3A_45 : memref<1x128x128xf32, #tpu.memory_space<hbm>> -> memref<128x128xf32, #tpu.memory_space<hbm>>
      %dma_start3A_47 = arith.constant 0 : i32
      %dma_start3A_48 = arith.constant 0 : i32
      %dma_start3A_49 = tpu.memref_slice %arg9[%dma_start3A_47, %dma_start3A_48] : memref<128x128xf32, #tpu.memory_space<vmem>> -> memref<128x128xf32, #tpu.memory_space<vmem>>
      tpu.enqueue_dma source(%dma_start3A_49 : memref<128x128xf32, #tpu.memory_space<vmem>>) target(%dma_start3A_46 : memref<128x128xf32, #tpu.memory_space<hbm>>) target_semaphore(%run_scoped3A : memref<!tpu.dma_semaphore, #tpu.memory_space<semaphore_mem>>)
      %dma_wait3A = arith.constant 0 : i32
      %dma_wait3A_50 = arith.constant 0 : i32
      %dma_wait3A_51 = tpu.memref_slice %arg9[%dma_wait3A, %dma_wait3A_50] : memref<128x128xf32, #tpu.memory_space<vmem>> -> memref<128x128xf32, #tpu.memory_space<vmem>>
      %dma_wait3A_52 = arith.constant 0 : i32
      %dma_wait3A_53 = tpu.memref_slice %arg6[%arg0, %add3A_26, %dma_wait3A_52] : memref<2x10112x128xf32, #tpu.memory_space<hbm>> -> memref<1x128x128xf32, #tpu.memory_space<hbm>>
      %dma_wait3A_54 = tpu.memref_squeeze %dma_wait3A_53 : memref<1x128x128xf32, #tpu.memory_space<hbm>> -> memref<128x128xf32, #tpu.memory_space<hbm>>
      %dma_wait3A_55 = arith.constant 0 : i32
      %dma_wait3A_56 = tpu.memref_slice %arg6[%arg0, %add3A_26, %dma_wait3A_55] : memref<2x10112x128xf32, #tpu.memory_space<hbm>> -> memref<1x128x128xf32, #tpu.memory_space<hbm>>
      %dma_wait3A_57 = tpu.memref_squeeze %dma_wait3A_56 : memref<1x128x128xf32, #tpu.memory_space<hbm>> -> memref<128x128xf32, #tpu.memory_space<hbm>>
      %dma_wait3A_58 = arith.constant 0 : i32
      %dma_wait3A_59 = arith.constant 0 : i32
      %dma_wait3A_60 = tpu.memref_slice %arg9[%dma_wait3A_58, %dma_wait3A_59] : memref<128x128xf32, #tpu.memory_space<vmem>> -> memref<128x128xf32, #tpu.memory_space<vmem>>
      tpu.wait_dma2 semaphore(%run_scoped3A : memref<!tpu.dma_semaphore, #tpu.memory_space<semaphore_mem>>) src(%dma_wait3A_60 : memref<128x128xf32, #tpu.memory_space<vmem>>) dst(%dma_wait3A_57 : memref<128x128xf32, #tpu.memory_space<hbm>>)
      tpu.yield
    }) : () -> ()
    %add3A_27 = arith.constant 256 : i32
    %add3A_28 = arith.addi %mul3A_2, %add3A_27 : i32
    "tpu.region"() ({
      %run_scoped3A = tpu.sem_alloc : memref<!tpu.dma_semaphore, #tpu.memory_space<semaphore_mem>>
      %dma_start3A = arith.constant 0 : i32
      %dma_start3A_39 = arith.constant 0 : i32
      %dma_start3A_40 = tpu.memref_slice %arg9[%dma_start3A, %dma_start3A_39] : memref<128x128xf32, #tpu.memory_space<vmem>> -> memref<128x128xf32, #tpu.memory_space<vmem>>
      %dma_start3A_41 = arith.constant 0 : i32
      %dma_start3A_42 = tpu.memref_slice %arg10[%add3A_28, %dma_start3A_41] : memref<10112x128xf32, #tpu.memory_space<vmem_shared>> -> memref<128x128xf32, #tpu.memory_space<vmem_shared>>
      %dma_start3A_43 = arith.constant 0 : i32
      %dma_start3A_44 = arith.constant 0 : i32
      %dma_start3A_45 = tpu.memref_slice %arg9[%dma_start3A_43, %dma_start3A_44] : memref<128x128xf32, #tpu.memory_space<vmem>> -> memref<128x128xf32, #tpu.memory_space<vmem>>
      %dma_start3A_46 = arith.constant 0 : i32
      %dma_start3A_47 = tpu.memref_slice %arg10[%add3A_28, %dma_start3A_46] : memref<10112x128xf32, #tpu.memory_space<vmem_shared>> -> memref<128x128xf32, #tpu.memory_space<vmem_shared>>
      tpu.enqueue_dma source(%dma_start3A_47 : memref<128x128xf32, #tpu.memory_space<vmem_shared>>) target(%dma_start3A_45 : memref<128x128xf32, #tpu.memory_space<vmem>>) target_semaphore(%run_scoped3A : memref<!tpu.dma_semaphore, #tpu.memory_space<semaphore_mem>>)
      %dma_wait3A = arith.constant 0 : i32
      %dma_wait3A_48 = arith.constant 0 : i32
      %dma_wait3A_49 = tpu.memref_slice %arg9[%dma_wait3A, %dma_wait3A_48] : memref<128x128xf32, #tpu.memory_space<vmem>> -> memref<128x128xf32, #tpu.memory_space<vmem>>
      %dma_wait3A_50 = arith.constant 0 : i32
      %dma_wait3A_51 = tpu.memref_slice %arg10[%add3A_28, %dma_wait3A_50] : memref<10112x128xf32, #tpu.memory_space<vmem_shared>> -> memref<128x128xf32, #tpu.memory_space<vmem_shared>>
      %dma_wait3A_52 = arith.constant 0 : i32
      %dma_wait3A_53 = arith.constant 0 : i32
      %dma_wait3A_54 = tpu.memref_slice %arg9[%dma_wait3A_52, %dma_wait3A_53] : memref<128x128xf32, #tpu.memory_space<vmem>> -> memref<128x128xf32, #tpu.memory_space<vmem>>
      %dma_wait3A_55 = arith.constant 0 : i32
      %dma_wait3A_56 = tpu.memref_slice %arg10[%add3A_28, %dma_wait3A_55] : memref<10112x128xf32, #tpu.memory_space<vmem_shared>> -> memref<128x128xf32, #tpu.memory_space<vmem_shared>>
      tpu.wait_dma2 semaphore(%run_scoped3A : memref<!tpu.dma_semaphore, #tpu.memory_space<semaphore_mem>>) src(%dma_wait3A_56 : memref<128x128xf32, #tpu.memory_space<vmem_shared>>) dst(%dma_wait3A_54 : memref<128x128xf32, #tpu.memory_space<vmem>>)
      tpu.yield
    }) : () -> ()
    %add3A_29 = arith.constant 256 : i32
    %add3A_30 = arith.addi %mul3A_2, %add3A_29 : i32
    "tpu.region"() ({
      %run_scoped3A = tpu.sem_alloc : memref<!tpu.dma_semaphore, #tpu.memory_space<semaphore_mem>>
      %dma_start3A = arith.constant 0 : i32
      %dma_start3A_39 = arith.constant 0 : i32
      %dma_start3A_40 = tpu.memref_slice %arg9[%dma_start3A, %dma_start3A_39] : memref<128x128xf32, #tpu.memory_space<vmem>> -> memref<128x128xf32, #tpu.memory_space<vmem>>
      %dma_start3A_41 = arith.constant 0 : i32
      %dma_start3A_42 = tpu.memref_slice %arg6[%arg0, %add3A_30, %dma_start3A_41] : memref<2x10112x128xf32, #tpu.memory_space<hbm>> -> memref<1x128x128xf32, #tpu.memory_space<hbm>>
      %dma_start3A_43 = tpu.memref_squeeze %dma_start3A_42 : memref<1x128x128xf32, #tpu.memory_space<hbm>> -> memref<128x128xf32, #tpu.memory_space<hbm>>
      %dma_start3A_44 = arith.constant 0 : i32
      %dma_start3A_45 = tpu.memref_slice %arg6[%arg0, %add3A_30, %dma_start3A_44] : memref<2x10112x128xf32, #tpu.memory_space<hbm>> -> memref<1x128x128xf32, #tpu.memory_space<hbm>>
      %dma_start3A_46 = tpu.memref_squeeze %dma_start3A_45 : memref<1x128x128xf32, #tpu.memory_space<hbm>> -> memref<128x128xf32, #tpu.memory_space<hbm>>
      %dma_start3A_47 = arith.constant 0 : i32
      %dma_start3A_48 = arith.constant 0 : i32
      %dma_start3A_49 = tpu.memref_slice %arg9[%dma_start3A_47, %dma_start3A_48] : memref<128x128xf32, #tpu.memory_space<vmem>> -> memref<128x128xf32, #tpu.memory_space<vmem>>
      tpu.enqueue_dma source(%dma_start3A_49 : memref<128x128xf32, #tpu.memory_space<vmem>>) target(%dma_start3A_46 : memref<128x128xf32, #tpu.memory_space<hbm>>) target_semaphore(%run_scoped3A : memref<!tpu.dma_semaphore, #tpu.memory_space<semaphore_mem>>)
      %dma_wait3A = arith.constant 0 : i32
      %dma_wait3A_50 = arith.constant 0 : i32
      %dma_wait3A_51 = tpu.memref_slice %arg9[%dma_wait3A, %dma_wait3A_50] : memref<128x128xf32, #tpu.memory_space<vmem>> -> memref<128x128xf32, #tpu.memory_space<vmem>>
      %dma_wait3A_52 = arith.constant 0 : i32
      %dma_wait3A_53 = tpu.memref_slice %arg6[%arg0, %add3A_30, %dma_wait3A_52] : memref<2x10112x128xf32, #tpu.memory_space<hbm>> -> memref<1x128x128xf32, #tpu.memory_space<hbm>>
      %dma_wait3A_54 = tpu.memref_squeeze %dma_wait3A_53 : memref<1x128x128xf32, #tpu.memory_space<hbm>> -> memref<128x128xf32, #tpu.memory_space<hbm>>
      %dma_wait3A_55 = arith.constant 0 : i32
      %dma_wait3A_56 = tpu.memref_slice %arg6[%arg0, %add3A_30, %dma_wait3A_55] : memref<2x10112x128xf32, #tpu.memory_space<hbm>> -> memref<1x128x128xf32, #tpu.memory_space<hbm>>
      %dma_wait3A_57 = tpu.memref_squeeze %dma_wait3A_56 : memref<1x128x128xf32, #tpu.memory_space<hbm>> -> memref<128x128xf32, #tpu.memory_space<hbm>>
      %dma_wait3A_58 = arith.constant 0 : i32
      %dma_wait3A_59 = arith.constant 0 : i32
      %dma_wait3A_60 = tpu.memref_slice %arg9[%dma_wait3A_58, %dma_wait3A_59] : memref<128x128xf32, #tpu.memory_space<vmem>> -> memref<128x128xf32, #tpu.memory_space<vmem>>
      tpu.wait_dma2 semaphore(%run_scoped3A : memref<!tpu.dma_semaphore, #tpu.memory_space<semaphore_mem>>) src(%dma_wait3A_60 : memref<128x128xf32, #tpu.memory_space<vmem>>) dst(%dma_wait3A_57 : memref<128x128xf32, #tpu.memory_space<hbm>>)
      tpu.yield
    }) : () -> ()
    %add3A_31 = arith.constant 384 : i32
    %add3A_32 = arith.addi %mul3A_2, %add3A_31 : i32
    "tpu.region"() ({
      %run_scoped3A = tpu.sem_alloc : memref<!tpu.dma_semaphore, #tpu.memory_space<semaphore_mem>>
      %dma_start3A = arith.constant 0 : i32
      %dma_start3A_39 = arith.constant 0 : i32
      %dma_start3A_40 = tpu.memref_slice %arg9[%dma_start3A, %dma_start3A_39] : memref<128x128xf32, #tpu.memory_space<vmem>> -> memref<128x128xf32, #tpu.memory_space<vmem>>
      %dma_start3A_41 = arith.constant 0 : i32
      %dma_start3A_42 = tpu.memref_slice %arg10[%add3A_32, %dma_start3A_41] : memref<10112x128xf32, #tpu.memory_space<vmem_shared>> -> memref<128x128xf32, #tpu.memory_space<vmem_shared>>
      %dma_start3A_43 = arith.constant 0 : i32
      %dma_start3A_44 = arith.constant 0 : i32
      %dma_start3A_45 = tpu.memref_slice %arg9[%dma_start3A_43, %dma_start3A_44] : memref<128x128xf32, #tpu.memory_space<vmem>> -> memref<128x128xf32, #tpu.memory_space<vmem>>
      %dma_start3A_46 = arith.constant 0 : i32
      %dma_start3A_47 = tpu.memref_slice %arg10[%add3A_32, %dma_start3A_46] : memref<10112x128xf32, #tpu.memory_space<vmem_shared>> -> memref<128x128xf32, #tpu.memory_space<vmem_shared>>
      tpu.enqueue_dma source(%dma_start3A_47 : memref<128x128xf32, #tpu.memory_space<vmem_shared>>) target(%dma_start3A_45 : memref<128x128xf32, #tpu.memory_space<vmem>>) target_semaphore(%run_scoped3A : memref<!tpu.dma_semaphore, #tpu.memory_space<semaphore_mem>>)
      %dma_wait3A = arith.constant 0 : i32
      %dma_wait3A_48 = arith.constant 0 : i32
      %dma_wait3A_49 = tpu.memref_slice %arg9[%dma_wait3A, %dma_wait3A_48] : memref<128x128xf32, #tpu.memory_space<vmem>> -> memref<128x128xf32, #tpu.memory_space<vmem>>
      %dma_wait3A_50 = arith.constant 0 : i32
      %dma_wait3A_51 = tpu.memref_slice %arg10[%add3A_32, %dma_wait3A_50] : memref<10112x128xf32, #tpu.memory_space<vmem_shared>> -> memref<128x128xf32, #tpu.memory_space<vmem_shared>>
      %dma_wait3A_52 = arith.constant 0 : i32
      %dma_wait3A_53 = arith.constant 0 : i32
      %dma_wait3A_54 = tpu.memref_slice %arg9[%dma_wait3A_52, %dma_wait3A_53] : memref<128x128xf32, #tpu.memory_space<vmem>> -> memref<128x128xf32, #tpu.memory_space<vmem>>
      %dma_wait3A_55 = arith.constant 0 : i32
      %dma_wait3A_56 = tpu.memref_slice %arg10[%add3A_32, %dma_wait3A_55] : memref<10112x128xf32, #tpu.memory_space<vmem_shared>> -> memref<128x128xf32, #tpu.memory_space<vmem_shared>>
      tpu.wait_dma2 semaphore(%run_scoped3A : memref<!tpu.dma_semaphore, #tpu.memory_space<semaphore_mem>>) src(%dma_wait3A_56 : memref<128x128xf32, #tpu.memory_space<vmem_shared>>) dst(%dma_wait3A_54 : memref<128x128xf32, #tpu.memory_space<vmem>>)
      tpu.yield
    }) : () -> ()
    %add3A_33 = arith.constant 384 : i32
    %add3A_34 = arith.addi %mul3A_2, %add3A_33 : i32
    "tpu.region"() ({
      %run_scoped3A = tpu.sem_alloc : memref<!tpu.dma_semaphore, #tpu.memory_space<semaphore_mem>>
      %dma_start3A = arith.constant 0 : i32
      %dma_start3A_39 = arith.constant 0 : i32
      %dma_start3A_40 = tpu.memref_slice %arg9[%dma_start3A, %dma_start3A_39] : memref<128x128xf32, #tpu.memory_space<vmem>> -> memref<128x128xf32, #tpu.memory_space<vmem>>
      %dma_start3A_41 = arith.constant 0 : i32
      %dma_start3A_42 = tpu.memref_slice %arg6[%arg0, %add3A_34, %dma_start3A_41] : memref<2x10112x128xf32, #tpu.memory_space<hbm>> -> memref<1x128x128xf32, #tpu.memory_space<hbm>>
      %dma_start3A_43 = tpu.memref_squeeze %dma_start3A_42 : memref<1x128x128xf32, #tpu.memory_space<hbm>> -> memref<128x128xf32, #tpu.memory_space<hbm>>
      %dma_start3A_44 = arith.constant 0 : i32
      %dma_start3A_45 = tpu.memref_slice %arg6[%arg0, %add3A_34, %dma_start3A_44] : memref<2x10112x128xf32, #tpu.memory_space<hbm>> -> memref<1x128x128xf32, #tpu.memory_space<hbm>>
      %dma_start3A_46 = tpu.memref_squeeze %dma_start3A_45 : memref<1x128x128xf32, #tpu.memory_space<hbm>> -> memref<128x128xf32, #tpu.memory_space<hbm>>
      %dma_start3A_47 = arith.constant 0 : i32
      %dma_start3A_48 = arith.constant 0 : i32
      %dma_start3A_49 = tpu.memref_slice %arg9[%dma_start3A_47, %dma_start3A_48] : memref<128x128xf32, #tpu.memory_space<vmem>> -> memref<128x128xf32, #tpu.memory_space<vmem>>
      tpu.enqueue_dma source(%dma_start3A_49 : memref<128x128xf32, #tpu.memory_space<vmem>>) target(%dma_start3A_46 : memref<128x128xf32, #tpu.memory_space<hbm>>) target_semaphore(%run_scoped3A : memref<!tpu.dma_semaphore, #tpu.memory_space<semaphore_mem>>)
      %dma_wait3A = arith.constant 0 : i32
      %dma_wait3A_50 = arith.constant 0 : i32
      %dma_wait3A_51 = tpu.memref_slice %arg9[%dma_wait3A, %dma_wait3A_50] : memref<128x128xf32, #tpu.memory_space<vmem>> -> memref<128x128xf32, #tpu.memory_space<vmem>>
      %dma_wait3A_52 = arith.constant 0 : i32
      %dma_wait3A_53 = tpu.memref_slice %arg6[%arg0, %add3A_34, %dma_wait3A_52] : memref<2x10112x128xf32, #tpu.memory_space<hbm>> -> memref<1x128x128xf32, #tpu.memory_space<hbm>>
      %dma_wait3A_54 = tpu.memref_squeeze %dma_wait3A_53 : memref<1x128x128xf32, #tpu.memory_space<hbm>> -> memref<128x128xf32, #tpu.memory_space<hbm>>
      %dma_wait3A_55 = arith.constant 0 : i32
      %dma_wait3A_56 = tpu.memref_slice %arg6[%arg0, %add3A_34, %dma_wait3A_55] : memref<2x10112x128xf32, #tpu.memory_space<hbm>> -> memref<1x128x128xf32, #tpu.memory_space<hbm>>
      %dma_wait3A_57 = tpu.memref_squeeze %dma_wait3A_56 : memref<1x128x128xf32, #tpu.memory_space<hbm>> -> memref<128x128xf32, #tpu.memory_space<hbm>>
      %dma_wait3A_58 = arith.constant 0 : i32
      %dma_wait3A_59 = arith.constant 0 : i32
      %dma_wait3A_60 = tpu.memref_slice %arg9[%dma_wait3A_58, %dma_wait3A_59] : memref<128x128xf32, #tpu.memory_space<vmem>> -> memref<128x128xf32, #tpu.memory_space<vmem>>
      tpu.wait_dma2 semaphore(%run_scoped3A : memref<!tpu.dma_semaphore, #tpu.memory_space<semaphore_mem>>) src(%dma_wait3A_60 : memref<128x128xf32, #tpu.memory_space<vmem>>) dst(%dma_wait3A_57 : memref<128x128xf32, #tpu.memory_space<hbm>>)
      tpu.yield
    }) : () -> ()
    %add3A_35 = arith.constant 512 : i32
    %add3A_36 = arith.addi %mul3A_2, %add3A_35 : i32
    "tpu.region"() ({
      %run_scoped3A = tpu.sem_alloc : memref<!tpu.dma_semaphore, #tpu.memory_space<semaphore_mem>>
      %dma_start3A = arith.constant 0 : i32
      %dma_start3A_39 = arith.constant 0 : i32
      %dma_start3A_40 = tpu.memref_slice %arg9[%dma_start3A, %dma_start3A_39] : memref<128x128xf32, #tpu.memory_space<vmem>> -> memref<120x128xf32, #tpu.memory_space<vmem>>
      %dma_start3A_41 = arith.constant 0 : i32
      %dma_start3A_42 = tpu.memref_slice %arg10[%add3A_36, %dma_start3A_41] : memref<10112x128xf32, #tpu.memory_space<vmem_shared>> -> memref<120x128xf32, #tpu.memory_space<vmem_shared>>
      %dma_start3A_43 = arith.constant 0 : i32
      %dma_start3A_44 = arith.constant 0 : i32
      %dma_start3A_45 = tpu.memref_slice %arg9[%dma_start3A_43, %dma_start3A_44] : memref<128x128xf32, #tpu.memory_space<vmem>> -> memref<120x128xf32, #tpu.memory_space<vmem>>
      %dma_start3A_46 = arith.constant 0 : i32
      %dma_start3A_47 = tpu.memref_slice %arg10[%add3A_36, %dma_start3A_46] : memref<10112x128xf32, #tpu.memory_space<vmem_shared>> -> memref<120x128xf32, #tpu.memory_space<vmem_shared>>
      tpu.enqueue_dma source(%dma_start3A_47 : memref<120x128xf32, #tpu.memory_space<vmem_shared>>) target(%dma_start3A_45 : memref<120x128xf32, #tpu.memory_space<vmem>>) target_semaphore(%run_scoped3A : memref<!tpu.dma_semaphore, #tpu.memory_space<semaphore_mem>>)
      %dma_wait3A = arith.constant 0 : i32
      %dma_wait3A_48 = arith.constant 0 : i32
      %dma_wait3A_49 = tpu.memref_slice %arg9[%dma_wait3A, %dma_wait3A_48] : memref<128x128xf32, #tpu.memory_space<vmem>> -> memref<120x128xf32, #tpu.memory_space<vmem>>
      %dma_wait3A_50 = arith.constant 0 : i32
      %dma_wait3A_51 = tpu.memref_slice %arg10[%add3A_36, %dma_wait3A_50] : memref<10112x128xf32, #tpu.memory_space<vmem_shared>> -> memref<120x128xf32, #tpu.memory_space<vmem_shared>>
      %dma_wait3A_52 = arith.constant 0 : i32
      %dma_wait3A_53 = arith.constant 0 : i32
      %dma_wait3A_54 = tpu.memref_slice %arg9[%dma_wait3A_52, %dma_wait3A_53] : memref<128x128xf32, #tpu.memory_space<vmem>> -> memref<120x128xf32, #tpu.memory_space<vmem>>
      %dma_wait3A_55 = arith.constant 0 : i32
      %dma_wait3A_56 = tpu.memref_slice %arg10[%add3A_36, %dma_wait3A_55] : memref<10112x128xf32, #tpu.memory_space<vmem_shared>> -> memref<120x128xf32, #tpu.memory_space<vmem_shared>>
      tpu.wait_dma2 semaphore(%run_scoped3A : memref<!tpu.dma_semaphore, #tpu.memory_space<semaphore_mem>>) src(%dma_wait3A_56 : memref<120x128xf32, #tpu.memory_space<vmem_shared>>) dst(%dma_wait3A_54 : memref<120x128xf32, #tpu.memory_space<vmem>>)
      tpu.yield
    }) : () -> ()
    %add3A_37 = arith.constant 512 : i32
    %add3A_38 = arith.addi %mul3A_2, %add3A_37 : i32
    "tpu.region"() ({
      %run_scoped3A = tpu.sem_alloc : memref<!tpu.dma_semaphore, #tpu.memory_space<semaphore_mem>>
      %dma_start3A = arith.constant 0 : i32
      %dma_start3A_39 = arith.constant 0 : i32
      %dma_start3A_40 = tpu.memref_slice %arg9[%dma_start3A, %dma_start3A_39] : memref<128x128xf32, #tpu.memory_space<vmem>> -> memref<120x128xf32, #tpu.memory_space<vmem>>
      %dma_start3A_41 = arith.constant 0 : i32
      %dma_start3A_42 = tpu.memref_slice %arg6[%arg0, %add3A_38, %dma_start3A_41] : memref<2x10112x128xf32, #tpu.memory_space<hbm>> -> memref<1x120x128xf32, #tpu.memory_space<hbm>>
      %dma_start3A_43 = tpu.memref_squeeze %dma_start3A_42 : memref<1x120x128xf32, #tpu.memory_space<hbm>> -> memref<120x128xf32, #tpu.memory_space<hbm>>
      %dma_start3A_44 = arith.constant 0 : i32
      %dma_start3A_45 = tpu.memref_slice %arg6[%arg0, %add3A_38, %dma_start3A_44] : memref<2x10112x128xf32, #tpu.memory_space<hbm>> -> memref<1x120x128xf32, #tpu.memory_space<hbm>>
      %dma_start3A_46 = tpu.memref_squeeze %dma_start3A_45 : memref<1x120x128xf32, #tpu.memory_space<hbm>> -> memref<120x128xf32, #tpu.memory_space<hbm>>
      %dma_start3A_47 = arith.constant 0 : i32
      %dma_start3A_48 = arith.constant 0 : i32
      %dma_start3A_49 = tpu.memref_slice %arg9[%dma_start3A_47, %dma_start3A_48] : memref<128x128xf32, #tpu.memory_space<vmem>> -> memref<120x128xf32, #tpu.memory_space<vmem>>
      tpu.enqueue_dma source(%dma_start3A_49 : memref<120x128xf32, #tpu.memory_space<vmem>>) target(%dma_start3A_46 : memref<120x128xf32, #tpu.memory_space<hbm>>) target_semaphore(%run_scoped3A : memref<!tpu.dma_semaphore, #tpu.memory_space<semaphore_mem>>)
      %dma_wait3A = arith.constant 0 : i32
      %dma_wait3A_50 = arith.constant 0 : i32
      %dma_wait3A_51 = tpu.memref_slice %arg9[%dma_wait3A, %dma_wait3A_50] : memref<128x128xf32, #tpu.memory_space<vmem>> -> memref<120x128xf32, #tpu.memory_space<vmem>>
      %dma_wait3A_52 = arith.constant 0 : i32
      %dma_wait3A_53 = tpu.memref_slice %arg6[%arg0, %add3A_38, %dma_wait3A_52] : memref<2x10112x128xf32, #tpu.memory_space<hbm>> -> memref<1x120x128xf32, #tpu.memory_space<hbm>>
      %dma_wait3A_54 = tpu.memref_squeeze %dma_wait3A_53 : memref<1x120x128xf32, #tpu.memory_space<hbm>> -> memref<120x128xf32, #tpu.memory_space<hbm>>
      %dma_wait3A_55 = arith.constant 0 : i32
      %dma_wait3A_56 = tpu.memref_slice %arg6[%arg0, %add3A_38, %dma_wait3A_55] : memref<2x10112x128xf32, #tpu.memory_space<hbm>> -> memref<1x120x128xf32, #tpu.memory_space<hbm>>
      %dma_wait3A_57 = tpu.memref_squeeze %dma_wait3A_56 : memref<1x120x128xf32, #tpu.memory_space<hbm>> -> memref<120x128xf32, #tpu.memory_space<hbm>>
      %dma_wait3A_58 = arith.constant 0 : i32
      %dma_wait3A_59 = arith.constant 0 : i32
      %dma_wait3A_60 = tpu.memref_slice %arg9[%dma_wait3A_58, %dma_wait3A_59] : memref<128x128xf32, #tpu.memory_space<vmem>> -> memref<120x128xf32, #tpu.memory_space<vmem>>
      tpu.wait_dma2 semaphore(%run_scoped3A : memref<!tpu.dma_semaphore, #tpu.memory_space<semaphore_mem>>) src(%dma_wait3A_60 : memref<120x128xf32, #tpu.memory_space<vmem>>) dst(%dma_wait3A_57 : memref<120x128xf32, #tpu.memory_space<hbm>>)
      tpu.yield
    }) : () -> ()
    return
  }
}

module attributes {stable_mosaic.version = 14 : i64} {
  func.func @_tc1_body(%arg0: i32, %arg1: memref<5000x128xf32, #tpu.memory_space<vmem>>, %arg2: memref<128x128xf32, #tpu.memory_space<vmem>>, %arg3: memref<2x5000x128xf32, #tpu.memory_space<vmem>>, %arg4: memref<5000x128xf32, #tpu.memory_space<vmem>>) attributes {dimension_semantics = [#tpu.dimension_semantics<arbitrary>], iteration_bounds = array<i64: 2>, scalar_prefetch = 0 : i64, scratch_operands = 0 : i64, tpu.core_type = #tpu.core_type<tc>, window_params = [{transform_indices = @transform_0, window_bounds = array<i64: 5000, 128>}, {pipeline_mode = #tpu.pipeline_mode<synchronous>, transform_indices = @transform_1, window_bounds = array<i64: 128, 128>}, {transform_indices = @transform_2, window_bounds = array<i64: 2, 5000, 128>}, {transform_indices = @transform_3, window_bounds = array<i64: 5000, 128>}]} {
    %get3A = arith.constant 0 : index
    %get3A_0 = arith.constant 0 : index
    %get3A_1 = vector.load %arg1[%get3A, %get3A_0] : memref<5000x128xf32, #tpu.memory_space<vmem>>, vector<5000x128xf32>
    %get3A_2 = arith.constant 0 : index
    %get3A_3 = arith.constant 0 : index
    %get3A_4 = vector.load %arg2[%get3A_2, %get3A_3] : memref<128x128xf32, #tpu.memory_space<vmem>>, vector<128x128xf32>
    %dot_general3A = arith.constant dense<0.000000e+00> : vector<5000x128xf32>
    %dot_general3A_5 = tpu.matmul %get3A_1, %get3A_4, %dot_general3A {dimension_numbers = #tpu.dot_dimension_numbers<[1], [0], [0], [1], [0, 0, 1, 1], [], []>, transpose_lhs_hint = false} : vector<5000x128xf32>, vector<128x128xf32>, vector<5000x128xf32> -> vector<5000x128xf32>
    %get3A_6 = arith.constant 0 : index
    %get3A_7 = arith.constant 0 : index
    %get3A_8 = arith.constant 0 : index
    %get3A_9 = vector.load %arg3[%get3A_6, %get3A_7, %get3A_8] : memref<2x5000x128xf32, #tpu.memory_space<vmem>>, vector<2x5000x128xf32>
    %slice3A = vector.extract_strided_slice %get3A_9 {offsets = [0, 0, 0], sizes = [1, 5000, 1], strides = [1, 1, 1]} : vector<2x5000x128xf32> to vector<1x5000x1xf32>
    %squeeze3A = vector.shape_cast %slice3A : vector<1x5000x1xf32> to vector<5000x1xf32>
    %slice3A_10 = vector.extract_strided_slice %get3A_9 {offsets = [1, 0, 0], sizes = [1, 5000, 1], strides = [1, 1, 1]} : vector<2x5000x128xf32> to vector<1x5000x1xf32>
    %squeeze3A_11 = vector.shape_cast %slice3A_10 : vector<1x5000x1xf32> to vector<5000x1xf32>
    %add3A = arith.addf %squeeze3A, %squeeze3A_11 : vector<5000x1xf32>
    %add3A_12 = arith.constant 1.000000e+00 : f32
    %add3A_13 = vector.broadcast %add3A_12 : f32 to vector<5000x1xf32>
    %add3A_14 = arith.addf %add3A, %add3A_13 : vector<5000x1xf32>
    %rsqrt3A = math.rsqrt %add3A_14 : vector<5000x1xf32>
    %mul3A = vector.broadcast %rsqrt3A : vector<5000x1xf32> to vector<5000x128xf32>
    %mul3A_15 = arith.mulf %dot_general3A_5, %mul3A : vector<5000x128xf32>
    %swap3A = arith.constant 0 : index
    %swap3A_16 = arith.constant 0 : index
    %swap3A_17 = vector.load %arg4[%swap3A, %swap3A_16] : memref<5000x128xf32, #tpu.memory_space<vmem>>, vector<5000x128xf32>
    tpu.vector_store %arg4[%swap3A, %swap3A_16], %mul3A_15 {strides = array<i32>} : memref<5000x128xf32, #tpu.memory_space<vmem>>, vector<5000x128xf32>,
    return
  }
  func.func @transform_0(%arg0: i32) -> (i32, i32) {
    %c0_i32 = arith.constant 0 : i32
    %c0_i32_0 = arith.constant 0 : i32
    return %arg0, %c0_i32 : i32, i32
  }
  func.func @transform_1(%arg0: i32) -> (i32, i32) {
    %c0_i32 = arith.constant 0 : i32
    %c0_i32_0 = arith.constant 0 : i32
    %c0_i32_1 = arith.constant 0 : i32
    return %c0_i32, %c0_i32_0 : i32, i32
  }
  func.func @transform_2(%arg0: i32) -> (i32, i32, i32) {
    %c0_i32 = arith.constant 0 : i32
    %c0_i32_0 = arith.constant 0 : i32
    %c0_i32_1 = arith.constant 0 : i32
    return %c0_i32, %arg0, %c0_i32_0 : i32, i32, i32
  }
  func.func @transform_3(%arg0: i32) -> (i32, i32) {
    %c0_i32 = arith.constant 0 : i32
    %c0_i32_0 = arith.constant 0 : i32
    return %arg0, %c0_i32 : i32, i32
  }
}

module attributes {stable_mosaic.version = 14 : i64} {
  func.func @_tc2_body(%arg0: i32, %arg1: memref<2x5000x128xf32, #tpu.memory_space<vmem>>, %arg2: memref<5000x128xf32, #tpu.memory_space<vmem>>, %arg3: memref<2x5000x128xf32, #tpu.memory_space<vmem>>, %arg4: memref<8x128xf32, #tpu.memory_space<vmem>>, %arg5: memref<128x128xf32, #tpu.memory_space<vmem>>, %arg6: memref<5000x128xf32, #tpu.memory_space<vmem>>) attributes {dimension_semantics = [#tpu.dimension_semantics<arbitrary>], iteration_bounds = array<i64: 2>, scalar_prefetch = 0 : i64, scratch_operands = 0 : i64, tpu.core_type = #tpu.core_type<tc>, window_params = [{transform_indices = @transform_0, window_bounds = array<i64: 2, 5000, 128>}, {transform_indices = @transform_1, window_bounds = array<i64: 5000, 128>}, {transform_indices = @transform_2, window_bounds = array<i64: 2, 5000, 128>}, {pipeline_mode = #tpu.pipeline_mode<synchronous>, transform_indices = @transform_3, window_bounds = array<i64: 8, 128>}, {pipeline_mode = #tpu.pipeline_mode<synchronous>, transform_indices = @transform_4, window_bounds = array<i64: 128, 128>}, {transform_indices = @transform_5, window_bounds = array<i64: 5000, 128>}]} {
    %get3A = arith.constant 0 : index
    %get3A_0 = arith.constant 0 : index
    %get3A_1 = arith.constant 0 : index
    %get3A_2 = vector.load %arg3[%get3A, %get3A_0, %get3A_1] : memref<2x5000x128xf32, #tpu.memory_space<vmem>>, vector<2x5000x128xf32>
    %slice3A = vector.extract_strided_slice %get3A_2 {offsets = [0, 0, 0], sizes = [1, 5000, 1], strides = [1, 1, 1]} : vector<2x5000x128xf32> to vector<1x5000x1xf32>
    %squeeze3A = vector.shape_cast %slice3A : vector<1x5000x1xf32> to vector<5000x1xf32>
    %slice3A_3 = vector.extract_strided_slice %get3A_2 {offsets = [1, 0, 0], sizes = [1, 5000, 1], strides = [1, 1, 1]} : vector<2x5000x128xf32> to vector<1x5000x1xf32>
    %squeeze3A_4 = vector.shape_cast %slice3A_3 : vector<1x5000x1xf32> to vector<5000x1xf32>
    %add3A = arith.addf %squeeze3A, %squeeze3A_4 : vector<5000x1xf32>
    %add3A_5 = arith.constant 1.000000e+00 : f32
    %add3A_6 = vector.broadcast %add3A_5 : f32 to vector<5000x1xf32>
    %add3A_7 = arith.addf %add3A, %add3A_6 : vector<5000x1xf32>
    %rsqrt3A = math.rsqrt %add3A_7 : vector<5000x1xf32>
    %get3A_8 = arith.constant 0 : index
    %get3A_9 = arith.constant 0 : index
    %get3A_10 = arith.constant 0 : index
    %get3A_11 = vector.load %arg1[%get3A_8, %get3A_9, %get3A_10] : memref<2x5000x128xf32, #tpu.memory_space<vmem>>, vector<2x5000x128xf32>
    %slice3A_12 = vector.extract_strided_slice %get3A_11 {offsets = [0, 0, 0], sizes = [1, 5000, 128], strides = [1, 1, 1]} : vector<2x5000x128xf32> to vector<1x5000x128xf32>
    %squeeze3A_13 = vector.shape_cast %slice3A_12 : vector<1x5000x128xf32> to vector<5000x128xf32>
    %slice3A_14 = vector.extract_strided_slice %get3A_11 {offsets = [1, 0, 0], sizes = [1, 5000, 128], strides = [1, 1, 1]} : vector<2x5000x128xf32> to vector<1x5000x128xf32>
    %squeeze3A_15 = vector.shape_cast %slice3A_14 : vector<1x5000x128xf32> to vector<5000x128xf32>
    %add3A_16 = arith.addf %squeeze3A_13, %squeeze3A_15 : vector<5000x128xf32>
    %get3A_17 = arith.constant 0 : index
    %get3A_18 = arith.constant 0 : index
    %get3A_19 = vector.load %arg2[%get3A_17, %get3A_18] : memref<5000x128xf32, #tpu.memory_space<vmem>>, vector<5000x128xf32>
    %add3A_20 = arith.addf %add3A_16, %get3A_19 : vector<5000x128xf32>
    %mul3A = vector.broadcast %rsqrt3A : vector<5000x1xf32> to vector<5000x128xf32>
    %mul3A_21 = arith.mulf %add3A_20, %mul3A : vector<5000x128xf32>
    %get3A_22 = arith.constant 0 : index
    %get3A_23 = arith.constant 0 : index
    %get3A_24 = vector.load %arg4[%get3A_22, %get3A_23] : memref<8x128xf32, #tpu.memory_space<vmem>>, vector<1x128xf32>
    %add3A_25 = vector.broadcast %get3A_24 : vector<1x128xf32> to vector<5000x128xf32>
    %add3A_26 = arith.addf %mul3A_21, %add3A_25 : vector<5000x128xf32>
    %max3A = arith.constant 0.000000e+00 : f32
    %max3A_27 = vector.broadcast %max3A : f32 to vector<5000x128xf32>
    %max3A_28 = arith.maximumf %add3A_26, %max3A_27 : vector<5000x128xf32>
    %get3A_29 = arith.constant 0 : index
    %get3A_30 = arith.constant 0 : index
    %get3A_31 = vector.load %arg5[%get3A_29, %get3A_30] : memref<128x128xf32, #tpu.memory_space<vmem>>, vector<128x128xf32>
    %dot_general3A = arith.constant dense<0.000000e+00> : vector<5000x128xf32>
    %dot_general3A_32 = tpu.matmul %max3A_28, %get3A_31, %dot_general3A {dimension_numbers = #tpu.dot_dimension_numbers<[1], [0], [0], [1], [0, 0, 1, 1], [], []>, transpose_lhs_hint = false} : vector<5000x128xf32>, vector<128x128xf32>, vector<5000x128xf32> -> vector<5000x128xf32>
    %mul3A_33 = vector.broadcast %rsqrt3A : vector<5000x1xf32> to vector<5000x128xf32>
    %mul3A_34 = arith.mulf %dot_general3A_32, %mul3A_33 : vector<5000x128xf32>
    %swap3A = arith.constant 0 : index
    %swap3A_35 = arith.constant 0 : index
    %swap3A_36 = vector.load %arg6[%swap3A, %swap3A_35] : memref<5000x128xf32, #tpu.memory_space<vmem>>, vector<5000x128xf32>
    tpu.vector_store %arg6[%swap3A, %swap3A_35], %mul3A_34 {strides = array<i32>} : memref<5000x128xf32, #tpu.memory_space<vmem>>, vector<5000x128xf32>,
    return
  }
  func.func @transform_0(%arg0: i32) -> (i32, i32, i32) {
    %c0_i32 = arith.constant 0 : i32
    %c0_i32_0 = arith.constant 0 : i32
    %c0_i32_1 = arith.constant 0 : i32
    return %c0_i32, %arg0, %c0_i32_0 : i32, i32, i32
  }
  func.func @transform_1(%arg0: i32) -> (i32, i32) {
    %c0_i32 = arith.constant 0 : i32
    %c0_i32_0 = arith.constant 0 : i32
    return %arg0, %c0_i32 : i32, i32
  }
  func.func @transform_2(%arg0: i32) -> (i32, i32, i32) {
    %c0_i32 = arith.constant 0 : i32
    %c0_i32_0 = arith.constant 0 : i32
    %c0_i32_1 = arith.constant 0 : i32
    return %c0_i32, %arg0, %c0_i32_0 : i32, i32, i32
  }
  func.func @transform_3(%arg0: i32) -> (i32, i32) {
    %c0_i32 = arith.constant 0 : i32
    %c0_i32_0 = arith.constant 0 : i32
    %c0_i32_1 = arith.constant 0 : i32
    return %c0_i32, %c0_i32_0 : i32, i32
  }
  func.func @transform_4(%arg0: i32) -> (i32, i32) {
    %c0_i32 = arith.constant 0 : i32
    %c0_i32_0 = arith.constant 0 : i32
    %c0_i32_1 = arith.constant 0 : i32
    return %c0_i32, %c0_i32_0 : i32, i32
  }
  func.func @transform_5(%arg0: i32) -> (i32, i32) {
    %c0_i32 = arith.constant 0 : i32
    %c0_i32_0 = arith.constant 0 : i32
    return %arg0, %c0_i32 : i32, i32
  }
}

module attributes {stable_mosaic.version = 14 : i64} {
  func.func @_tc3_body(%arg0: i32, %arg1: memref<2x5000x128xf32, #tpu.memory_space<vmem>>, %arg2: memref<5000x128xf32, #tpu.memory_space<vmem>>, %arg3: memref<2x5000x128xf32, #tpu.memory_space<vmem>>, %arg4: memref<8x64xf32, #tpu.memory_space<vmem>>, %arg5: memref<5000x64xf32, #tpu.memory_space<vmem>>) attributes {dimension_semantics = [#tpu.dimension_semantics<arbitrary>], iteration_bounds = array<i64: 2>, scalar_prefetch = 0 : i64, scratch_operands = 0 : i64, tpu.core_type = #tpu.core_type<tc>, window_params = [{transform_indices = @transform_0, window_bounds = array<i64: 2, 5000, 128>}, {transform_indices = @transform_1, window_bounds = array<i64: 5000, 128>}, {transform_indices = @transform_2, window_bounds = array<i64: 2, 5000, 128>}, {pipeline_mode = #tpu.pipeline_mode<synchronous>, transform_indices = @transform_3, window_bounds = array<i64: 8, 64>}, {transform_indices = @transform_4, window_bounds = array<i64: 5000, 64>}]} {
    %get3A = arith.constant 0 : index
    %get3A_0 = arith.constant 0 : index
    %get3A_1 = arith.constant 0 : index
    %get3A_2 = vector.load %arg3[%get3A, %get3A_0, %get3A_1] : memref<2x5000x128xf32, #tpu.memory_space<vmem>>, vector<2x5000x128xf32>
    %slice3A = vector.extract_strided_slice %get3A_2 {offsets = [0, 0, 0], sizes = [1, 5000, 1], strides = [1, 1, 1]} : vector<2x5000x128xf32> to vector<1x5000x1xf32>
    %squeeze3A = vector.shape_cast %slice3A : vector<1x5000x1xf32> to vector<5000x1xf32>
    %slice3A_3 = vector.extract_strided_slice %get3A_2 {offsets = [1, 0, 0], sizes = [1, 5000, 1], strides = [1, 1, 1]} : vector<2x5000x128xf32> to vector<1x5000x1xf32>
    %squeeze3A_4 = vector.shape_cast %slice3A_3 : vector<1x5000x1xf32> to vector<5000x1xf32>
    %add3A = arith.addf %squeeze3A, %squeeze3A_4 : vector<5000x1xf32>
    %add3A_5 = arith.constant 1.000000e+00 : f32
    %add3A_6 = vector.broadcast %add3A_5 : f32 to vector<5000x1xf32>
    %add3A_7 = arith.addf %add3A, %add3A_6 : vector<5000x1xf32>
    %rsqrt3A = math.rsqrt %add3A_7 : vector<5000x1xf32>
    %get3A_8 = arith.constant 0 : index
    %get3A_9 = arith.constant 0 : index
    %get3A_10 = arith.constant 0 : index
    %get3A_11 = vector.load %arg1[%get3A_8, %get3A_9, %get3A_10] : memref<2x5000x128xf32, #tpu.memory_space<vmem>>, vector<2x5000x128xf32>
    %slice3A_12 = vector.extract_strided_slice %get3A_11 {offsets = [0, 0, 0], sizes = [1, 5000, 64], strides = [1, 1, 1]} : vector<2x5000x128xf32> to vector<1x5000x64xf32>
    %squeeze3A_13 = vector.shape_cast %slice3A_12 : vector<1x5000x64xf32> to vector<5000x64xf32>
    %slice3A_14 = vector.extract_strided_slice %get3A_11 {offsets = [1, 0, 0], sizes = [1, 5000, 64], strides = [1, 1, 1]} : vector<2x5000x128xf32> to vector<1x5000x64xf32>
    %squeeze3A_15 = vector.shape_cast %slice3A_14 : vector<1x5000x64xf32> to vector<5000x64xf32>
    %add3A_16 = arith.addf %squeeze3A_13, %squeeze3A_15 : vector<5000x64xf32>
    %get3A_17 = arith.constant 0 : index
    %get3A_18 = arith.constant 0 : index
    %get3A_19 = vector.load %arg2[%get3A_17, %get3A_18] : memref<5000x128xf32, #tpu.memory_space<vmem>>, vector<5000x64xf32>
    %add3A_20 = arith.addf %add3A_16, %get3A_19 : vector<5000x64xf32>
    %mul3A = vector.broadcast %rsqrt3A : vector<5000x1xf32> to vector<5000x64xf32>
    %mul3A_21 = arith.mulf %add3A_20, %mul3A : vector<5000x64xf32>
    %get3A_22 = arith.constant 0 : index
    %get3A_23 = arith.constant 0 : index
    %get3A_24 = vector.load %arg4[%get3A_22, %get3A_23] : memref<8x64xf32, #tpu.memory_space<vmem>>, vector<1x64xf32>
    %add3A_25 = vector.broadcast %get3A_24 : vector<1x64xf32> to vector<5000x64xf32>
    %add3A_26 = arith.addf %mul3A_21, %add3A_25 : vector<5000x64xf32>
    %reduce_max3A = arith.constant dense<0xFF800000> : vector<5000xf32>
    %reduce_max3A_27 = vector.multi_reduction <maximumf>, %add3A_26, %reduce_max3A [1] : vector<5000x64xf32> to vector<5000xf32>
    %broadcast_in_dim3A = vector.shape_cast %reduce_max3A_27 : vector<5000xf32> to vector<5000x1xf32>
    %sub3A = vector.broadcast %broadcast_in_dim3A : vector<5000x1xf32> to vector<5000x64xf32>
    %sub3A_28 = arith.subf %add3A_26, %sub3A : vector<5000x64xf32>
    %exp3A = math.exp %sub3A_28 : vector<5000x64xf32>
    %reduce_sum3A = arith.constant dense<0.000000e+00> : vector<5000xf32>
    %reduce_sum3A_29 = vector.multi_reduction <add>, %exp3A, %reduce_sum3A [1] : vector<5000x64xf32> to vector<5000xf32>
    %broadcast_in_dim3A_30 = vector.shape_cast %reduce_sum3A_29 : vector<5000xf32> to vector<5000x1xf32>
    %sub3A_31 = vector.broadcast %broadcast_in_dim3A : vector<5000x1xf32> to vector<5000x64xf32>
    %sub3A_32 = arith.subf %add3A_26, %sub3A_31 : vector<5000x64xf32>
    %log3A = math.log %broadcast_in_dim3A_30 : vector<5000x1xf32>
    %sub3A_33 = vector.broadcast %log3A : vector<5000x1xf32> to vector<5000x64xf32>
    %sub3A_34 = arith.subf %sub3A_32, %sub3A_33 : vector<5000x64xf32>
    %swap3A = arith.constant 0 : index
    %swap3A_35 = arith.constant 0 : index
    %swap3A_36 = vector.load %arg5[%swap3A, %swap3A_35] : memref<5000x64xf32, #tpu.memory_space<vmem>>, vector<5000x64xf32>
    tpu.vector_store %arg5[%swap3A, %swap3A_35], %sub3A_34 {strides = array<i32>} : memref<5000x64xf32, #tpu.memory_space<vmem>>, vector<5000x64xf32>,
    return
  }
  func.func @transform_0(%arg0: i32) -> (i32, i32, i32) {
    %c0_i32 = arith.constant 0 : i32
    %c0_i32_0 = arith.constant 0 : i32
    %c0_i32_1 = arith.constant 0 : i32
    return %c0_i32, %arg0, %c0_i32_0 : i32, i32, i32
  }
  func.func @transform_1(%arg0: i32) -> (i32, i32) {
    %c0_i32 = arith.constant 0 : i32
    %c0_i32_0 = arith.constant 0 : i32
    return %arg0, %c0_i32 : i32, i32
  }
  func.func @transform_2(%arg0: i32) -> (i32, i32, i32) {
    %c0_i32 = arith.constant 0 : i32
    %c0_i32_0 = arith.constant 0 : i32
    %c0_i32_1 = arith.constant 0 : i32
    return %c0_i32, %arg0, %c0_i32_0 : i32, i32, i32
  }
  func.func @transform_3(%arg0: i32) -> (i32, i32) {
    %c0_i32 = arith.constant 0 : i32
    %c0_i32_0 = arith.constant 0 : i32
    %c0_i32_1 = arith.constant 0 : i32
    return %c0_i32, %c0_i32_0 : i32, i32
  }
  func.func @transform_4(%arg0: i32) -> (i32, i32) {
    %c0_i32 = arith.constant 0 : i32
    %c0_i32_0 = arith.constant 0 : i32
    return %arg0, %c0_i32 : i32, i32
  }
}

</mosaic_0001>

<sc_bundles>
// kernel: kernel.11.cloned.1.call-start
scs
__scs_entry_jumppad:
0x0: {  	(pc) =	sbr.rel $0x88, $3  }
0x1: {  	(tag) =	ssettag $0x0;
	lr =	simm.s32 $0x1  }
0x2: {  	[smem:$0x3F9B] =	sst lr;
	_ =	strace $0xD0000000  }
0x3: {  	_ = 	snop  }
0x4: {  	_ = 	snop  }
0x5: {  	_ = 	snop  }
0x6: {  	_ = 	snop  }
0x7: {  	_ = 	snop  }
__scs_overlays_trampoline_lowered:
0x8: {  	[smem:$0x3FAA] =	sst s0  }
0x9: {  	[smem:$0x3FAB] =	sst s1  }
0xa: {  	[smem:$0x3FAC] =	sst s2  }
0xb: {  	[smem:$0x3FAD] =	sst s3  }
0xc: {  	[smem:$0x3FAE] =	sst s4  }
0xd: {  	[smem:$0x3FAF] =	sst s5  }
0xe: {  	[smem:$0x3FB0] =	sst s6  }
0xf: {  	[smem:$0x3FB1] =	sst s7  }
0x10: {  	[smem:$0x3FB2] =	sst s8  }
0x11: {  	[smem:$0x3FB3] =	sst s9;
	s0 =	simm.s32 @!p0 $0x0  }
0x12: {  	s1 =	sld [smem:$0x3F99];
	s0 =	simm.s32 @p0 $0x1  }
0x13: {  	[smem:$0x3FB4] =	sst s0;
	s0 =	simm.s32 @!p1 $0x0  }
0x14: {  	s2 =	sld [smem:$0x3F98];
	s0 =	simm.s32 @p1 $0x1  }
0x15: {  	[smem:$0x3FB5] =	sst s0;
	s0 =	simm.s32 @!p2 $0x0  }
0x16: {  	s3 =	sld [smem:$0x3FDB];
	s0 =	simm.s32 @p2 $0x1  }
0x17: {  	s4 =	simm.s32 $0x1BF5;
	[smem:$0x3FB7] =	sst s0  }
0x18: {  	s0 =	sld [smem:$0x3F9A];
	_ =	swait.ge [sflag:s4], $0x0  }
0x19: {  	s7 =	sld [smem:$0x3F9B]  }
0x1a: {  	s8 =	sadd.s32 $0xFFFFE003, lr  }
0x1b: {  	s9 =	sadd.s32 $0xFFFFFEF7, lr;
	s5 =	simm.s32 $0xFFFFFFFF;
	p2 =	slt.u32 s8, $0xFFFFF086  }
0x1c: {  	p1 =	slt.u32 s9, $0xF7A;
	s5 =	simm.s32 @!p2 $0x0  }
0x1d: {  	s5 =	simm.s32 @p1 $0x1;
	p0 =	seq.s32 s7, s2  }
0x1e: {  	s7 =	smul.u32 @!p0 $0xF7A, s2;
	p2 =	seq.s32 @!p0 s5, $0x0  }
0x1f: {  	s9 =	smul.u32 $0xF7A, s1;
	s8 =	simm.s32 @!p0 $0x1BF5;
	p2 =	por !p2, p0  }
0x20: {  	[sflag:s8] =	ssyncset.s32 @!p0 $0xFFFFF086;
	s6 =	sadd.s32 @!p0 s3, s7;
	s7 =	simm.s32 @!p0 $0x108  }
0x21: {  	s3 =	sadd.s32 s3, s9;
	s6 =	sadd.s32 @!p0 $0x88, s6;
	s7 =	simm.s32 @p2 $0x1082  }
0x22: {  	[simem:s7], [sflag:s8] =	dma.local @!p0 [hbm:s6], $0xF7A  }
0x23: {  	s9 =	sor.u32 $0xD0000000, s2;
	s6 =	simm.s32 $0x108;
	_ =	swait.ge @!p0 [sflag:s8], $0x0  }
0x24: {  	s3 =	sadd.s32 $0x88, s3;
	s6 =	simm.s32 @!p1 $0x1082;
	[sflag:s4] =	ssyncset.s32 $0xFFFFF086  }
0x25: {  	[simem:s6], [sflag:s4] =	dma.local [hbm:s3], $0xF7A  }
0x26: {  	[smem:$0x3F9B] =	sst s1;
	(tag) =	ssettag s2;
	_ =	strace s9  }
0x27: {  	s1 =	sld [smem:$0x3FAB]  }
0x28: {  	s2 =	sld [smem:$0x3FAC]  }
0x29: {  	s4 =	sld [smem:$0x3FAE]  }
0x2a: {  	p0 =	seq.s32 s5, $0x0;
	s5 =	sld [smem:$0x3FAF]  }
0x2b: {  	s6 =	sld [smem:$0x3FB0]  }
0x2c: {  	s7 =	sld [smem:$0x3FB1]  }
0x2d: {  	s3 =	simm.s32 $0x108;
	s8 =	sld [smem:$0x3FB2]  }
0x2e: {  	s3 =	simm.s32 @!p0 $0x1082;
	s9 =	sld [smem:$0x3FB3]  }
0x2f: {  	lr =	sadd.s32 s0, s3;
	s0 =	sld [smem:$0x3FAA]  }
0x30: {  	s3 =	sld [smem:$0x3FAD]  }
0x31: {  	[smem:$0x3FB6] =	sst s10  }
0x32: {  	s10 =	sld [smem:$0x3FB4];
	_ =	sdelay $0x3  }
0x33: {  	p0 =	seq.s32 s10, $0x1;
	s10 =	sld [smem:$0x3FB6];
	_ =	sdelay $0x3  }
0x34: {  	[smem:$0x3FB6] =	sst s10  }
0x35: {  	s10 =	sld [smem:$0x3FB5];
	_ =	sdelay $0x3  }
0x36: {  	p1 =	seq.s32 s10, $0x1;
	s10 =	sld [smem:$0x3FB6];
	_ =	sdelay $0x3  }
0x37: {  	[smem:$0x3FB6] =	sst s10  }
0x38: {  	s10 =	sld [smem:$0x3FB7]  }
0x39: {  	_ = 	snop;
	(pc) =	sbr.ind lr, $3  }
0x3a: {  	_ = 	snop  }
0x3b: {  	_ = 	snop  }
0x3c: {  	p2 =	seq.s32 s10, $0x1;
	s10 =	sld [smem:$0x3FB6]  }
0x3d: {  	_ =	shalt  }
0x3e: {  	_ =	shalt  }
0x3f: {  	_ =	shalt  }
0x40: {  	_ =	shalt  }
0x41: {  	_ =	shalt  }
0x42: {  	_ =	shalt  }
0x43: {  	_ =	shalt  }
0x44: {  	_ =	shalt  }
0x45: {  	_ =	shalt  }
0x46: {  	_ =	shalt  }
0x47: {  	_ =	shalt  }
0x48: {  	_ =	shalt  }
0x49: {  	_ =	shalt  }
0x4a: {  	_ =	shalt  }
0x4b: {  	_ =	shalt  }
0x4c: {  	_ =	shalt  }
0x4d: {  	_ =	shalt  }
0x4e: {  	_ =	shalt  }
0x4f: {  	_ =	shalt  }
0x50: {  	_ =	shalt  }
0x51: {  	_ =	shalt  }
0x52: {  	_ =	shalt  }
0x53: {  	_ =	shalt  }
0x54: {  	_ =	shalt  }
0x55: {  	_ =	shalt  }
0x56: {  	_ =	shalt  }
0x57: {  	_ =	shalt  }
0x58: {  	_ =	shalt  }
0x59: {  	_ =	shalt  }
0x5a: {  	_ =	shalt  }
0x5b: {  	_ =	shalt  }
0x5c: {  	_ =	shalt  }
0x5d: {  	_ =	shalt  }
0x5e: {  	_ =	shalt  }
0x5f: {  	_ =	shalt  }
0x60: {  	_ =	shalt  }
0x61: {  	_ =	shalt  }
0x62: {  	_ =	shalt  }
0x63: {  	_ =	shalt  }
0x64: {  	_ =	shalt  }
0x65: {  	_ =	shalt  }
0x66: {  	_ =	shalt  }
0x67: {  	_ =	shalt  }
0x68: {  	_ =	shalt  }
0x69: {  	_ =	shalt  }
0x6a: {  	_ =	shalt  }
0x6b: {  	_ =	shalt  }
0x6c: {  	_ =	shalt  }
0x6d: {  	_ =	shalt  }
0x6e: {  	_ =	shalt  }
0x6f: {  	_ =	shalt  }
0x70: {  	_ =	shalt  }
0x71: {  	_ =	shalt  }
0x72: {  	_ =	shalt  }
0x73: {  	_ =	shalt  }
0x74: {  	_ =	shalt  }
0x75: {  	_ =	shalt  }
0x76: {  	_ =	shalt  }
0x77: {  	_ =	shalt  }
0x78: {  	_ =	shalt  }
0x79: {  	_ =	shalt  }
0x7a: {  	_ =	shalt  }
0x7b: {  	_ =	shalt  }
0x7c: {  	_ =	shalt  }
0x7d: {  	_ =	shalt  }
0x7e: {  	_ =	shalt  }
0x7f: {  	_ =	shalt  }
0x80: {  	_ =	shalt  }
0x81: {  	_ =	shalt  }
0x82: {  	_ =	shalt  }
0x83: {  	_ =	shalt  }
0x84: {  	_ =	shalt  }
0x85: {  	_ =	shalt  }
0x86: {  	_ =	shalt  }
0x87: {  	_ =	shalt  }
.Lfunc_end0:
.L_simem_size_0:
called_computation.1_lowered:
.L_overlay_start_0:
0x88: {  	s2 =	sld [smem:$0x3FD9]  }
0x89: {  	s3 =	sld [smem:$0x3FFE];
	_ =	sdelay $0x1  }
0x8a: {  	s1 =	srdreg.scid  }
0x8b: {  	s0 =	sand.u32 $0x1, s1  }
0x8c: {  	s17 =	sshll.u32 s0, $0xA;
	s2 =	sadd.s32 s3, s2  }
0x8d: {  	s2 =	sadd.s32 s2, s17  }
0x8e: {  	[smem:$0x3FC2] =	sst s2  }
0x8f: {  	_ = 	snop  }
0x90: {  	s2 =	sld [smem:$0x3FD0];
	(tm) =	ssettm $0x1  }
0x91: {  	s18 =	sld [smem:$0x3FFB];
	_ =	sdelay $0x3  }
0x92: {  	_ =	strace s18  }
0x93: {  	s3 =	sld [smem:$0x3FFC];
	_ =	sdelay $0x3  }
0x94: {  	_ =	strace s3  }
0x95: {  	s3 =	sld [smem:$0x3FFD];
	_ =	sdelay $0x3  }
0x96: {  	_ =	strace s3  }
0x97: {  	_ =	strace $0x8FFFFFFF  }
0x98: {  	s19 =	sld [smem:$0x3FDB];
	_ =	sdelay $0x1  }
0x99: {  	s4 =	simm.s32 $_scs_section_size  }
0x9a: {  	s5 =	simm.s32 $_size__tile_overlayer_lowered;
	s6 =	simm.s32 $_tile_overlayer_lowered  }
0x9b: {  	s22 =	simm.s32 $0x1BFF;
	s21 =	sshll.u32 s6, $0x1;
	s3 =	sadd.s32 s4, s19  }
0x9c: {  	s7 =	simm.s32 $0x0;
	s20 =	sshll.u32 s5, $0x1;
	s5 =	sadd.s32 s21, s3  }
0x9d: {  	[timem:s7], [sflag:s22] =	dma.local [hbm:s5], s20  }
0x9e: {  	_ =	swait.ge [sflag:s22], s20  }
0x9f: {  	s4 =	ssub.s32 $0x0, s20;
	[sflag:s22] =	ssyncset.done $0x0  }
0xa0: {  	[sflag:s22] =	ssyncadd.s32 s4;
	_ =	sdelay $0x1  }
0xa1: {  	s23 =	simm.s32 $0x1B8B  }
0xa2: {  	_ =	swait.ge [sflag:s23], $0x1  }
0xa3: {  	[sflag:s23] =	ssyncset.done $0x0  }
0xa4: {  	s25 =	simm.s32 $0x1B8E;
	s24 =	sld [smem:$0x3FFE];
	[sflag:s23] =	ssyncadd.s32 $0xFFFFFFFF  }
0xa5: {  	s26 =	simm.s32 $execute0_lowered;
	[smem:$0x3FD2] =	sst s25  }
0xa6: {  	s5 =	sshll.u32 s26, $0x1;
	_ =	strace $0x80000049;
	[dreg:$0x1] =	wrdreg $0xFFFFFFFF  }
0xa7: {  	s28 =	simm.s32 $_size_execute0_lowered;
	s3 =	sadd.s32 s3, s5;
	[dreg:$0x0] =	wrdreg $0x0  }
0xa8: {  	s5 =	sshll.u32 s28, $0x1;
	[dreg:$0x2] =	wrdreg s3  }
0xa9: {  	[dreg:$0x3] =	wrdreg s5  }
0xaa: {  	[dreg:$0x4] =	wrdreg $0xC0  }
0xab: {  	_ =	task [dreg:s7], $0x5FFFF  }
0xac: {  	[dreg:$0x1] =	wrdreg $0xFFFFFFFF  }
0xad: {  	[dreg:$0x0] =	wrdreg $0x60  }
0xae: {  	[dreg:$0x2] =	wrdreg s24  }
0xaf: {  	[dreg:$0x3] =	wrdreg s2  }
0xb0: {  	[dreg:$0x4] =	wrdreg $0x90000  }
0xb1: {  	[dreg:$0x5] =	wrdreg $0x9  }
0xb2: {  	_ =	task.clear_ibuf [dreg:s7], $0x6FFFF;
	_ =	strace $0x90000049  }
0xb3: {  	s29 =	simm.s32 $0x9;
	_ =	strace $0x8000004B  }
0xb4: {  	_ =	swait.ge [sflag:s29], $0x1  }
0xb5: {  	[sflag:s29] =	ssyncadd.s32 $0xFFFFFFFF  }
0xb6: {  	_ =	strace $0x9000004B  }
0xb7: {  	_ =	sfence  }
0xb8: {  	s30 =	sld [smem:$0x0];
	_ =	sdelay $0x2  }
0xb9: {  	s31 =	sshll.u32 s1, $0xD;
	s1 =	sshrl.u32 s1, $0x2  }
0xba: {  	s3 =	sand.u32 $0x4000, s31;
	s1 =	sadd.s32 s1, s30  }
0xbb: {  	s0 =	sor.u32 s3, s0;
	s1 =	sshll.u32 s1, $0x11  }
0xbc: {  	s0 =	sor.u32 s1, s0  }
0xbd: {  	s0 =	sadd.s32 $0x8F2B, s0  }
0xbe: {  	[sflag:s0] =	ssyncadd.remote.s32 $0x1  }
0xbf: {  	_ =	sfence.sel $0xFFFF  }
0xc0: {  	[dreg:$0x0] =	wrdreg $0xFFFFFFFF;
	(pc) =	sbr.abs _section_cstart, $3  }
0xc1: {  	[dreg:$0x1] =	wrdreg $0xFFFFFFFF  }
0xc2: {  	_ =	task.clear_ibuf [dreg:s7], $0x2FFFF;
	_ =	strace $0x9FFFFFFF  }
0xc3: {  	(tm) =	ssettm $0x7FFFFFFF  }
tec
execute0_lowered:
.L_overlay_start_1:
0x0: {  	(tag) =	ssettag $0x1  }
0x1: {  	s6 =	rddreg [dreg:$0x0]  }
0x2: {  	s1 =	srdreg.scid;
	s7 =	rddreg [dreg:$0x1]  }
0x3: {  	s0 =	stileid.u32;
	s2 =	rddreg [dreg:$0x2];
	s3 =	simm.s32 $0x0  }
0x4: {  	s21 =	simm.s32 $0x5000;
	s22 =	simm.s32 $0x80;
	s23 =	simm.s32 $0x1  }
0x5: {  	s24 =	simm.s32 $0x0;
	s9 =	sand.u32 $0x1, s1;
	s1 =	rddreg [dreg:$0x3]  }
0x6: {  	s28 =	sshll.u32 s0, $0x1;
	[smem:$0x7FF] =	sst s3;
	s12 =	smul.u32 $0x4F000, s0  }
0x7: {  	s5 =	sadd.s32 $0x2200, s6;
	s17 =	sadd.s32 $0x83400, s6;
	s13 =	smul.u32 $0x13C00, s0  }
0x8: {  	s4 =	sor.u32 s9, s28;
	_ =	strace $0x8000004A;
	s19 =	smul.u32 $0x13C000, s9  }
0x9: {  	s11 =	ssub.s32 $0x2, s9;
	s8 =	smul.u32 $0x500, s4;
	s4 =	sadd.s32 $0x5C200, s6  }
0xa: {  	s29 =	sshrl.u32 s11, $0x1;
	s30 =	sshrl.u32 s12, $0x2;
	s31 =	sadd.s32 $0x4000, s13  }
0xb: {  	s15 =	sadd.s32 $0x8000, s13;
	s16 =	sadd.s32 $0xC000, s13;
	s20 =	sadd.s32 $0x10000, s13  }
0xc: {  	s18 =	ssub.s32 s11, s29;
	s9 =	sadd.s32 s31, s2;
	s11 =	sadd.s32 s16, s2  }
0xd: {  	s13 =	sadd.s32 s13, s19;
	s14 =	sadd.s32 s19, s31;
	s12 =	sadd.s32 s20, s2  }
0xe: {  	s16 =	sadd.s32 s19, s16;
	s10 =	sadd.s32 s8, s6;
	s7 =	sadd.s32 s7, s8  }
0xf: {  	s8 =	sadd.s32 s30, s2;
	s13 =	sshrl.u32 s13, $0x3;
	s14 =	sshrl.u32 s14, $0x3  }
0x10: {  	s16 =	sshrl.u32 s16, $0x3;
	s18 =	smax.u32 s18, $0x1;
	s6 =	sadd.s32 $0x52200, s10  }
0x11: {  	s10 =	sadd.s32 s15, s2;
	s13 =	sadd.s32 s17, s13;
	s14 =	sadd.s32 s17, s14  }
0x12: {  	s15 =	sadd.s32 s19, s15;
	s19 =	sadd.s32 s19, s20;
	s16 =	sadd.s32 s17, s16  }
0x13: {  	s20 =	simm.s32 $0x2800;
	s15 =	sshrl.u32 s15, $0x3;
	s19 =	sshrl.u32 s19, $0x3  }
0x14: {  	s15 =	sadd.s32 s17, s15;
	s17 =	sadd.s32 s17, s19;
	s19 =	simm.s32 $0x2  }
.LBB2_1:
0x15: {  	[tilespmem:s3], [sflag:$0x2] =	stream.linear.gather [hbm4b:s6+s3], $0x2780, $0x38;
	[tilespmem:$0x1CC00] =	vst v63  }
0x16: {  	_ =	swait.ge [sflag:s19], $0x2780  }
0x17: {  	[sflag:s19] =	ssyncset.done $0x0  }
0x18: {  	[sflag:s19] =	ssyncadd.s32 $0xFFFFD880  }
0x19: {  	[tilespmem:s20], [sflag:$0x2] =	stream.linear.gather [hbm4b:s7+s3], $0x2780, $0x38;
	[tilespmem:$0x1CC00] =	vst v63  }
0x1a: {  	_ =	swait.ge [sflag:s19], $0x2780  }
0x1b: {  	[sflag:s19] =	ssyncset.done $0x0  }
0x1c: {  	[sflag:s19] =	ssyncadd.s32 $0xFFFFD880  }
0x1d: {  	[tilespmem:s21], [sflag:$0x2] =	stream.linear.gather [hbm4b:s5+s3], $0x4000, $0x38;
	[tilespmem:$0x1CC00] =	vst v63  }
0x1e: {  	_ =	swait.ge [sflag:s19], $0x4000  }
0x1f: {  	[sflag:s19] =	ssyncset.done $0x0  }
0x20: {  	[sflag:s19] =	ssyncadd.s32 $0xFFFFC000  }
0x21: {  	[spmem:s8] =	stream.linear.scatter [tilespmem:s21], [sflag:$0x2], $0x4000, $0x38;
	[tilespmem:$0x1CC00] =	vst v63  }
0x22: {  	_ =	swait.ge [sflag:s19], $0x4000  }
0x23: {  	[sflag:s19] =	ssyncset.done $0x0  }
0x24: {  	[sflag:s19] =	ssyncadd.s32 $0xFFFFC000  }
0x25: {  	[spmem:s9] =	stream.linear.scatter [tilespmem:s21], [sflag:$0x2], $0x4000, $0x38;
	[tilespmem:$0x1CC00] =	vst v63  }
0x26: {  	_ =	swait.ge [sflag:s19], $0x4000  }
0x27: {  	[sflag:s19] =	ssyncset.done $0x0  }
0x28: {  	[sflag:s19] =	ssyncadd.s32 $0xFFFFC000  }
0x29: {  	[spmem:s10] =	stream.linear.scatter [tilespmem:s21], [sflag:$0x2], $0x4000, $0x38;
	[tilespmem:$0x1CC00] =	vst v63  }
0x2a: {  	_ =	swait.ge [sflag:s19], $0x4000  }
0x2b: {  	[sflag:s19] =	ssyncset.done $0x0  }
0x2c: {  	[sflag:s19] =	ssyncadd.s32 $0xFFFFC000  }
0x2d: {  	[spmem:s11] =	stream.linear.scatter [tilespmem:s21], [sflag:$0x2], $0x4000, $0x38;
	[tilespmem:$0x1CC00] =	vst v63  }
0x2e: {  	_ =	swait.ge [sflag:s19], $0x4000  }
0x2f: {  	[sflag:s19] =	ssyncset.done $0x0  }
0x30: {  	[sflag:s19] =	ssyncadd.s32 $0xFFFFC000  }
0x31: {  	[spmem:s12] =	stream.linear.scatter [tilespmem:s21], [sflag:$0x2], $0x3C00, $0x38;
	[tilespmem:$0x1CC00] =	vst v63  }
0x32: {  	_ =	swait.ge [sflag:s19], $0x3C00  }
0x33: {  	[sflag:s19] =	ssyncset.done $0x0  }
0x34: {  	[sflag:s19] =	ssyncadd.s32 $0xFFFFC400  }
0x35: {  	s25 =	simm.s32 $0x0;
	[bflag:$0x0] =	sbarrier.arrive $0xFFFF  }
0x36: {  	[tilespmem:s21], [sflag:$0x1] =	stream.indirect.gather [hbm4b:s4+s22], $0x80, s25, s22, $0xb8;
	[tilespmem:$0x1CC00] =	vst v63  }
0x37: {  	_ =	swait.ge [sflag:s23], $0x4000  }
0x38: {  	[sflag:s23] =	ssyncset.done $0x0  }
0x39: {  	s31 =	simm.s32 $0x2800;
	[sflag:s23] =	ssyncadd.s32 $0xFFFFC000  }
0x3a: {  	[spmem:s2] =	stream.indirect.scatter.add.f32 [tilespmem:s21], [sflag:$0x2], $0x80, s31, s22, $0xb8;
	[tilespmem:$0x1CC00] =	vst v63  }
0x3b: {  	_ =	swait.ge [sflag:s19], $0x4000  }
0x3c: {  	s26 =	simm.s32 $0x400;
	s25 =	simm.s32 $0x200;
	[sflag:s19] =	ssyncset.done $0x0  }
.LBB2_2:
0x3d: {  	s28 =	sshra.s32 s25, $0x2  }
0x3e: {  	[sflag:s19] =	ssyncadd.s32 $0xFFFFC000;
	s25 =	smov.u32 s26;
	s29 =	sadd.s32 $0x200, s26  }
0x3f: {  	[tilespmem:s21], [sflag:$0x1] =	stream.indirect.gather [hbm4b:s4+s22], $0x80, s28, s22, $0xb8;
	[tilespmem:$0x1CC00] =	vst v63  }
0x40: {  	p0 =	sne.s32 s26, $0x9C00;
	_ =	swait.ge [sflag:s23], $0x4000  }
.Ltmp0:
0x41: {  	[sflag:s23] =	ssyncset.done $0x0;
	(pc) =	sbr.rel @p0 .LBB2_2-.Ltmp0, $4  }
0x42: {  	s26 =	sadd.s32 $0x2800, s28;
	[sflag:s23] =	ssyncadd.s32 $0xFFFFC000  }
0x43: {  	[spmem:s2] =	stream.indirect.scatter.add.f32 [tilespmem:s21], [sflag:$0x2], $0x80, s26, s22, $0xb8;
	[tilespmem:$0x1CC00] =	vst v63  }
0x44: {  	_ =	swait.ge [sflag:s19], $0x4000  }
0x45: {  	s26 =	smov.u32 s29;
	[sflag:s19] =	ssyncset.done $0x0  }
0x46: {  	s25 =	sshra.s32 s25, $0x2;
	[sflag:s19] =	ssyncadd.s32 $0xFFFFC000  }
0x47: {  	[tilespmem:s21], [sflag:$0x1] =	stream.indirect.gather [hbm4b:s4+s22], $0x80, s25, s22, $0xb8;
	[tilespmem:$0x1CC00] =	vst v63  }
0x48: {  	_ =	swait.ge [sflag:s23], $0x4000  }
0x49: {  	[sflag:s23] =	ssyncset.done $0x0  }
0x4a: {  	s25 =	sadd.s32 $0x2800, s25;
	[sflag:s23] =	ssyncadd.s32 $0xFFFFC000  }
0x4b: {  	[spmem:s2] =	stream.indirect.scatter.add.f32 [tilespmem:s21], [sflag:$0x2], $0x80, s25, s22, $0xb8;
	[tilespmem:$0x1CC00] =	vst v63  }
0x4c: {  	_ =	swait.ge [sflag:s19], $0x4000  }
0x4d: {  	[sflag:s19] =	ssyncset.done $0x0  }
0x4e: {  	[sflag:s19] =	ssyncadd.s32 $0xFFFFC000  }
0x4f: {  	[bflag:$0x0] =	sbarrier.arrive $0xFFFF  }
0x50: {  	[tilespmem:s21], [sflag:$0x2] =	stream.linear.gather [spmem:s8], $0x4000, $0x38;
	[tilespmem:$0x1CC00] =	vst v63  }
0x51: {  	_ =	swait.ge [sflag:s19], $0x4000  }
0x52: {  	[sflag:s19] =	ssyncset.done $0x0  }
0x53: {  	[sflag:s19] =	ssyncadd.s32 $0xFFFFC000  }
0x54: {  	[hbm4b:s13+s3] =	stream.linear.scatter [tilespmem:s21], [sflag:$0x2], $0x4000, $0x38;
	[tilespmem:$0x1CC00] =	vst v63  }
0x55: {  	_ =	swait.ge [sflag:s19], $0x4000  }
0x56: {  	[sflag:s19] =	ssyncset.done $0x0  }
0x57: {  	[sflag:s19] =	ssyncadd.s32 $0xFFFFC000  }
0x58: {  	[tilespmem:s21], [sflag:$0x2] =	stream.linear.gather [spmem:s9], $0x4000, $0x38;
	[tilespmem:$0x1CC00] =	vst v63  }
0x59: {  	_ =	swait.ge [sflag:s19], $0x4000  }
0x5a: {  	[sflag:s19] =	ssyncset.done $0x0  }
0x5b: {  	[sflag:s19] =	ssyncadd.s32 $0xFFFFC000  }
0x5c: {  	[hbm4b:s14+s3] =	stream.linear.scatter [tilespmem:s21], [sflag:$0x2], $0x4000, $0x38;
	[tilespmem:$0x1CC00] =	vst v63  }
0x5d: {  	_ =	swait.ge [sflag:s19], $0x4000  }
0x5e: {  	[sflag:s19] =	ssyncset.done $0x0  }
0x5f: {  	[sflag:s19] =	ssyncadd.s32 $0xFFFFC000  }
0x60: {  	[tilespmem:s21], [sflag:$0x2] =	stream.linear.gather [spmem:s10], $0x4000, $0x38;
	[tilespmem:$0x1CC00] =	vst v63  }
0x61: {  	_ =	swait.ge [sflag:s19], $0x4000  }
0x62: {  	[sflag:s19] =	ssyncset.done $0x0  }
0x63: {  	[sflag:s19] =	ssyncadd.s32 $0xFFFFC000  }
0x64: {  	[hbm4b:s15+s3] =	stream.linear.scatter [tilespmem:s21], [sflag:$0x2], $0x4000, $0x38;
	[tilespmem:$0x1CC00] =	vst v63  }
0x65: {  	_ =	swait.ge [sflag:s19], $0x4000  }
0x66: {  	[sflag:s19] =	ssyncset.done $0x0  }
0x67: {  	[sflag:s19] =	ssyncadd.s32 $0xFFFFC000  }
0x68: {  	[tilespmem:s21], [sflag:$0x2] =	stream.linear.gather [spmem:s11], $0x4000, $0x38;
	[tilespmem:$0x1CC00] =	vst v63  }
0x69: {  	_ =	swait.ge [sflag:s19], $0x4000  }
0x6a: {  	[sflag:s19] =	ssyncset.done $0x0  }
0x6b: {  	[sflag:s19] =	ssyncadd.s32 $0xFFFFC000  }
0x6c: {  	[hbm4b:s16+s3] =	stream.linear.scatter [tilespmem:s21], [sflag:$0x2], $0x4000, $0x38;
	[tilespmem:$0x1CC00] =	vst v63  }
0x6d: {  	_ =	swait.ge [sflag:s19], $0x4000  }
0x6e: {  	[sflag:s19] =	ssyncset.done $0x0  }
0x6f: {  	[sflag:s19] =	ssyncadd.s32 $0xFFFFC000  }
0x70: {  	[tilespmem:s21], [sflag:$0x2] =	stream.linear.gather [spmem:s12], $0x3C00, $0x38;
	[tilespmem:$0x1CC00] =	vst v63  }
0x71: {  	s24 =	sadd.s32 $0x1, s24;
	_ =	swait.ge [sflag:s19], $0x3C00  }
0x72: {  	p0 =	sne.s32 s24, s18;
	[sflag:s19] =	ssyncset.done $0x0  }
.Ltmp1:
0x73: {  	[sflag:s19] =	ssyncadd.s32 $0xFFFFC400;
	(pc) =	sbr.rel @p0 .LBB2_1-.Ltmp1, $4  }
0x74: {  	[hbm4b:s17+s3] =	stream.linear.scatter [tilespmem:s21], [sflag:$0x2], $0x3C00, $0x38;
	[tilespmem:$0x1CC00] =	vst v63  }
0x75: {  	_ =	swait.ge [sflag:s19], $0x3C00  }
0x76: {  	[sflag:s19] =	ssyncset.done $0x0  }
0x77: {  	[sflag:s19] =	ssyncadd.s32 $0xFFFFC400  }
0x78: {  	_ =	sfence.sel $0x180000  }
0x79: {  	[bflag:$0x0] =	sbarrier.arrive $0xFFFF  }
0x7a: {  	p0 =	sne.s32 s0, $0x0;
	_ =	strace $0x9000004A  }
0x7b: {  	s0 =	sadd.s32 @!p0 $0x100000, s1;
	[bflag:$0x2] =	sbarrier.arrive $0xFFFF  }
0x7c: {  	[sflag:s0] =	ssyncadd.tile.s32 @!p0 $0x1;
	_ =	shalt  }
.Lfunc_end2:
_tile_overlayer_lowered:
.L_overlay_start_2:
0x7d: {  	(tag) =	ssettag $0x2  }
0x7e: {  	s0 =	rddreg [dreg:$0x0];
	s2 =	stileid.u32  }
0x7f: {  	s1 =	rddreg [dreg:$0x1];
	p0 =	sne.s32 s2, $0x0  }
0x80: {  	s3 =	rddreg [dreg:$0x2];
	[bflag:$0x3] =	sbarrier.arrive $0xFFFF;
	s2 =	simm.s32 @!p0 $0x1C02  }
0x81: {  	[timem:s3], [sflag:s2] =	dma.local @!p0 [hbm:s0], s1  }
0x82: {  	s0 =	simm.s32 @!p0 $0x2  }
0x83: {  	_ =	swait.ge @!p0 [sflag:s0], s1  }
0x84: {  	s1 =	ssub.s32 @!p0 $0x0, s1;
	[sflag:s0] =	ssyncset.done @!p0 $0x0  }
0x85: {  	[sflag:s0] =	ssyncadd.s32 @!p0 s1  }
0x86: {  	[bflag:$0x3] =	sbarrier.arrive $0xFFFF  }
0x87: {  	_ =	shalt  }

// kernel: kernel.14.cloned.1.call-start
scs
__scs_entry_jumppad:
0x0: {  	(pc) =	sbr.rel $0x88, $3  }
0x1: {  	(tag) =	ssettag $0x0;
	lr =	simm.s32 $0x1  }
0x2: {  	[smem:$0x3F9B] =	sst lr;
	_ =	strace $0xD0000000  }
0x3: {  	_ = 	snop  }
0x4: {  	_ = 	snop  }
0x5: {  	_ = 	snop  }
0x6: {  	_ = 	snop  }
0x7: {  	_ = 	snop  }
__scs_overlays_trampoline_lowered:
0x8: {  	[smem:$0x3FAA] =	sst s0  }
0x9: {  	[smem:$0x3FAB] =	sst s1  }
0xa: {  	[smem:$0x3FAC] =	sst s2  }
0xb: {  	[smem:$0x3FAD] =	sst s3  }
0xc: {  	[smem:$0x3FAE] =	sst s4  }
0xd: {  	[smem:$0x3FAF] =	sst s5  }
0xe: {  	[smem:$0x3FB0] =	sst s6  }
0xf: {  	[smem:$0x3FB1] =	sst s7  }
0x10: {  	[smem:$0x3FB2] =	sst s8  }
0x11: {  	[smem:$0x3FB3] =	sst s9;
	s0 =	simm.s32 @!p0 $0x0  }
0x12: {  	s1 =	sld [smem:$0x3F99];
	s0 =	simm.s32 @p0 $0x1  }
0x13: {  	[smem:$0x3FB4] =	sst s0;
	s0 =	simm.s32 @!p1 $0x0  }
0x14: {  	s2 =	sld [smem:$0x3F98];
	s0 =	simm.s32 @p1 $0x1  }
0x15: {  	[smem:$0x3FB5] =	sst s0;
	s0 =	simm.s32 @!p2 $0x0  }
0x16: {  	s3 =	sld [smem:$0x3FDB];
	s0 =	simm.s32 @p2 $0x1  }
0x17: {  	s4 =	simm.s32 $0x1BF5;
	[smem:$0x3FB7] =	sst s0  }
0x18: {  	s0 =	sld [smem:$0x3F9A];
	_ =	swait.ge [sflag:s4], $0x0  }
0x19: {  	s7 =	sld [smem:$0x3F9B]  }
0x1a: {  	s8 =	sadd.s32 $0xFFFFE003, lr  }
0x1b: {  	s9 =	sadd.s32 $0xFFFFFEF7, lr;
	s5 =	simm.s32 $0xFFFFFFFF;
	p2 =	slt.u32 s8, $0xFFFFF086  }
0x1c: {  	p1 =	slt.u32 s9, $0xF7A;
	s5 =	simm.s32 @!p2 $0x0  }
0x1d: {  	s5 =	simm.s32 @p1 $0x1;
	p0 =	seq.s32 s7, s2  }
0x1e: {  	s7 =	smul.u32 @!p0 $0xF7A, s2;
	p2 =	seq.s32 @!p0 s5, $0x0  }
0x1f: {  	s9 =	smul.u32 $0xF7A, s1;
	s8 =	simm.s32 @!p0 $0x1BF5;
	p2 =	por !p2, p0  }
0x20: {  	[sflag:s8] =	ssyncset.s32 @!p0 $0xFFFFF086;
	s6 =	sadd.s32 @!p0 s3, s7;
	s7 =	simm.s32 @!p0 $0x108  }
0x21: {  	s3 =	sadd.s32 s3, s9;
	s6 =	sadd.s32 @!p0 $0x88, s6;
	s7 =	simm.s32 @p2 $0x1082  }
0x22: {  	[simem:s7], [sflag:s8] =	dma.local @!p0 [hbm:s6], $0xF7A  }
0x23: {  	s9 =	sor.u32 $0xD0000000, s2;
	s6 =	simm.s32 $0x108;
	_ =	swait.ge @!p0 [sflag:s8], $0x0  }
0x24: {  	s3 =	sadd.s32 $0x88, s3;
	s6 =	simm.s32 @!p1 $0x1082;
	[sflag:s4] =	ssyncset.s32 $0xFFFFF086  }
0x25: {  	[simem:s6], [sflag:s4] =	dma.local [hbm:s3], $0xF7A  }
0x26: {  	[smem:$0x3F9B] =	sst s1;
	(tag) =	ssettag s2;
	_ =	strace s9  }
0x27: {  	s1 =	sld [smem:$0x3FAB]  }
0x28: {  	s2 =	sld [smem:$0x3FAC]  }
0x29: {  	s4 =	sld [smem:$0x3FAE]  }
0x2a: {  	p0 =	seq.s32 s5, $0x0;
	s5 =	sld [smem:$0x3FAF]  }
0x2b: {  	s6 =	sld [smem:$0x3FB0]  }
0x2c: {  	s7 =	sld [smem:$0x3FB1]  }
0x2d: {  	s3 =	simm.s32 $0x108;
	s8 =	sld [smem:$0x3FB2]  }
0x2e: {  	s3 =	simm.s32 @!p0 $0x1082;
	s9 =	sld [smem:$0x3FB3]  }
0x2f: {  	lr =	sadd.s32 s0, s3;
	s0 =	sld [smem:$0x3FAA]  }
0x30: {  	s3 =	sld [smem:$0x3FAD]  }
0x31: {  	[smem:$0x3FB6] =	sst s10  }
0x32: {  	s10 =	sld [smem:$0x3FB4];
	_ =	sdelay $0x3  }
0x33: {  	p0 =	seq.s32 s10, $0x1;
	s10 =	sld [smem:$0x3FB6];
	_ =	sdelay $0x3  }
0x34: {  	[smem:$0x3FB6] =	sst s10  }
0x35: {  	s10 =	sld [smem:$0x3FB5];
	_ =	sdelay $0x3  }
0x36: {  	p1 =	seq.s32 s10, $0x1;
	s10 =	sld [smem:$0x3FB6];
	_ =	sdelay $0x3  }
0x37: {  	[smem:$0x3FB6] =	sst s10  }
0x38: {  	s10 =	sld [smem:$0x3FB7]  }
0x39: {  	_ = 	snop;
	(pc) =	sbr.ind lr, $3  }
0x3a: {  	_ = 	snop  }
0x3b: {  	_ = 	snop  }
0x3c: {  	p2 =	seq.s32 s10, $0x1;
	s10 =	sld [smem:$0x3FB6]  }
0x3d: {  	_ =	shalt  }
0x3e: {  	_ =	shalt  }
0x3f: {  	_ =	shalt  }
0x40: {  	_ =	shalt  }
0x41: {  	_ =	shalt  }
0x42: {  	_ =	shalt  }
0x43: {  	_ =	shalt  }
0x44: {  	_ =	shalt  }
0x45: {  	_ =	shalt  }
0x46: {  	_ =	shalt  }
0x47: {  	_ =	shalt  }
0x48: {  	_ =	shalt  }
0x49: {  	_ =	shalt  }
0x4a: {  	_ =	shalt  }
0x4b: {  	_ =	shalt  }
0x4c: {  	_ =	shalt  }
0x4d: {  	_ =	shalt  }
0x4e: {  	_ =	shalt  }
0x4f: {  	_ =	shalt  }
0x50: {  	_ =	shalt  }
0x51: {  	_ =	shalt  }
0x52: {  	_ =	shalt  }
0x53: {  	_ =	shalt  }
0x54: {  	_ =	shalt  }
0x55: {  	_ =	shalt  }
0x56: {  	_ =	shalt  }
0x57: {  	_ =	shalt  }
0x58: {  	_ =	shalt  }
0x59: {  	_ =	shalt  }
0x5a: {  	_ =	shalt  }
0x5b: {  	_ =	shalt  }
0x5c: {  	_ =	shalt  }
0x5d: {  	_ =	shalt  }
0x5e: {  	_ =	shalt  }
0x5f: {  	_ =	shalt  }
0x60: {  	_ =	shalt  }
0x61: {  	_ =	shalt  }
0x62: {  	_ =	shalt  }
0x63: {  	_ =	shalt  }
0x64: {  	_ =	shalt  }
0x65: {  	_ =	shalt  }
0x66: {  	_ =	shalt  }
0x67: {  	_ =	shalt  }
0x68: {  	_ =	shalt  }
0x69: {  	_ =	shalt  }
0x6a: {  	_ =	shalt  }
0x6b: {  	_ =	shalt  }
0x6c: {  	_ =	shalt  }
0x6d: {  	_ =	shalt  }
0x6e: {  	_ =	shalt  }
0x6f: {  	_ =	shalt  }
0x70: {  	_ =	shalt  }
0x71: {  	_ =	shalt  }
0x72: {  	_ =	shalt  }
0x73: {  	_ =	shalt  }
0x74: {  	_ =	shalt  }
0x75: {  	_ =	shalt  }
0x76: {  	_ =	shalt  }
0x77: {  	_ =	shalt  }
0x78: {  	_ =	shalt  }
0x79: {  	_ =	shalt  }
0x7a: {  	_ =	shalt  }
0x7b: {  	_ =	shalt  }
0x7c: {  	_ =	shalt  }
0x7d: {  	_ =	shalt  }
0x7e: {  	_ =	shalt  }
0x7f: {  	_ =	shalt  }
0x80: {  	_ =	shalt  }
0x81: {  	_ =	shalt  }
0x82: {  	_ =	shalt  }
0x83: {  	_ =	shalt  }
0x84: {  	_ =	shalt  }
0x85: {  	_ =	shalt  }
0x86: {  	_ =	shalt  }
0x87: {  	_ =	shalt  }
.Lfunc_end0:
.L_simem_size_0:
called_computation.2_lowered:
.L_overlay_start_0:
0x88: {  	s2 =	sld [smem:$0x3FD9]  }
0x89: {  	s3 =	sld [smem:$0x3FFE];
	_ =	sdelay $0x1  }
0x8a: {  	s1 =	srdreg.scid  }
0x8b: {  	s0 =	sand.u32 $0x1, s1  }
0x8c: {  	s17 =	sshll.u32 s0, $0xA;
	s2 =	sadd.s32 s3, s2  }
0x8d: {  	s2 =	sadd.s32 s2, s17  }
0x8e: {  	[smem:$0x3FC2] =	sst s2  }
0x8f: {  	_ = 	snop  }
0x90: {  	s2 =	sld [smem:$0x3FD0];
	(tm) =	ssettm $0x1  }
0x91: {  	s18 =	sld [smem:$0x3FFB];
	_ =	sdelay $0x3  }
0x92: {  	_ =	strace s18  }
0x93: {  	s3 =	sld [smem:$0x3FFC];
	_ =	sdelay $0x3  }
0x94: {  	_ =	strace s3  }
0x95: {  	s3 =	sld [smem:$0x3FFD];
	_ =	sdelay $0x3  }
0x96: {  	_ =	strace s3  }
0x97: {  	_ =	strace $0x8FFFFFFF  }
0x98: {  	s19 =	sld [smem:$0x3FDB];
	_ =	sdelay $0x1  }
0x99: {  	s4 =	simm.s32 $_scs_section_size  }
0x9a: {  	s5 =	simm.s32 $_size__tile_overlayer_lowered;
	s6 =	simm.s32 $_tile_overlayer_lowered  }
0x9b: {  	s22 =	simm.s32 $0x1BFF;
	s21 =	sshll.u32 s6, $0x1;
	s3 =	sadd.s32 s4, s19  }
0x9c: {  	s7 =	simm.s32 $0x0;
	s20 =	sshll.u32 s5, $0x1;
	s5 =	sadd.s32 s21, s3  }
0x9d: {  	[timem:s7], [sflag:s22] =	dma.local [hbm:s5], s20  }
0x9e: {  	_ =	swait.ge [sflag:s22], s20  }
0x9f: {  	s4 =	ssub.s32 $0x0, s20;
	[sflag:s22] =	ssyncset.done $0x0  }
0xa0: {  	[sflag:s22] =	ssyncadd.s32 s4;
	_ =	sdelay $0x1  }
0xa1: {  	s23 =	simm.s32 $0x1B8B  }
0xa2: {  	_ =	swait.ge [sflag:s23], $0x1  }
0xa3: {  	[sflag:s23] =	ssyncset.done $0x0  }
0xa4: {  	s25 =	simm.s32 $0x1B8E;
	s24 =	sld [smem:$0x3FFE];
	[sflag:s23] =	ssyncadd.s32 $0xFFFFFFFF  }
0xa5: {  	s26 =	simm.s32 $execute0_lowered;
	[smem:$0x3FD2] =	sst s25  }
0xa6: {  	s5 =	sshll.u32 s26, $0x1;
	_ =	strace $0x8000004C;
	[dreg:$0x1] =	wrdreg $0xFFFFFFFF  }
0xa7: {  	s28 =	simm.s32 $_size_execute0_lowered;
	s3 =	sadd.s32 s3, s5;
	[dreg:$0x0] =	wrdreg $0x0  }
0xa8: {  	s5 =	sshll.u32 s28, $0x1;
	[dreg:$0x2] =	wrdreg s3  }
0xa9: {  	[dreg:$0x3] =	wrdreg s5  }
0xaa: {  	[dreg:$0x4] =	wrdreg $0xC0  }
0xab: {  	_ =	task [dreg:s7], $0x5FFFF  }
0xac: {  	[dreg:$0x1] =	wrdreg $0xFFFFFFFF  }
0xad: {  	[dreg:$0x0] =	wrdreg $0x60  }
0xae: {  	[dreg:$0x2] =	wrdreg s24  }
0xaf: {  	[dreg:$0x3] =	wrdreg s2  }
0xb0: {  	[dreg:$0x4] =	wrdreg $0x90000  }
0xb1: {  	[dreg:$0x5] =	wrdreg $0x9  }
0xb2: {  	_ =	task.clear_ibuf [dreg:s7], $0x6FFFF;
	_ =	strace $0x9000004C  }
0xb3: {  	s29 =	simm.s32 $0x9;
	_ =	strace $0x8000004E  }
0xb4: {  	_ =	swait.ge [sflag:s29], $0x1  }
0xb5: {  	[sflag:s29] =	ssyncadd.s32 $0xFFFFFFFF  }
0xb6: {  	_ =	strace $0x9000004E  }
0xb7: {  	_ =	sfence  }
0xb8: {  	s30 =	sld [smem:$0x0];
	_ =	sdelay $0x2  }
0xb9: {  	s31 =	sshll.u32 s1, $0xD;
	s1 =	sshrl.u32 s1, $0x2  }
0xba: {  	s3 =	sand.u32 $0x4000, s31;
	s1 =	sadd.s32 s1, s30  }
0xbb: {  	s0 =	sor.u32 s3, s0;
	s1 =	sshll.u32 s1, $0x11  }
0xbc: {  	s0 =	sor.u32 s1, s0  }
0xbd: {  	s0 =	sadd.s32 $0x8F2B, s0  }
0xbe: {  	[sflag:s0] =	ssyncadd.remote.s32 $0x1  }
0xbf: {  	_ =	sfence.sel $0xFFFF  }
0xc0: {  	[dreg:$0x0] =	wrdreg $0xFFFFFFFF;
	(pc) =	sbr.abs _section_cstart, $3  }
0xc1: {  	[dreg:$0x1] =	wrdreg $0xFFFFFFFF  }
0xc2: {  	_ =	task.clear_ibuf [dreg:s7], $0x2FFFF;
	_ =	strace $0x9FFFFFFF  }
0xc3: {  	(tm) =	ssettm $0x7FFFFFFF  }
tec
execute0_lowered:
.L_overlay_start_1:
0x0: {  	(tag) =	ssettag $0x1  }
0x1: {  	s6 =	rddreg [dreg:$0x0]  }
0x2: {  	s1 =	srdreg.scid;
	s7 =	rddreg [dreg:$0x1]  }
0x3: {  	s0 =	stileid.u32;
	s2 =	rddreg [dreg:$0x2];
	s3 =	simm.s32 $0x0  }
0x4: {  	s21 =	simm.s32 $0x5000;
	s22 =	simm.s32 $0x80;
	s23 =	simm.s32 $0x1  }
0x5: {  	s24 =	simm.s32 $0x0;
	s9 =	sand.u32 $0x1, s1;
	s1 =	rddreg [dreg:$0x3]  }
0x6: {  	s28 =	sshll.u32 s0, $0x1;
	[smem:$0x7FF] =	sst s3;
	s12 =	smul.u32 $0x4F000, s0  }
0x7: {  	s5 =	sadd.s32 $0x2200, s6;
	s17 =	sadd.s32 $0x83400, s6;
	s13 =	smul.u32 $0x13C00, s0  }
0x8: {  	s4 =	sor.u32 s9, s28;
	_ =	strace $0x8000004D;
	s19 =	smul.u32 $0x13C000, s9  }
0x9: {  	s11 =	ssub.s32 $0x2, s9;
	s8 =	smul.u32 $0x500, s4;
	s4 =	sadd.s32 $0x5C200, s6  }
0xa: {  	s29 =	sshrl.u32 s11, $0x1;
	s30 =	sshrl.u32 s12, $0x2;
	s31 =	sadd.s32 $0x4000, s13  }
0xb: {  	s15 =	sadd.s32 $0x8000, s13;
	s16 =	sadd.s32 $0xC000, s13;
	s20 =	sadd.s32 $0x10000, s13  }
0xc: {  	s18 =	ssub.s32 s11, s29;
	s9 =	sadd.s32 s31, s2;
	s11 =	sadd.s32 s16, s2  }
0xd: {  	s13 =	sadd.s32 s13, s19;
	s14 =	sadd.s32 s19, s31;
	s12 =	sadd.s32 s20, s2  }
0xe: {  	s16 =	sadd.s32 s19, s16;
	s10 =	sadd.s32 s8, s6;
	s7 =	sadd.s32 s7, s8  }
0xf: {  	s8 =	sadd.s32 s30, s2;
	s13 =	sshrl.u32 s13, $0x3;
	s14 =	sshrl.u32 s14, $0x3  }
0x10: {  	s16 =	sshrl.u32 s16, $0x3;
	s18 =	smax.u32 s18, $0x1;
	s6 =	sadd.s32 $0x52200, s10  }
0x11: {  	s10 =	sadd.s32 s15, s2;
	s13 =	sadd.s32 s17, s13;
	s14 =	sadd.s32 s17, s14  }
0x12: {  	s15 =	sadd.s32 s19, s15;
	s19 =	sadd.s32 s19, s20;
	s16 =	sadd.s32 s17, s16  }
0x13: {  	s20 =	simm.s32 $0x2800;
	s15 =	sshrl.u32 s15, $0x3;
	s19 =	sshrl.u32 s19, $0x3  }
0x14: {  	s15 =	sadd.s32 s17, s15;
	s17 =	sadd.s32 s17, s19;
	s19 =	simm.s32 $0x2  }
.LBB2_1:
0x15: {  	[tilespmem:s3], [sflag:$0x2] =	stream.linear.gather [hbm4b:s6+s3], $0x2780, $0x38;
	[tilespmem:$0x1CC00] =	vst v63  }
0x16: {  	_ =	swait.ge [sflag:s19], $0x2780  }
0x17: {  	[sflag:s19] =	ssyncset.done $0x0  }
0x18: {  	[sflag:s19] =	ssyncadd.s32 $0xFFFFD880  }
0x19: {  	[tilespmem:s20], [sflag:$0x2] =	stream.linear.gather [hbm4b:s7+s3], $0x2780, $0x38;
	[tilespmem:$0x1CC00] =	vst v63  }
0x1a: {  	_ =	swait.ge [sflag:s19], $0x2780  }
0x1b: {  	[sflag:s19] =	ssyncset.done $0x0  }
0x1c: {  	[sflag:s19] =	ssyncadd.s32 $0xFFFFD880  }
0x1d: {  	[tilespmem:s21], [sflag:$0x2] =	stream.linear.gather [hbm4b:s5+s3], $0x4000, $0x38;
	[tilespmem:$0x1CC00] =	vst v63  }
0x1e: {  	_ =	swait.ge [sflag:s19], $0x4000  }
0x1f: {  	[sflag:s19] =	ssyncset.done $0x0  }
0x20: {  	[sflag:s19] =	ssyncadd.s32 $0xFFFFC000  }
0x21: {  	[spmem:s8] =	stream.linear.scatter [tilespmem:s21], [sflag:$0x2], $0x4000, $0x38;
	[tilespmem:$0x1CC00] =	vst v63  }
0x22: {  	_ =	swait.ge [sflag:s19], $0x4000  }
0x23: {  	[sflag:s19] =	ssyncset.done $0x0  }
0x24: {  	[sflag:s19] =	ssyncadd.s32 $0xFFFFC000  }
0x25: {  	[spmem:s9] =	stream.linear.scatter [tilespmem:s21], [sflag:$0x2], $0x4000, $0x38;
	[tilespmem:$0x1CC00] =	vst v63  }
0x26: {  	_ =	swait.ge [sflag:s19], $0x4000  }
0x27: {  	[sflag:s19] =	ssyncset.done $0x0  }
0x28: {  	[sflag:s19] =	ssyncadd.s32 $0xFFFFC000  }
0x29: {  	[spmem:s10] =	stream.linear.scatter [tilespmem:s21], [sflag:$0x2], $0x4000, $0x38;
	[tilespmem:$0x1CC00] =	vst v63  }
0x2a: {  	_ =	swait.ge [sflag:s19], $0x4000  }
0x2b: {  	[sflag:s19] =	ssyncset.done $0x0  }
0x2c: {  	[sflag:s19] =	ssyncadd.s32 $0xFFFFC000  }
0x2d: {  	[spmem:s11] =	stream.linear.scatter [tilespmem:s21], [sflag:$0x2], $0x4000, $0x38;
	[tilespmem:$0x1CC00] =	vst v63  }
0x2e: {  	_ =	swait.ge [sflag:s19], $0x4000  }
0x2f: {  	[sflag:s19] =	ssyncset.done $0x0  }
0x30: {  	[sflag:s19] =	ssyncadd.s32 $0xFFFFC000  }
0x31: {  	[spmem:s12] =	stream.linear.scatter [tilespmem:s21], [sflag:$0x2], $0x3C00, $0x38;
	[tilespmem:$0x1CC00] =	vst v63  }
0x32: {  	_ =	swait.ge [sflag:s19], $0x3C00  }
0x33: {  	[sflag:s19] =	ssyncset.done $0x0  }
0x34: {  	[sflag:s19] =	ssyncadd.s32 $0xFFFFC400  }
0x35: {  	s25 =	simm.s32 $0x0;
	[bflag:$0x0] =	sbarrier.arrive $0xFFFF  }
0x36: {  	[tilespmem:s21], [sflag:$0x1] =	stream.indirect.gather [hbm4b:s4+s22], $0x80, s25, s22, $0xb8;
	[tilespmem:$0x1CC00] =	vst v63  }
0x37: {  	_ =	swait.ge [sflag:s23], $0x4000  }
0x38: {  	[sflag:s23] =	ssyncset.done $0x0  }
0x39: {  	s31 =	simm.s32 $0x2800;
	[sflag:s23] =	ssyncadd.s32 $0xFFFFC000  }
0x3a: {  	[spmem:s2] =	stream.indirect.scatter.add.f32 [tilespmem:s21], [sflag:$0x2], $0x80, s31, s22, $0xb8;
	[tilespmem:$0x1CC00] =	vst v63  }
0x3b: {  	_ =	swait.ge [sflag:s19], $0x4000  }
0x3c: {  	s26 =	simm.s32 $0x400;
	s25 =	simm.s32 $0x200;
	[sflag:s19] =	ssyncset.done $0x0  }
.LBB2_2:
0x3d: {  	s28 =	sshra.s32 s25, $0x2  }
0x3e: {  	[sflag:s19] =	ssyncadd.s32 $0xFFFFC000;
	s25 =	smov.u32 s26;
	s29 =	sadd.s32 $0x200, s26  }
0x3f: {  	[tilespmem:s21], [sflag:$0x1] =	stream.indirect.gather [hbm4b:s4+s22], $0x80, s28, s22, $0xb8;
	[tilespmem:$0x1CC00] =	vst v63  }
0x40: {  	p0 =	sne.s32 s26, $0x9C00;
	_ =	swait.ge [sflag:s23], $0x4000  }
.Ltmp0:
0x41: {  	[sflag:s23] =	ssyncset.done $0x0;
	(pc) =	sbr.rel @p0 .LBB2_2-.Ltmp0, $4  }
0x42: {  	s26 =	sadd.s32 $0x2800, s28;
	[sflag:s23] =	ssyncadd.s32 $0xFFFFC000  }
0x43: {  	[spmem:s2] =	stream.indirect.scatter.add.f32 [tilespmem:s21], [sflag:$0x2], $0x80, s26, s22, $0xb8;
	[tilespmem:$0x1CC00] =	vst v63  }
0x44: {  	_ =	swait.ge [sflag:s19], $0x4000  }
0x45: {  	s26 =	smov.u32 s29;
	[sflag:s19] =	ssyncset.done $0x0  }
0x46: {  	s25 =	sshra.s32 s25, $0x2;
	[sflag:s19] =	ssyncadd.s32 $0xFFFFC000  }
0x47: {  	[tilespmem:s21], [sflag:$0x1] =	stream.indirect.gather [hbm4b:s4+s22], $0x80, s25, s22, $0xb8;
	[tilespmem:$0x1CC00] =	vst v63  }
0x48: {  	_ =	swait.ge [sflag:s23], $0x4000  }
0x49: {  	[sflag:s23] =	ssyncset.done $0x0  }
0x4a: {  	s25 =	sadd.s32 $0x2800, s25;
	[sflag:s23] =	ssyncadd.s32 $0xFFFFC000  }
0x4b: {  	[spmem:s2] =	stream.indirect.scatter.add.f32 [tilespmem:s21], [sflag:$0x2], $0x80, s25, s22, $0xb8;
	[tilespmem:$0x1CC00] =	vst v63  }
0x4c: {  	_ =	swait.ge [sflag:s19], $0x4000  }
0x4d: {  	[sflag:s19] =	ssyncset.done $0x0  }
0x4e: {  	[sflag:s19] =	ssyncadd.s32 $0xFFFFC000  }
0x4f: {  	[bflag:$0x0] =	sbarrier.arrive $0xFFFF  }
0x50: {  	[tilespmem:s21], [sflag:$0x2] =	stream.linear.gather [spmem:s8], $0x4000, $0x38;
	[tilespmem:$0x1CC00] =	vst v63  }
0x51: {  	_ =	swait.ge [sflag:s19], $0x4000  }
0x52: {  	[sflag:s19] =	ssyncset.done $0x0  }
0x53: {  	[sflag:s19] =	ssyncadd.s32 $0xFFFFC000  }
0x54: {  	[hbm4b:s13+s3] =	stream.linear.scatter [tilespmem:s21], [sflag:$0x2], $0x4000, $0x38;
	[tilespmem:$0x1CC00] =	vst v63  }
0x55: {  	_ =	swait.ge [sflag:s19], $0x4000  }
0x56: {  	[sflag:s19] =	ssyncset.done $0x0  }
0x57: {  	[sflag:s19] =	ssyncadd.s32 $0xFFFFC000  }
0x58: {  	[tilespmem:s21], [sflag:$0x2] =	stream.linear.gather [spmem:s9], $0x4000, $0x38;
	[tilespmem:$0x1CC00] =	vst v63  }
0x59: {  	_ =	swait.ge [sflag:s19], $0x4000  }
0x5a: {  	[sflag:s19] =	ssyncset.done $0x0  }
0x5b: {  	[sflag:s19] =	ssyncadd.s32 $0xFFFFC000  }
0x5c: {  	[hbm4b:s14+s3] =	stream.linear.scatter [tilespmem:s21], [sflag:$0x2], $0x4000, $0x38;
	[tilespmem:$0x1CC00] =	vst v63  }
0x5d: {  	_ =	swait.ge [sflag:s19], $0x4000  }
0x5e: {  	[sflag:s19] =	ssyncset.done $0x0  }
0x5f: {  	[sflag:s19] =	ssyncadd.s32 $0xFFFFC000  }
0x60: {  	[tilespmem:s21], [sflag:$0x2] =	stream.linear.gather [spmem:s10], $0x4000, $0x38;
	[tilespmem:$0x1CC00] =	vst v63  }
0x61: {  	_ =	swait.ge [sflag:s19], $0x4000  }
0x62: {  	[sflag:s19] =	ssyncset.done $0x0  }
0x63: {  	[sflag:s19] =	ssyncadd.s32 $0xFFFFC000  }
0x64: {  	[hbm4b:s15+s3] =	stream.linear.scatter [tilespmem:s21], [sflag:$0x2], $0x4000, $0x38;
	[tilespmem:$0x1CC00] =	vst v63  }
0x65: {  	_ =	swait.ge [sflag:s19], $0x4000  }
0x66: {  	[sflag:s19] =	ssyncset.done $0x0  }
0x67: {  	[sflag:s19] =	ssyncadd.s32 $0xFFFFC000  }
0x68: {  	[tilespmem:s21], [sflag:$0x2] =	stream.linear.gather [spmem:s11], $0x4000, $0x38;
	[tilespmem:$0x1CC00] =	vst v63  }
0x69: {  	_ =	swait.ge [sflag:s19], $0x4000  }
0x6a: {  	[sflag:s19] =	ssyncset.done $0x0  }
0x6b: {  	[sflag:s19] =	ssyncadd.s32 $0xFFFFC000  }
0x6c: {  	[hbm4b:s16+s3] =	stream.linear.scatter [tilespmem:s21], [sflag:$0x2], $0x4000, $0x38;
	[tilespmem:$0x1CC00] =	vst v63  }
0x6d: {  	_ =	swait.ge [sflag:s19], $0x4000  }
0x6e: {  	[sflag:s19] =	ssyncset.done $0x0  }
0x6f: {  	[sflag:s19] =	ssyncadd.s32 $0xFFFFC000  }
0x70: {  	[tilespmem:s21], [sflag:$0x2] =	stream.linear.gather [spmem:s12], $0x3C00, $0x38;
	[tilespmem:$0x1CC00] =	vst v63  }
0x71: {  	s24 =	sadd.s32 $0x1, s24;
	_ =	swait.ge [sflag:s19], $0x3C00  }
0x72: {  	p0 =	sne.s32 s24, s18;
	[sflag:s19] =	ssyncset.done $0x0  }
.Ltmp1:
0x73: {  	[sflag:s19] =	ssyncadd.s32 $0xFFFFC400;
	(pc) =	sbr.rel @p0 .LBB2_1-.Ltmp1, $4  }
0x74: {  	[hbm4b:s17+s3] =	stream.linear.scatter [tilespmem:s21], [sflag:$0x2], $0x3C00, $0x38;
	[tilespmem:$0x1CC00] =	vst v63  }
0x75: {  	_ =	swait.ge [sflag:s19], $0x3C00  }
0x76: {  	[sflag:s19] =	ssyncset.done $0x0  }
0x77: {  	[sflag:s19] =	ssyncadd.s32 $0xFFFFC400  }
0x78: {  	_ =	sfence.sel $0x180000  }
0x79: {  	[bflag:$0x0] =	sbarrier.arrive $0xFFFF  }
0x7a: {  	p0 =	sne.s32 s0, $0x0;
	_ =	strace $0x9000004D  }
0x7b: {  	s0 =	sadd.s32 @!p0 $0x100000, s1;
	[bflag:$0x2] =	sbarrier.arrive $0xFFFF  }
0x7c: {  	[sflag:s0] =	ssyncadd.tile.s32 @!p0 $0x1;
	_ =	shalt  }
.Lfunc_end2:
_tile_overlayer_lowered:
.L_overlay_start_2:
0x7d: {  	(tag) =	ssettag $0x2  }
0x7e: {  	s0 =	rddreg [dreg:$0x0];
	s2 =	stileid.u32  }
0x7f: {  	s1 =	rddreg [dreg:$0x1];
	p0 =	sne.s32 s2, $0x0  }
0x80: {  	s3 =	rddreg [dreg:$0x2];
	[bflag:$0x3] =	sbarrier.arrive $0xFFFF;
	s2 =	simm.s32 @!p0 $0x1C02  }
0x81: {  	[timem:s3], [sflag:s2] =	dma.local @!p0 [hbm:s0], s1  }
0x82: {  	s0 =	simm.s32 @!p0 $0x2  }
0x83: {  	_ =	swait.ge @!p0 [sflag:s0], s1  }
0x84: {  	s1 =	ssub.s32 @!p0 $0x0, s1;
	[sflag:s0] =	ssyncset.done @!p0 $0x0  }
0x85: {  	[sflag:s0] =	ssyncadd.s32 @!p0 s1  }
0x86: {  	[bflag:$0x3] =	sbarrier.arrive $0xFFFF  }
0x87: {  	_ =	shalt  }

// kernel: kernel.8.cloned.1.call-start
scs
__scs_entry_jumppad:
0x0: {  	(pc) =	sbr.rel $0x88, $3  }
0x1: {  	(tag) =	ssettag $0x0;
	lr =	simm.s32 $0x1  }
0x2: {  	[smem:$0x3F9B] =	sst lr;
	_ =	strace $0xD0000000  }
0x3: {  	_ = 	snop  }
0x4: {  	_ = 	snop  }
0x5: {  	_ = 	snop  }
0x6: {  	_ = 	snop  }
0x7: {  	_ = 	snop  }
__scs_overlays_trampoline_lowered:
0x8: {  	[smem:$0x3FAA] =	sst s0  }
0x9: {  	[smem:$0x3FAB] =	sst s1  }
0xa: {  	[smem:$0x3FAC] =	sst s2  }
0xb: {  	[smem:$0x3FAD] =	sst s3  }
0xc: {  	[smem:$0x3FAE] =	sst s4  }
0xd: {  	[smem:$0x3FAF] =	sst s5  }
0xe: {  	[smem:$0x3FB0] =	sst s6  }
0xf: {  	[smem:$0x3FB1] =	sst s7  }
0x10: {  	[smem:$0x3FB2] =	sst s8  }
0x11: {  	[smem:$0x3FB3] =	sst s9;
	s0 =	simm.s32 @!p0 $0x0  }
0x12: {  	s1 =	sld [smem:$0x3F99];
	s0 =	simm.s32 @p0 $0x1  }
0x13: {  	[smem:$0x3FB4] =	sst s0;
	s0 =	simm.s32 @!p1 $0x0  }
0x14: {  	s2 =	sld [smem:$0x3F98];
	s0 =	simm.s32 @p1 $0x1  }
0x15: {  	[smem:$0x3FB5] =	sst s0;
	s0 =	simm.s32 @!p2 $0x0  }
0x16: {  	s3 =	sld [smem:$0x3FDB];
	s0 =	simm.s32 @p2 $0x1  }
0x17: {  	s4 =	simm.s32 $0x1BF5;
	[smem:$0x3FB7] =	sst s0  }
0x18: {  	s0 =	sld [smem:$0x3F9A];
	_ =	swait.ge [sflag:s4], $0x0  }
0x19: {  	s7 =	sld [smem:$0x3F9B]  }
0x1a: {  	s8 =	sadd.s32 $0xFFFFE003, lr  }
0x1b: {  	s9 =	sadd.s32 $0xFFFFFEF7, lr;
	s5 =	simm.s32 $0xFFFFFFFF;
	p2 =	slt.u32 s8, $0xFFFFF086  }
0x1c: {  	p1 =	slt.u32 s9, $0xF7A;
	s5 =	simm.s32 @!p2 $0x0  }
0x1d: {  	s5 =	simm.s32 @p1 $0x1;
	p0 =	seq.s32 s7, s2  }
0x1e: {  	s7 =	smul.u32 @!p0 $0xF7A, s2;
	p2 =	seq.s32 @!p0 s5, $0x0  }
0x1f: {  	s9 =	smul.u32 $0xF7A, s1;
	s8 =	simm.s32 @!p0 $0x1BF5;
	p2 =	por !p2, p0  }
0x20: {  	[sflag:s8] =	ssyncset.s32 @!p0 $0xFFFFF086;
	s6 =	sadd.s32 @!p0 s3, s7;
	s7 =	simm.s32 @!p0 $0x108  }
0x21: {  	s3 =	sadd.s32 s3, s9;
	s6 =	sadd.s32 @!p0 $0x88, s6;
	s7 =	simm.s32 @p2 $0x1082  }
0x22: {  	[simem:s7], [sflag:s8] =	dma.local @!p0 [hbm:s6], $0xF7A  }
0x23: {  	s9 =	sor.u32 $0xD0000000, s2;
	s6 =	simm.s32 $0x108;
	_ =	swait.ge @!p0 [sflag:s8], $0x0  }
0x24: {  	s3 =	sadd.s32 $0x88, s3;
	s6 =	simm.s32 @!p1 $0x1082;
	[sflag:s4] =	ssyncset.s32 $0xFFFFF086  }
0x25: {  	[simem:s6], [sflag:s4] =	dma.local [hbm:s3], $0xF7A  }
0x26: {  	[smem:$0x3F9B] =	sst s1;
	(tag) =	ssettag s2;
	_ =	strace s9  }
0x27: {  	s1 =	sld [smem:$0x3FAB]  }
0x28: {  	s2 =	sld [smem:$0x3FAC]  }
0x29: {  	s4 =	sld [smem:$0x3FAE]  }
0x2a: {  	p0 =	seq.s32 s5, $0x0;
	s5 =	sld [smem:$0x3FAF]  }
0x2b: {  	s6 =	sld [smem:$0x3FB0]  }
0x2c: {  	s7 =	sld [smem:$0x3FB1]  }
0x2d: {  	s3 =	simm.s32 $0x108;
	s8 =	sld [smem:$0x3FB2]  }
0x2e: {  	s3 =	simm.s32 @!p0 $0x1082;
	s9 =	sld [smem:$0x3FB3]  }
0x2f: {  	lr =	sadd.s32 s0, s3;
	s0 =	sld [smem:$0x3FAA]  }
0x30: {  	s3 =	sld [smem:$0x3FAD]  }
0x31: {  	[smem:$0x3FB6] =	sst s10  }
0x32: {  	s10 =	sld [smem:$0x3FB4];
	_ =	sdelay $0x3  }
0x33: {  	p0 =	seq.s32 s10, $0x1;
	s10 =	sld [smem:$0x3FB6];
	_ =	sdelay $0x3  }
0x34: {  	[smem:$0x3FB6] =	sst s10  }
0x35: {  	s10 =	sld [smem:$0x3FB5];
	_ =	sdelay $0x3  }
0x36: {  	p1 =	seq.s32 s10, $0x1;
	s10 =	sld [smem:$0x3FB6];
	_ =	sdelay $0x3  }
0x37: {  	[smem:$0x3FB6] =	sst s10  }
0x38: {  	s10 =	sld [smem:$0x3FB7]  }
0x39: {  	_ = 	snop;
	(pc) =	sbr.ind lr, $3  }
0x3a: {  	_ = 	snop  }
0x3b: {  	_ = 	snop  }
0x3c: {  	p2 =	seq.s32 s10, $0x1;
	s10 =	sld [smem:$0x3FB6]  }
0x3d: {  	_ =	shalt  }
0x3e: {  	_ =	shalt  }
0x3f: {  	_ =	shalt  }
0x40: {  	_ =	shalt  }
0x41: {  	_ =	shalt  }
0x42: {  	_ =	shalt  }
0x43: {  	_ =	shalt  }
0x44: {  	_ =	shalt  }
0x45: {  	_ =	shalt  }
0x46: {  	_ =	shalt  }
0x47: {  	_ =	shalt  }
0x48: {  	_ =	shalt  }
0x49: {  	_ =	shalt  }
0x4a: {  	_ =	shalt  }
0x4b: {  	_ =	shalt  }
0x4c: {  	_ =	shalt  }
0x4d: {  	_ =	shalt  }
0x4e: {  	_ =	shalt  }
0x4f: {  	_ =	shalt  }
0x50: {  	_ =	shalt  }
0x51: {  	_ =	shalt  }
0x52: {  	_ =	shalt  }
0x53: {  	_ =	shalt  }
0x54: {  	_ =	shalt  }
0x55: {  	_ =	shalt  }
0x56: {  	_ =	shalt  }
0x57: {  	_ =	shalt  }
0x58: {  	_ =	shalt  }
0x59: {  	_ =	shalt  }
0x5a: {  	_ =	shalt  }
0x5b: {  	_ =	shalt  }
0x5c: {  	_ =	shalt  }
0x5d: {  	_ =	shalt  }
0x5e: {  	_ =	shalt  }
0x5f: {  	_ =	shalt  }
0x60: {  	_ =	shalt  }
0x61: {  	_ =	shalt  }
0x62: {  	_ =	shalt  }
0x63: {  	_ =	shalt  }
0x64: {  	_ =	shalt  }
0x65: {  	_ =	shalt  }
0x66: {  	_ =	shalt  }
0x67: {  	_ =	shalt  }
0x68: {  	_ =	shalt  }
0x69: {  	_ =	shalt  }
0x6a: {  	_ =	shalt  }
0x6b: {  	_ =	shalt  }
0x6c: {  	_ =	shalt  }
0x6d: {  	_ =	shalt  }
0x6e: {  	_ =	shalt  }
0x6f: {  	_ =	shalt  }
0x70: {  	_ =	shalt  }
0x71: {  	_ =	shalt  }
0x72: {  	_ =	shalt  }
0x73: {  	_ =	shalt  }
0x74: {  	_ =	shalt  }
0x75: {  	_ =	shalt  }
0x76: {  	_ =	shalt  }
0x77: {  	_ =	shalt  }
0x78: {  	_ =	shalt  }
0x79: {  	_ =	shalt  }
0x7a: {  	_ =	shalt  }
0x7b: {  	_ =	shalt  }
0x7c: {  	_ =	shalt  }
0x7d: {  	_ =	shalt  }
0x7e: {  	_ =	shalt  }
0x7f: {  	_ =	shalt  }
0x80: {  	_ =	shalt  }
0x81: {  	_ =	shalt  }
0x82: {  	_ =	shalt  }
0x83: {  	_ =	shalt  }
0x84: {  	_ =	shalt  }
0x85: {  	_ =	shalt  }
0x86: {  	_ =	shalt  }
0x87: {  	_ =	shalt  }
.Lfunc_end0:
.L_simem_size_0:
called_computation_lowered:
.L_overlay_start_0:
0x88: {  	s2 =	sld [smem:$0x3FD9]  }
0x89: {  	s3 =	sld [smem:$0x3FFE];
	_ =	sdelay $0x1  }
0x8a: {  	s1 =	srdreg.scid  }
0x8b: {  	s0 =	sand.u32 $0x1, s1  }
0x8c: {  	s17 =	sshll.u32 s0, $0xA;
	s2 =	sadd.s32 s3, s2  }
0x8d: {  	s2 =	sadd.s32 s2, s17  }
0x8e: {  	[smem:$0x3FC2] =	sst s2  }
0x8f: {  	_ = 	snop  }
0x90: {  	s2 =	sld [smem:$0x3FD0];
	(tm) =	ssettm $0x1  }
0x91: {  	s18 =	sld [smem:$0x3FFB];
	_ =	sdelay $0x3  }
0x92: {  	_ =	strace s18  }
0x93: {  	s3 =	sld [smem:$0x3FFC];
	_ =	sdelay $0x3  }
0x94: {  	_ =	strace s3  }
0x95: {  	s3 =	sld [smem:$0x3FFD];
	_ =	sdelay $0x3  }
0x96: {  	_ =	strace s3  }
0x97: {  	_ =	strace $0x8FFFFFFF  }
0x98: {  	s19 =	sld [smem:$0x3FDB];
	_ =	sdelay $0x1  }
0x99: {  	s4 =	simm.s32 $_scs_section_size  }
0x9a: {  	s5 =	simm.s32 $_size__tile_overlayer_lowered;
	s6 =	simm.s32 $_tile_overlayer_lowered  }
0x9b: {  	s22 =	simm.s32 $0x1BFF;
	s21 =	sshll.u32 s6, $0x1;
	s3 =	sadd.s32 s4, s19  }
0x9c: {  	s7 =	simm.s32 $0x0;
	s20 =	sshll.u32 s5, $0x1;
	s5 =	sadd.s32 s21, s3  }
0x9d: {  	[timem:s7], [sflag:s22] =	dma.local [hbm:s5], s20  }
0x9e: {  	_ =	swait.ge [sflag:s22], s20  }
0x9f: {  	s4 =	ssub.s32 $0x0, s20;
	[sflag:s22] =	ssyncset.done $0x0  }
0xa0: {  	[sflag:s22] =	ssyncadd.s32 s4;
	_ =	sdelay $0x1  }
0xa1: {  	s23 =	simm.s32 $0x1B8B  }
0xa2: {  	_ =	swait.ge [sflag:s23], $0x1  }
0xa3: {  	[sflag:s23] =	ssyncset.done $0x0  }
0xa4: {  	s25 =	simm.s32 $0x1B8E;
	s24 =	sld [smem:$0x3FFE];
	[sflag:s23] =	ssyncadd.s32 $0xFFFFFFFF  }
0xa5: {  	s26 =	simm.s32 $execute0_lowered;
	[smem:$0x3FD2] =	sst s25  }
0xa6: {  	s5 =	sshll.u32 s26, $0x1;
	_ =	strace $0x80000046;
	[dreg:$0x1] =	wrdreg $0xFFFFFFFF  }
0xa7: {  	s28 =	simm.s32 $_size_execute0_lowered;
	s3 =	sadd.s32 s3, s5;
	[dreg:$0x0] =	wrdreg $0x0  }
0xa8: {  	s5 =	sshll.u32 s28, $0x1;
	[dreg:$0x2] =	wrdreg s3  }
0xa9: {  	[dreg:$0x3] =	wrdreg s5  }
0xaa: {  	[dreg:$0x4] =	wrdreg $0xC0  }
0xab: {  	_ =	task [dreg:s7], $0x5FFFF  }
0xac: {  	[dreg:$0x1] =	wrdreg $0xFFFFFFFF  }
0xad: {  	[dreg:$0x0] =	wrdreg $0x60  }
0xae: {  	[dreg:$0x2] =	wrdreg s2  }
0xaf: {  	[dreg:$0x3] =	wrdreg s24  }
0xb0: {  	[dreg:$0x4] =	wrdreg $0x68000  }
0xb1: {  	[dreg:$0x5] =	wrdreg $0x9  }
0xb2: {  	_ =	task.clear_ibuf [dreg:s7], $0x6FFFF;
	_ =	strace $0x90000046  }
0xb3: {  	s29 =	simm.s32 $0x9;
	_ =	strace $0x80000048  }
0xb4: {  	_ =	swait.ge [sflag:s29], $0x1  }
0xb5: {  	[sflag:s29] =	ssyncadd.s32 $0xFFFFFFFF  }
0xb6: {  	_ =	strace $0x90000048  }
0xb7: {  	_ =	sfence  }
0xb8: {  	s30 =	sld [smem:$0x0];
	_ =	sdelay $0x2  }
0xb9: {  	s31 =	sshll.u32 s1, $0xD;
	s1 =	sshrl.u32 s1, $0x2  }
0xba: {  	s3 =	sand.u32 $0x4000, s31;
	s1 =	sadd.s32 s1, s30  }
0xbb: {  	s0 =	sor.u32 s3, s0;
	s1 =	sshll.u32 s1, $0x11  }
0xbc: {  	s0 =	sor.u32 s1, s0  }
0xbd: {  	s0 =	sadd.s32 $0x8F2B, s0  }
0xbe: {  	[sflag:s0] =	ssyncadd.remote.s32 $0x1  }
0xbf: {  	_ =	sfence.sel $0xFFFF  }
0xc0: {  	[dreg:$0x0] =	wrdreg $0xFFFFFFFF;
	(pc) =	sbr.abs _section_cstart, $3  }
0xc1: {  	[dreg:$0x1] =	wrdreg $0xFFFFFFFF  }
0xc2: {  	_ =	task.clear_ibuf [dreg:s7], $0x2FFFF;
	_ =	strace $0x9FFFFFFF  }
0xc3: {  	(tm) =	ssettm $0x7FFFFFFF  }
tec
execute0_lowered:
.L_overlay_start_1:
0x0: {  	(tag) =	ssettag $0x1  }
0x1: {  	s6 =	rddreg [dreg:$0x0]  }
0x2: {  	s7 =	rddreg [dreg:$0x1]  }
0x3: {  	s1 =	rddreg [dreg:$0x2]  }
0x4: {  	s2 =	srdreg.scid;
	s0 =	rddreg [dreg:$0x3]  }
0x5: {  	s3 =	simm.s32 $0x0;
	s20 =	simm.s32 $0x80;
	s21 =	simm.s32 $0x0  }
0x6: {  	s8 =	sand.u32 $0x1, s2;
	s2 =	stileid.u32;
	[smem:$0x7FF] =	sst s3  }
0x7: {  	s16 =	sadd.s32 $0x3200, s7;
	s4 =	sshll.u32 s8, $0x4;
	s11 =	smul.u32 $0x4F000, s2  }
0x8: {  	_ =	strace $0x80000047;
	s10 =	ssub.s32 $0x2, s8;
	s12 =	smul.u32 $0x13C00, s2  }
0x9: {  	s14 =	smul.u32 $0x13C000, s8;
	s5 =	sor.u32 s2, s4;
	s4 =	sadd.s32 $0x2200, s7  }
0xa: {  	s25 =	sshrl.u32 s10, $0x1;
	s9 =	smul.u32 $0x500, s5;
	s5 =	sadd.s32 $0x2A00, s7  }
0xb: {  	s17 =	ssub.s32 s10, s25;
	s26 =	sshrl.u32 s11, $0x2;
	s28 =	sadd.s32 $0x4000, s12  }
0xc: {  	s15 =	sadd.s32 $0x8000, s12;
	s18 =	sadd.s32 $0xC000, s12;
	s13 =	sadd.s32 s12, s14  }
0xd: {  	s19 =	sadd.s32 $0x10000, s12;
	s7 =	sadd.s32 s26, s1;
	s8 =	sadd.s32 s28, s1  }
0xe: {  	s10 =	sadd.s32 s18, s1;
	s29 =	sshrl.u32 s13, $0x3;
	s30 =	sadd.s32 s14, s28  }
0xf: {  	s11 =	sadd.s32 s19, s1;
	s18 =	sadd.s32 s14, s18;
	s19 =	sadd.s32 s14, s19  }
0x10: {  	s17 =	smax.u32 s17, $0x1;
	s6 =	sadd.s32 s6, s9;
	s9 =	sadd.s32 s15, s1  }
0x11: {  	s12 =	sadd.s32 s16, s29;
	s13 =	sshrl.u32 s30, $0x3;
	s15 =	sadd.s32 s14, s15  }
0x12: {  	s18 =	sshrl.u32 s18, $0x3;
	s31 =	sshrl.u32 s19, $0x3;
	s15 =	sshrl.u32 s15, $0x3  }
0x13: {  	s19 =	simm.s32 $0x2800;
	s13 =	sadd.s32 s16, s13;
	s14 =	sadd.s32 s16, s15  }
0x14: {  	s15 =	sadd.s32 s16, s18;
	s16 =	sadd.s32 s16, s31;
	s18 =	simm.s32 $0x1  }
.LBB2_1:
0x15: {  	[tilespmem:s3], [sflag:$0x1] =	stream.linear.gather [hbm4b:s6+s3], $0x2780, $0x38;
	[tilespmem:$0x1A400] =	vst v63  }
0x16: {  	_ =	swait.ge [sflag:s18], $0x2780  }
0x17: {  	[sflag:s18] =	ssyncset.done $0x0  }
0x18: {  	[sflag:s18] =	ssyncadd.s32 $0xFFFFD880  }
0x19: {  	[tilespmem:s19], [sflag:$0x1] =	stream.linear.gather [hbm4b:s4+s3], $0x4000, $0x38;
	[tilespmem:$0x1A400] =	vst v63  }
0x1a: {  	_ =	swait.ge [sflag:s18], $0x4000  }
0x1b: {  	[sflag:s18] =	ssyncset.done $0x0  }
0x1c: {  	[sflag:s18] =	ssyncadd.s32 $0xFFFFC000  }
0x1d: {  	[spmem:s7] =	stream.linear.scatter [tilespmem:s19], [sflag:$0x1], $0x4000, $0x38;
	[tilespmem:$0x1A400] =	vst v63  }
0x1e: {  	_ =	swait.ge [sflag:s18], $0x4000  }
0x1f: {  	[sflag:s18] =	ssyncset.done $0x0  }
0x20: {  	[sflag:s18] =	ssyncadd.s32 $0xFFFFC000  }
0x21: {  	[spmem:s8] =	stream.linear.scatter [tilespmem:s19], [sflag:$0x1], $0x4000, $0x38;
	[tilespmem:$0x1A400] =	vst v63  }
0x22: {  	_ =	swait.ge [sflag:s18], $0x4000  }
0x23: {  	[sflag:s18] =	ssyncset.done $0x0  }
0x24: {  	[sflag:s18] =	ssyncadd.s32 $0xFFFFC000  }
0x25: {  	[spmem:s9] =	stream.linear.scatter [tilespmem:s19], [sflag:$0x1], $0x4000, $0x38;
	[tilespmem:$0x1A400] =	vst v63  }
0x26: {  	_ =	swait.ge [sflag:s18], $0x4000  }
0x27: {  	[sflag:s18] =	ssyncset.done $0x0  }
0x28: {  	[sflag:s18] =	ssyncadd.s32 $0xFFFFC000  }
0x29: {  	[spmem:s10] =	stream.linear.scatter [tilespmem:s19], [sflag:$0x1], $0x4000, $0x38;
	[tilespmem:$0x1A400] =	vst v63  }
0x2a: {  	_ =	swait.ge [sflag:s18], $0x4000  }
0x2b: {  	[sflag:s18] =	ssyncset.done $0x0  }
0x2c: {  	[sflag:s18] =	ssyncadd.s32 $0xFFFFC000  }
0x2d: {  	[spmem:s11] =	stream.linear.scatter [tilespmem:s19], [sflag:$0x1], $0x3C00, $0x38;
	[tilespmem:$0x1A400] =	vst v63  }
0x2e: {  	_ =	swait.ge [sflag:s18], $0x3C00  }
0x2f: {  	[sflag:s18] =	ssyncset.done $0x0  }
0x30: {  	[sflag:s18] =	ssyncadd.s32 $0xFFFFC400  }
0x31: {  	[tilespmem:s19], [sflag:$0x1] =	stream.linear.gather [hbm4b:s5+s3], $0x4000, $0x38;
	[tilespmem:$0x1A400] =	vst v63  }
0x32: {  	_ =	swait.ge [sflag:s18], $0x4000  }
0x33: {  	[sflag:s18] =	ssyncset.done $0x0  }
0x34: {  	[sflag:s18] =	ssyncadd.s32 $0xFFFFC000  }
0x35: {  	s22 =	simm.s32 $0x0;
	[bflag:$0x0] =	sbarrier.arrive $0xFFFF  }
0x36: {  	[spmem:s1] =	stream.indirect.scatter.add.f32 [tilespmem:s19], [sflag:$0x1], $0x80, s22, s20, $0xb8;
	[tilespmem:$0x1A400] =	vst v63  }
0x37: {  	_ =	swait.ge [sflag:s18], $0x4000  }
0x38: {  	s22 =	simm.s32 $0x200;
	[sflag:s18] =	ssyncset.done $0x0  }
.LBB2_2:
0x39: {  	s23 =	sshra.s32 s22, $0x2;
	[sflag:s18] =	ssyncadd.s32 $0xFFFFC000;
	p0 =	sne.s32 s22, $0x9C00  }
0x3a: {  	[spmem:s1] =	stream.indirect.scatter.add.f32 [tilespmem:s19], [sflag:$0x1], $0x80, s23, s20, $0xb8;
	[tilespmem:$0x1A400] =	vst v63  }
.Ltmp0:
0x3b: {  	_ = 	snop;
	(pc) =	sbr.rel @p0 .LBB2_2-.Ltmp0, $4  }
0x3c: {  	_ = 	snop  }
0x3d: {  	s22 =	sadd.s32 $0x200, s22  }
0x3e: {  	_ =	swait.ge [sflag:s18], $0x4000  }
0x3f: {  	[sflag:s18] =	ssyncset.done $0x0  }
0x40: {  	[sflag:s18] =	ssyncadd.s32 $0xFFFFC000  }
0x41: {  	[bflag:$0x0] =	sbarrier.arrive $0xFFFF  }
0x42: {  	[tilespmem:s19], [sflag:$0x1] =	stream.linear.gather [spmem:s7], $0x4000, $0x38;
	[tilespmem:$0x1A400] =	vst v63  }
0x43: {  	_ =	swait.ge [sflag:s18], $0x4000  }
0x44: {  	[sflag:s18] =	ssyncset.done $0x0  }
0x45: {  	[sflag:s18] =	ssyncadd.s32 $0xFFFFC000  }
0x46: {  	[hbm4b:s12+s3] =	stream.linear.scatter [tilespmem:s19], [sflag:$0x1], $0x4000, $0x38;
	[tilespmem:$0x1A400] =	vst v63  }
0x47: {  	_ =	swait.ge [sflag:s18], $0x4000  }
0x48: {  	[sflag:s18] =	ssyncset.done $0x0  }
0x49: {  	[sflag:s18] =	ssyncadd.s32 $0xFFFFC000  }
0x4a: {  	[tilespmem:s19], [sflag:$0x1] =	stream.linear.gather [spmem:s8], $0x4000, $0x38;
	[tilespmem:$0x1A400] =	vst v63  }
0x4b: {  	_ =	swait.ge [sflag:s18], $0x4000  }
0x4c: {  	[sflag:s18] =	ssyncset.done $0x0  }
0x4d: {  	[sflag:s18] =	ssyncadd.s32 $0xFFFFC000  }
0x4e: {  	[hbm4b:s13+s3] =	stream.linear.scatter [tilespmem:s19], [sflag:$0x1], $0x4000, $0x38;
	[tilespmem:$0x1A400] =	vst v63  }
0x4f: {  	_ =	swait.ge [sflag:s18], $0x4000  }
0x50: {  	[sflag:s18] =	ssyncset.done $0x0  }
0x51: {  	[sflag:s18] =	ssyncadd.s32 $0xFFFFC000  }
0x52: {  	[tilespmem:s19], [sflag:$0x1] =	stream.linear.gather [spmem:s9], $0x4000, $0x38;
	[tilespmem:$0x1A400] =	vst v63  }
0x53: {  	_ =	swait.ge [sflag:s18], $0x4000  }
0x54: {  	[sflag:s18] =	ssyncset.done $0x0  }
0x55: {  	[sflag:s18] =	ssyncadd.s32 $0xFFFFC000  }
0x56: {  	[hbm4b:s14+s3] =	stream.linear.scatter [tilespmem:s19], [sflag:$0x1], $0x4000, $0x38;
	[tilespmem:$0x1A400] =	vst v63  }
0x57: {  	_ =	swait.ge [sflag:s18], $0x4000  }
0x58: {  	[sflag:s18] =	ssyncset.done $0x0  }
0x59: {  	[sflag:s18] =	ssyncadd.s32 $0xFFFFC000  }
0x5a: {  	[tilespmem:s19], [sflag:$0x1] =	stream.linear.gather [spmem:s10], $0x4000, $0x38;
	[tilespmem:$0x1A400] =	vst v63  }
0x5b: {  	_ =	swait.ge [sflag:s18], $0x4000  }
0x5c: {  	[sflag:s18] =	ssyncset.done $0x0  }
0x5d: {  	[sflag:s18] =	ssyncadd.s32 $0xFFFFC000  }
0x5e: {  	[hbm4b:s15+s3] =	stream.linear.scatter [tilespmem:s19], [sflag:$0x1], $0x4000, $0x38;
	[tilespmem:$0x1A400] =	vst v63  }
0x5f: {  	_ =	swait.ge [sflag:s18], $0x4000  }
0x60: {  	[sflag:s18] =	ssyncset.done $0x0  }
0x61: {  	[sflag:s18] =	ssyncadd.s32 $0xFFFFC000  }
0x62: {  	[tilespmem:s19], [sflag:$0x1] =	stream.linear.gather [spmem:s11], $0x3C00, $0x38;
	[tilespmem:$0x1A400] =	vst v63  }
0x63: {  	s21 =	sadd.s32 $0x1, s21;
	_ =	swait.ge [sflag:s18], $0x3C00  }
0x64: {  	p0 =	sne.s32 s21, s17;
	[sflag:s18] =	ssyncset.done $0x0  }
.Ltmp1:
0x65: {  	[sflag:s18] =	ssyncadd.s32 $0xFFFFC400;
	(pc) =	sbr.rel @p0 .LBB2_1-.Ltmp1, $4  }
0x66: {  	[hbm4b:s16+s3] =	stream.linear.scatter [tilespmem:s19], [sflag:$0x1], $0x3C00, $0x38;
	[tilespmem:$0x1A400] =	vst v63  }
0x67: {  	_ =	swait.ge [sflag:s18], $0x3C00  }
0x68: {  	[sflag:s18] =	ssyncset.done $0x0  }
0x69: {  	[sflag:s18] =	ssyncadd.s32 $0xFFFFC400  }
0x6a: {  	_ =	sfence.sel $0x180000  }
0x6b: {  	[bflag:$0x0] =	sbarrier.arrive $0xFFFF  }
0x6c: {  	p0 =	sne.s32 s2, $0x0;
	_ =	strace $0x90000047  }
0x6d: {  	s0 =	sadd.s32 @!p0 $0x100000, s0;
	[bflag:$0x2] =	sbarrier.arrive $0xFFFF  }
0x6e: {  	[sflag:s0] =	ssyncadd.tile.s32 @!p0 $0x1;
	_ =	shalt  }
.Lfunc_end2:
_tile_overlayer_lowered:
.L_overlay_start_2:
0x6f: {  	(tag) =	ssettag $0x2  }
0x70: {  	s0 =	rddreg [dreg:$0x0];
	s2 =	stileid.u32  }
0x71: {  	s1 =	rddreg [dreg:$0x1];
	p0 =	sne.s32 s2, $0x0  }
0x72: {  	s3 =	rddreg [dreg:$0x2];
	[bflag:$0x3] =	sbarrier.arrive $0xFFFF;
	s2 =	simm.s32 @!p0 $0x1C01  }
0x73: {  	[timem:s3], [sflag:s2] =	dma.local @!p0 [hbm:s0], s1  }
0x74: {  	s0 =	simm.s32 @!p0 $0x1  }
0x75: {  	_ =	swait.ge @!p0 [sflag:s0], s1  }
0x76: {  	s1 =	ssub.s32 @!p0 $0x0, s1;
	[sflag:s0] =	ssyncset.done @!p0 $0x0  }
0x77: {  	[sflag:s0] =	ssyncadd.s32 @!p0 s1  }
0x78: {  	[bflag:$0x3] =	sbarrier.arrive $0xFFFF  }
0x79: {  	_ =	shalt  }

</sc_bundles>
